<compile_context>
chip_gen: v7x
topology: tpu7x:2x2x1
jax: 0.10.2.dev20260603
libtpu: 0.0.44.dev20260713+nightly
codegen_flags: <defaults>
</compile_context>

<pallas_src>
import functools

import jax
import jax.numpy as jnp
from jax import lax
from jax.experimental import pallas as pl
from jax.experimental.pallas import tpu as pltpu
from jax.experimental.pallas import tpu_sc as plsc

N = 10000
D = 128
NEIG = 32
NPAD = 10240
TRASH = N
NTILES = 16
NW = 32
E = 320000
B = 128
WCH = 80
WIN = 40
E_HOP = NW * WCH * B
RPT = NPAD // NTILES
ROWBLK = 400
GRID = N // ROWBLK

_mesh = plsc.VectorSubcoreMesh(core_axis_name="c", subcore_axis_name="s")


@functools.partial(
    pl.kernel,
    mesh=_mesh,
    out_type=jax.ShapeDtypeStruct((2, NPAD, D), jnp.float32),
    scratch_types=[
        pltpu.VMEM((WIN, B), jnp.int32),
        pltpu.VMEM((B, D), jnp.float32),
        pltpu.VMEM_SHARED((NPAD, D), jnp.float32),
        pltpu.SemaphoreType.DMA,
    ],
)
def _sc_degree(dst_hbm, deg_out, dst_v, const_v, acc, sem):
    c = lax.axis_index("c")
    s = lax.axis_index("s")
    w = c * NTILES + s

    def fill(val):
        def row(i, _):
            for k in range(D // 16):
                const_v[i, pl.ds(k * 16, 16)] = jnp.full((16,), val,
                                                         jnp.float32)
            return 0
        lax.fori_loop(0, B, row, 0)

    fill(0.0)
    base = pl.multiple_of(s * RPT, 8)
    for k in range(RPT // B):
        pltpu.sync_copy(const_v, acc.at[pl.ds(base + k * B, B)])
    fill(1.0)
    plsc.subcore_barrier()

    for wi in range(WCH // WIN):
        pltpu.sync_copy(dst_hbm.at[w, pl.ds(wi * WIN, WIN)], dst_v)

        def body(j, _):
            @pl.when(j >= 2)
            def _():
                pltpu.make_async_copy(const_v, acc.at[dst_v.at[j]],
                                      sem).wait()
            pltpu.async_copy(const_v, acc.at[dst_v.at[j]], sem, add=True)
            return 0
        lax.fori_loop(0, WIN, body, 0)
        for _ in range(2):
            pltpu.make_async_copy(const_v, acc.at[dst_v.at[0]], sem).wait()
    plsc.subcore_barrier()

    pltpu.sync_copy(acc.at[pl.ds(base, RPT)],
                    deg_out.at[c, pl.ds(base, RPT)])


@functools.partial(
    pl.kernel,
    mesh=_mesh,
    out_type=jax.ShapeDtypeStruct((2, NPAD, D), jnp.float32),
    scratch_types=[
        pltpu.VMEM((WIN, B), jnp.int32),
        pltpu.VMEM((WIN, B), jnp.int32),
        pltpu.VMEM((B, D), jnp.float32),
        pltpu.VMEM((B, D), jnp.float32),
        pltpu.VMEM_SHARED((NPAD, D), jnp.float32),
        pltpu.SemaphoreType.DMA,
        pltpu.SemaphoreType.DMA,
    ],
)
def _sc_hop(y_hbm, src_hbm, dst_hbm, a_out, src_v, dst_v, r0, r1,
            acc, s0, s1):
    c = lax.axis_index("c")
    s = lax.axis_index("s")
    w = c * NTILES + s
    bufs = (r0, r1)
    sems = (s0, s1)

    def zrow(i, _):
        for k in range(D // 16):
            r0[i, pl.ds(k * 16, 16)] = jnp.zeros((16,), jnp.float32)
        return 0
    lax.fori_loop(0, B, zrow, 0)
    base = pl.multiple_of(s * RPT, 8)
    for k in range(RPT // B):
        pltpu.sync_copy(r0, acc.at[pl.ds(base + k * B, B)])
    plsc.subcore_barrier()

    for wi in range(WCH // WIN):
        pltpu.sync_copy(src_hbm.at[w, pl.ds(wi * WIN, WIN)], src_v)
        pltpu.sync_copy(dst_hbm.at[w, pl.ds(wi * WIN, WIN)], dst_v)

        pltpu.async_copy(y_hbm.at[src_v.at[0]], bufs[0], sems[0])

        def macro(m, _):
            for p in range(2):
                j = m * 2 + p
                pltpu.make_async_copy(y_hbm.at[src_v.at[j]], bufs[p],
                                      sems[p]).wait()
                pltpu.async_copy(bufs[p], acc.at[dst_v.at[j]], sems[p],
                                 add=True)

                @pl.when(j + 1 < WIN)
                def _():
                    @pl.when(j >= 1)
                    def _():
                        pltpu.make_async_copy(bufs[1 - p],
                                              acc.at[dst_v.at[j]],
                                              sems[1 - p]).wait()
                    pltpu.async_copy(y_hbm.at[src_v.at[j + 1]],
                                     bufs[1 - p], sems[1 - p])
            return 0
        lax.fori_loop(0, WIN // 2, macro, 0)
        for p in range(2):
            pltpu.make_async_copy(bufs[p], acc.at[dst_v.at[0]],
                                  sems[p]).wait()
    plsc.subcore_barrier()

    pltpu.sync_copy(acc.at[pl.ds(base, RPT)],
                    a_out.at[c, pl.ds(base, RPT)])


def _tc_prep_body(f_ref, dp_ref, ev_ref, y0_ref, s_ref, dinv_ref, g_ref):
    i = pl.program_id(0)
    dp = dp_ref[...]
    deg = dp[0, :, 0] + dp[1, :, 0]
    degc = jnp.maximum(deg, 1.0)
    s = lax.rsqrt(degc)
    s_ref[...] = s[:, None]
    dinv_ref[...] = (1.0 / degc)[:, None]
    x = f_ref[...]
    y0_ref[...] = x * s[:, None]

    @pl.when(i == 0)
    def _():
        g_ref[...] = jnp.zeros_like(g_ref)

    g_ref[...] += lax.dot_general(ev_ref[...], x, (((0,), (0,)), ((), ())),
                                  preferred_element_type=jnp.float32)


def _tc_mid_body(a_ref, dinv_ref, g_ref, evals_ref, w1_ref, b1_ref, w2_ref,
                 b2_ref, w3_ref, b3_ref, wlin_ref, y1_ref, g2_ref):
    a = a_ref[0] + a_ref[1]
    di = dinv_ref[...]
    y1_ref[...] = -(a * di)

    ev = evals_ref[...].reshape(NEIG, 1)
    t = jnp.maximum(jnp.dot(ev, w1_ref[...],
                            preferred_element_type=jnp.float32)
                    + b1_ref[...][None, :], 0.0)
    t = jnp.maximum(jnp.dot(t, w2_ref[...],
                            preferred_element_type=jnp.float32)
                    + b2_ref[...][None, :], 0.0)
    filt = jnp.dot(t, w3_ref[...],
                   preferred_element_type=jnp.float32) + b3_ref[...][None, :]
    g2_ref[...] = jnp.dot(filt * g_ref[...], wlin_ref[3 * D:, :],
                          preferred_element_type=jnp.float32)


def _tc_final_body(f_ref, a1_ref, a2_ref, s_ref, ev_ref, g2_ref, wlin_ref,
                   blin_ref, out_ref):
    x = f_ref[...]
    sc = s_ref[...]
    x1 = -sc * (a1_ref[0] + a1_ref[1])
    x2 = -2.0 * sc * (a2_ref[0] + a2_ref[1]) - x
    wl = wlin_ref[...]
    acc = jnp.dot(x, wl[:D], preferred_element_type=jnp.float32)
    acc += jnp.dot(x1, wl[D:2 * D], preferred_element_type=jnp.float32)
    acc += jnp.dot(x2, wl[2 * D:3 * D], preferred_element_type=jnp.float32)
    acc += jnp.dot(ev_ref[...], g2_ref[...],
                   preferred_element_type=jnp.float32)
    out_ref[...] = jnp.maximum(acc + blin_ref[...][None, :], 0.0)


def _const_spec(shape):
    n = len(shape)
    return pl.BlockSpec(shape, lambda i: (0,) * n)


_tc_prep = pl.pallas_call(
    _tc_prep_body,
    grid=(GRID,),
    in_specs=[
        pl.BlockSpec((ROWBLK, D), lambda i: (i, 0)),
        pl.BlockSpec((2, ROWBLK, D), lambda i: (0, i, 0)),
        pl.BlockSpec((ROWBLK, NEIG), lambda i: (i, 0)),
    ],
    out_specs=[
        pl.BlockSpec((ROWBLK, D), lambda i: (i, 0)),
        pl.BlockSpec((ROWBLK, 1), lambda i: (i, 0)),
        pl.BlockSpec((ROWBLK, 1), lambda i: (i, 0)),
        pl.BlockSpec((NEIG, D), lambda i: (0, 0)),
    ],
    out_shape=[
        jax.ShapeDtypeStruct((NPAD, D), jnp.float32),
        jax.ShapeDtypeStruct((N, 1), jnp.float32),
        jax.ShapeDtypeStruct((N, 1), jnp.float32),
        jax.ShapeDtypeStruct((NEIG, D), jnp.float32),
    ],
)

_tc_mid = pl.pallas_call(
    _tc_mid_body,
    grid=(GRID,),
    in_specs=[
        pl.BlockSpec((2, ROWBLK, D), lambda i: (0, i, 0)),
        pl.BlockSpec((ROWBLK, 1), lambda i: (i, 0)),
        _const_spec((NEIG, D)),
        _const_spec((NEIG,)),
        _const_spec((1, 64)),
        _const_spec((64,)),
        _const_spec((64, 64)),
        _const_spec((64,)),
        _const_spec((64, 1)),
        _const_spec((1,)),
        _const_spec((4 * D, D)),
    ],
    out_specs=[
        pl.BlockSpec((ROWBLK, D), lambda i: (i, 0)),
        pl.BlockSpec((NEIG, D), lambda i: (0, 0)),
    ],
    out_shape=[
        jax.ShapeDtypeStruct((NPAD, D), jnp.float32),
        jax.ShapeDtypeStruct((NEIG, D), jnp.float32),
    ],
)

_tc_final = pl.pallas_call(
    _tc_final_body,
    grid=(GRID,),
    in_specs=[
        pl.BlockSpec((ROWBLK, D), lambda i: (i, 0)),
        pl.BlockSpec((2, ROWBLK, D), lambda i: (0, i, 0)),
        pl.BlockSpec((2, ROWBLK, D), lambda i: (0, i, 0)),
        pl.BlockSpec((ROWBLK, 1), lambda i: (i, 0)),
        pl.BlockSpec((ROWBLK, NEIG), lambda i: (i, 0)),
        _const_spec((NEIG, D)),
        _const_spec((4 * D, D)),
        _const_spec((D,)),
    ],
    out_specs=pl.BlockSpec((ROWBLK, D), lambda i: (i, 0)),
    out_shape=jax.ShapeDtypeStruct((N, D), jnp.float32),
)


def kernel(feature, edge_index, evecs, evals, W1, b1, W2, b2, W3, b3, Wlin,
           blin):
    src = edge_index[0]
    dst = edge_index[1]
    trash = TRASH + (jnp.arange(E_HOP - E, dtype=jnp.int32) % (NPAD - N))
    src_h = jnp.concatenate([src, trash]).reshape(NW, WCH, B)
    dst_h = jnp.concatenate([dst, trash]).reshape(NW, WCH, B)

    deg_tab = _sc_degree(dst_h)
    y0, s, dinv, g_raw = _tc_prep(feature, deg_tab, evecs)
    a1 = _sc_hop(y0, src_h, dst_h)
    y1, g2 = _tc_mid(a1, dinv, g_raw, evals, W1, b1, W2, b2, W3, b3, Wlin)
    a2 = _sc_hop(y1, src_h, dst_h)
    out = _tc_final(feature, a1, a2, s, evecs, g2, Wlin, blin)
    return out

# --- scband reference (transcript-rebuilt; emitter-appended) ---
"""Pipeline reference for scband-cheb-augmented-layer-21303037788635 (READ-ONLY COPY).

The authoritative reference and input builder live on the scoring server;
editing this copy changes nothing except your own understanding.
"""

import jax, jax.numpy as jnp
import numpy as np

N = 10000
E = 320000
D = 128
K = 3
NEIG = 32
H = 64


def setup_inputs(seed: int = 0) -> dict:
    key = jax.random.key(seed)
    ks = jax.random.split(key, 8)
    feature = jax.random.normal(ks[0], (N, D), dtype=jnp.float32)
    edge_index = jax.random.randint(ks[1], (2, E), 0, N, dtype=jnp.int32)
    # Precomputed (cached) Laplacian eigenvectors/eigenvalues; the torch layer caches
    # these per-graph in a class dict, so they are inputs, not per-step compute.
    evecs = jax.random.normal(ks[2], (N, NEIG), dtype=jnp.float32) / np.sqrt(N)
    evals = jax.random.uniform(ks[3], (NEIG,), dtype=jnp.float32) * 2.0
    W1 = jax.random.normal(ks[4], (1, H), dtype=jnp.float32) * 0.5
    b1 = jnp.zeros((H,), dtype=jnp.float32)
    W2 = jax.random.normal(ks[5], (H, H), dtype=jnp.float32) * (1.0 / np.sqrt(H))
    b2 = jnp.zeros((H,), dtype=jnp.float32)
    W3 = jax.random.normal(ks[6], (H, 1), dtype=jnp.float32) * (1.0 / np.sqrt(H))
    b3 = jnp.zeros((1,), dtype=jnp.float32)
    Wlin = jax.random.normal(ks[7], ((K + 1) * D, D), dtype=jnp.float32) * (1.0 / np.sqrt((K + 1) * D))
    blin = jnp.zeros((D,), dtype=jnp.float32)
    return {"feature": feature, "edge_index": edge_index, "evecs": evecs, "evals": evals,
            "W1": W1, "b1": b1, "W2": W2, "b2": b2, "W3": W3, "b3": b3,
            "Wlin": Wlin, "blin": blin}


def reference(feature, edge_index, evecs, evals, W1, b1, W2, b2, W3, b3, Wlin, blin):
    n = feature.shape[0]
    src = edge_index[0]
    dst = edge_index[1]
    # in-degrees (copy_u/sum aggregates onto dst)
    deg = jax.ops.segment_sum(jnp.ones((src.shape[0],), dtype=jnp.float32), dst, num_segments=n)
    d_sqrt = jnp.power(jnp.clip(deg, 1.0, None), -0.5)[:, None]

    def unn_laplacian(x):
        # D^-1/2 A D^-1/2 x via gather on src + scatter-add on dst
        msg = (x * d_sqrt)[src]
        agg = jax.ops.segment_sum(msg, dst, num_segments=n)
        return agg * d_sqrt

    lambda_max = 2.0
    re_norm = 2.0 / lambda_max
    X0 = feature
    Xt = X0
    X1 = X0
    if K > 1:
        h = unn_laplacian(X0)
        X1 = -re_norm * h + X0 * (re_norm - 1.0)
        Xt = jnp.concatenate((Xt, X1), axis=1)
    for _ in range(2, K):
        h = unn_laplacian(X1)
        Xi = -2.0 * re_norm * h + X1 * 2.0 * (re_norm - 1.0) - X0
        Xt = jnp.concatenate((Xt, Xi), axis=1)
        X1, X0 = Xi, X1
    # spectral branch: MLP filter on eigenvalues, project feat into eigenbasis and back
    ev = evals.reshape(-1, 1)
    t = jax.nn.relu(ev @ W1 + b1)
    t = jax.nn.relu(t @ W2 + b2)
    filt = t @ W3 + b3
    hs = jnp.einsum("ne,nf->ef", evecs, feature)
    hs = filt * hs
    hs = jnp.einsum("ne,ef->nf", evecs, hs)
    Xt = jnp.concatenate((Xt, hs), axis=1)
    out = Xt @ Wlin + blin
    out = jax.nn.relu(out)
    # batch_norm=False, residual=False, dropout=0.0 -> identity
    return out

if __name__ == "__main__":
    import jax
    _d = setup_inputs()
    print(jax.jit(kernel)(*tuple(_d.values())))

</pallas_src>

<mosaic_0001>
#map = affine_map<(d0, d1) -> (0, 0)>
#map1 = affine_map<(d0, d1) -> (0, 0, 0)>
module attributes {stable_mosaic.version = 14 : i64} {
  func.func @_sc_hop(%arg0: i32, %arg1: i32, %arg2: memref<10240x128xf32, #tpu.memory_space<hbm>>, %arg3: memref<32x80x128xi32, #tpu.memory_space<hbm>>, %arg4: memref<32x80x128xi32, #tpu.memory_space<hbm>>, %arg5: memref<2x10240x128xf32, #tpu.memory_space<hbm>>, %arg6: memref<40x128xi32, #tpu.memory_space<vmem>>, %arg7: memref<40x128xi32, #tpu.memory_space<vmem>>, %arg8: memref<128x128xf32, #tpu.memory_space<vmem>>, %arg9: memref<128x128xf32, #tpu.memory_space<vmem>>, %arg10: memref<10240x128xf32, #tpu.memory_space<vmem_shared>>, %arg11: memref<!tpu.dma_semaphore, #tpu.memory_space<semaphore_mem>>, %arg12: memref<!tpu.dma_semaphore, #tpu.memory_space<semaphore_mem>>) attributes {dimension_semantics = [#tpu.dimension_semantics<core_parallel>, #tpu.dimension_semantics<subcore_parallel>], iteration_bounds = array<i64: 2, 16>, scalar_prefetch = 0 : i64, scratch_operands = 7 : i64, tpu.core_type = #tpu.core_type<sc_vector_subcore>, window_params = [{transform_indices = #map}, {transform_indices = #map1}, {transform_indices = #map1}, {transform_indices = #map1}]} {
    %mul3A = arith.constant 16 : i32
    %mul3A_0 = arith.muli %arg0, %mul3A : i32
    %add3A = arith.addi %mul3A_0, %arg1 : i32
    %scan3A = arith.constant 0 : i32
    %scan3A_1 = arith.constant 0 : i32
    %scan3A_2 = arith.constant 128 : i32
    %scan3A_3 = arith.addi %scan3A_1, %scan3A_2 : i32
    %scan3A_4 = arith.constant 1 : i32
    %scan3A_5 = scf.for %scan3A_74 = %scan3A_1 to %scan3A_3 step %scan3A_4 iter_args(%scan3A_75 = %scan3A) -> (i32)  : i32 {
      %broadcast_in_dim3A = arith.constant 0.000000e+00 : f32
      %broadcast_in_dim3A_76 = vector.broadcast %broadcast_in_dim3A : f32 to vector<16xf32>
      %swap3A = arith.index_cast %scan3A_74 : i32 to index
      %swap3A_77 = arith.constant 0 : index
      %swap3A_78 = tpu.vector_load %arg8[%swap3A, %swap3A_77] {strides = array<i32>} : memref<128x128xf32, #tpu.memory_space<vmem>>, vector<1x16xf32>,
      %swap3A_79 = vector.shape_cast %swap3A_78 : vector<1x16xf32> to vector<16xf32>
      %swap3A_80 = vector.shape_cast %broadcast_in_dim3A_76 : vector<16xf32> to vector<1x16xf32>
      tpu.vector_store %arg8[%swap3A, %swap3A_77], %swap3A_80 {strides = array<i32>} : memref<128x128xf32, #tpu.memory_space<vmem>>, vector<1x16xf32>,
      %broadcast_in_dim3A_81 = arith.constant 0.000000e+00 : f32
      %broadcast_in_dim3A_82 = vector.broadcast %broadcast_in_dim3A_81 : f32 to vector<16xf32>
      %swap3A_83 = arith.index_cast %scan3A_74 : i32 to index
      %swap3A_84 = arith.constant 16 : index
      %swap3A_85 = tpu.vector_load %arg8[%swap3A_83, %swap3A_84] {strides = array<i32>} : memref<128x128xf32, #tpu.memory_space<vmem>>, vector<1x16xf32>,
      %swap3A_86 = vector.shape_cast %swap3A_85 : vector<1x16xf32> to vector<16xf32>
      %swap3A_87 = vector.shape_cast %broadcast_in_dim3A_82 : vector<16xf32> to vector<1x16xf32>
      tpu.vector_store %arg8[%swap3A_83, %swap3A_84], %swap3A_87 {strides = array<i32>} : memref<128x128xf32, #tpu.memory_space<vmem>>, vector<1x16xf32>,
      %broadcast_in_dim3A_88 = arith.constant 0.000000e+00 : f32
      %broadcast_in_dim3A_89 = vector.broadcast %broadcast_in_dim3A_88 : f32 to vector<16xf32>
      %swap3A_90 = arith.index_cast %scan3A_74 : i32 to index
      %swap3A_91 = arith.constant 32 : index
      %swap3A_92 = tpu.vector_load %arg8[%swap3A_90, %swap3A_91] {strides = array<i32>} : memref<128x128xf32, #tpu.memory_space<vmem>>, vector<1x16xf32>,
      %swap3A_93 = vector.shape_cast %swap3A_92 : vector<1x16xf32> to vector<16xf32>
      %swap3A_94 = vector.shape_cast %broadcast_in_dim3A_89 : vector<16xf32> to vector<1x16xf32>
      tpu.vector_store %arg8[%swap3A_90, %swap3A_91], %swap3A_94 {strides = array<i32>} : memref<128x128xf32, #tpu.memory_space<vmem>>, vector<1x16xf32>,
      %broadcast_in_dim3A_95 = arith.constant 0.000000e+00 : f32
      %broadcast_in_dim3A_96 = vector.broadcast %broadcast_in_dim3A_95 : f32 to vector<16xf32>
      %swap3A_97 = arith.index_cast %scan3A_74 : i32 to index
      %swap3A_98 = arith.constant 48 : index
      %swap3A_99 = tpu.vector_load %arg8[%swap3A_97, %swap3A_98] {strides = array<i32>} : memref<128x128xf32, #tpu.memory_space<vmem>>, vector<1x16xf32>,
      %swap3A_100 = vector.shape_cast %swap3A_99 : vector<1x16xf32> to vector<16xf32>
      %swap3A_101 = vector.shape_cast %broadcast_in_dim3A_96 : vector<16xf32> to vector<1x16xf32>
      tpu.vector_store %arg8[%swap3A_97, %swap3A_98], %swap3A_101 {strides = array<i32>} : memref<128x128xf32, #tpu.memory_space<vmem>>, vector<1x16xf32>,
      %broadcast_in_dim3A_102 = arith.constant 0.000000e+00 : f32
      %broadcast_in_dim3A_103 = vector.broadcast %broadcast_in_dim3A_102 : f32 to vector<16xf32>
      %swap3A_104 = arith.index_cast %scan3A_74 : i32 to index
      %swap3A_105 = arith.constant 64 : index
      %swap3A_106 = tpu.vector_load %arg8[%swap3A_104, %swap3A_105] {strides = array<i32>} : memref<128x128xf32, #tpu.memory_space<vmem>>, vector<1x16xf32>,
      %swap3A_107 = vector.shape_cast %swap3A_106 : vector<1x16xf32> to vector<16xf32>
      %swap3A_108 = vector.shape_cast %broadcast_in_dim3A_103 : vector<16xf32> to vector<1x16xf32>
      tpu.vector_store %arg8[%swap3A_104, %swap3A_105], %swap3A_108 {strides = array<i32>} : memref<128x128xf32, #tpu.memory_space<vmem>>, vector<1x16xf32>,
      %broadcast_in_dim3A_109 = arith.constant 0.000000e+00 : f32
      %broadcast_in_dim3A_110 = vector.broadcast %broadcast_in_dim3A_109 : f32 to vector<16xf32>
      %swap3A_111 = arith.index_cast %scan3A_74 : i32 to index
      %swap3A_112 = arith.constant 80 : index
      %swap3A_113 = tpu.vector_load %arg8[%swap3A_111, %swap3A_112] {strides = array<i32>} : memref<128x128xf32, #tpu.memory_space<vmem>>, vector<1x16xf32>,
      %swap3A_114 = vector.shape_cast %swap3A_113 : vector<1x16xf32> to vector<16xf32>
      %swap3A_115 = vector.shape_cast %broadcast_in_dim3A_110 : vector<16xf32> to vector<1x16xf32>
      tpu.vector_store %arg8[%swap3A_111, %swap3A_112], %swap3A_115 {strides = array<i32>} : memref<128x128xf32, #tpu.memory_space<vmem>>, vector<1x16xf32>,
      %broadcast_in_dim3A_116 = arith.constant 0.000000e+00 : f32
      %broadcast_in_dim3A_117 = vector.broadcast %broadcast_in_dim3A_116 : f32 to vector<16xf32>
      %swap3A_118 = arith.index_cast %scan3A_74 : i32 to index
      %swap3A_119 = arith.constant 96 : index
      %swap3A_120 = tpu.vector_load %arg8[%swap3A_118, %swap3A_119] {strides = array<i32>} : memref<128x128xf32, #tpu.memory_space<vmem>>, vector<1x16xf32>,
      %swap3A_121 = vector.shape_cast %swap3A_120 : vector<1x16xf32> to vector<16xf32>
      %swap3A_122 = vector.shape_cast %broadcast_in_dim3A_117 : vector<16xf32> to vector<1x16xf32>
      tpu.vector_store %arg8[%swap3A_118, %swap3A_119], %swap3A_122 {strides = array<i32>} : memref<128x128xf32, #tpu.memory_space<vmem>>, vector<1x16xf32>,
      %broadcast_in_dim3A_123 = arith.constant 0.000000e+00 : f32
      %broadcast_in_dim3A_124 = vector.broadcast %broadcast_in_dim3A_123 : f32 to vector<16xf32>
      %swap3A_125 = arith.index_cast %scan3A_74 : i32 to index
      %swap3A_126 = arith.constant 112 : index
      %swap3A_127 = tpu.vector_load %arg8[%swap3A_125, %swap3A_126] {strides = array<i32>} : memref<128x128xf32, #tpu.memory_space<vmem>>, vector<1x16xf32>,
      %swap3A_128 = vector.shape_cast %swap3A_127 : vector<1x16xf32> to vector<16xf32>
      %swap3A_129 = vector.shape_cast %broadcast_in_dim3A_124 : vector<16xf32> to vector<1x16xf32>
      tpu.vector_store %arg8[%swap3A_125, %swap3A_126], %swap3A_129 {strides = array<i32>} : memref<128x128xf32, #tpu.memory_space<vmem>>, vector<1x16xf32>,
      %scan3A_130 = arith.constant 0 : i32
      scf.yield %scan3A_130 : i32
    }
    %scan3A_6 = arith.constant 128 : i32
    %mul3A_7 = arith.constant 640 : i32
    %mul3A_8 = arith.muli %arg1, %mul3A_7 : i32
    %multiple_of3A = tpu.assume_multiple %mul3A_8, 8 : i32
    %add3A_9 = arith.constant 0 : i32
    %add3A_10 = arith.addi %multiple_of3A, %add3A_9 : i32
    "tpu.region"() ({
      %run_scoped3A = tpu.sem_alloc : memref<!tpu.dma_semaphore, #tpu.memory_space<semaphore_mem>>
      %dma_start3A_74 = arith.constant 0 : i32
      %dma_start3A_75 = tpu.memref_slice %arg10[%add3A_10, %dma_start3A_74] : memref<10240x128xf32, #tpu.memory_space<vmem_shared>> -> memref<128x128xf32, #tpu.memory_space<vmem_shared>>
      %dma_start3A_76 = arith.constant 0 : i32
      %dma_start3A_77 = tpu.memref_slice %arg10[%add3A_10, %dma_start3A_76] : memref<10240x128xf32, #tpu.memory_space<vmem_shared>> -> memref<128x128xf32, #tpu.memory_space<vmem_shared>>
      tpu.enqueue_dma source(%arg8 : memref<128x128xf32, #tpu.memory_space<vmem>>) target(%dma_start3A_77 : memref<128x128xf32, #tpu.memory_space<vmem_shared>>) target_semaphore(%run_scoped3A : memref<!tpu.dma_semaphore, #tpu.memory_space<semaphore_mem>>)
      %dma_wait3A_78 = arith.constant 0 : i32
      %dma_wait3A_79 = tpu.memref_slice %arg10[%add3A_10, %dma_wait3A_78] : memref<10240x128xf32, #tpu.memory_space<vmem_shared>> -> memref<128x128xf32, #tpu.memory_space<vmem_shared>>
      %dma_wait3A_80 = arith.constant 0 : i32
      %dma_wait3A_81 = tpu.memref_slice %arg10[%add3A_10, %dma_wait3A_80] : memref<10240x128xf32, #tpu.memory_space<vmem_shared>> -> memref<128x128xf32, #tpu.memory_space<vmem_shared>>
      tpu.wait_dma2 semaphore(%run_scoped3A : memref<!tpu.dma_semaphore, #tpu.memory_space<semaphore_mem>>) src(%arg8 : memref<128x128xf32, #tpu.memory_space<vmem>>) dst(%dma_wait3A_81 : memref<128x128xf32, #tpu.memory_space<vmem_shared>>)
      tpu.yield
    }) : () -> ()
    %add3A_11 = arith.constant 128 : i32
    %add3A_12 = arith.addi %multiple_of3A, %add3A_11 : i32
    "tpu.region"() ({
      %run_scoped3A = tpu.sem_alloc : memref<!tpu.dma_semaphore, #tpu.memory_space<semaphore_mem>>
      %dma_start3A_74 = arith.constant 0 : i32
      %dma_start3A_75 = tpu.memref_slice %arg10[%add3A_12, %dma_start3A_74] : memref<10240x128xf32, #tpu.memory_space<vmem_shared>> -> memref<128x128xf32, #tpu.memory_space<vmem_shared>>
      %dma_start3A_76 = arith.constant 0 : i32
      %dma_start3A_77 = tpu.memref_slice %arg10[%add3A_12, %dma_start3A_76] : memref<10240x128xf32, #tpu.memory_space<vmem_shared>> -> memref<128x128xf32, #tpu.memory_space<vmem_shared>>
      tpu.enqueue_dma source(%arg8 : memref<128x128xf32, #tpu.memory_space<vmem>>) target(%dma_start3A_77 : memref<128x128xf32, #tpu.memory_space<vmem_shared>>) target_semaphore(%run_scoped3A : memref<!tpu.dma_semaphore, #tpu.memory_space<semaphore_mem>>)
      %dma_wait3A_78 = arith.constant 0 : i32
      %dma_wait3A_79 = tpu.memref_slice %arg10[%add3A_12, %dma_wait3A_78] : memref<10240x128xf32, #tpu.memory_space<vmem_shared>> -> memref<128x128xf32, #tpu.memory_space<vmem_shared>>
      %dma_wait3A_80 = arith.constant 0 : i32
      %dma_wait3A_81 = tpu.memref_slice %arg10[%add3A_12, %dma_wait3A_80] : memref<10240x128xf32, #tpu.memory_space<vmem_shared>> -> memref<128x128xf32, #tpu.memory_space<vmem_shared>>
      tpu.wait_dma2 semaphore(%run_scoped3A : memref<!tpu.dma_semaphore, #tpu.memory_space<semaphore_mem>>) src(%arg8 : memref<128x128xf32, #tpu.memory_space<vmem>>) dst(%dma_wait3A_81 : memref<128x128xf32, #tpu.memory_space<vmem_shared>>)
      tpu.yield
    }) : () -> ()
    %add3A_13 = arith.constant 256 : i32
    %add3A_14 = arith.addi %multiple_of3A, %add3A_13 : i32
    "tpu.region"() ({
      %run_scoped3A = tpu.sem_alloc : memref<!tpu.dma_semaphore, #tpu.memory_space<semaphore_mem>>
      %dma_start3A_74 = arith.constant 0 : i32
      %dma_start3A_75 = tpu.memref_slice %arg10[%add3A_14, %dma_start3A_74] : memref<10240x128xf32, #tpu.memory_space<vmem_shared>> -> memref<128x128xf32, #tpu.memory_space<vmem_shared>>
      %dma_start3A_76 = arith.constant 0 : i32
      %dma_start3A_77 = tpu.memref_slice %arg10[%add3A_14, %dma_start3A_76] : memref<10240x128xf32, #tpu.memory_space<vmem_shared>> -> memref<128x128xf32, #tpu.memory_space<vmem_shared>>
      tpu.enqueue_dma source(%arg8 : memref<128x128xf32, #tpu.memory_space<vmem>>) target(%dma_start3A_77 : memref<128x128xf32, #tpu.memory_space<vmem_shared>>) target_semaphore(%run_scoped3A : memref<!tpu.dma_semaphore, #tpu.memory_space<semaphore_mem>>)
      %dma_wait3A_78 = arith.constant 0 : i32
      %dma_wait3A_79 = tpu.memref_slice %arg10[%add3A_14, %dma_wait3A_78] : memref<10240x128xf32, #tpu.memory_space<vmem_shared>> -> memref<128x128xf32, #tpu.memory_space<vmem_shared>>
      %dma_wait3A_80 = arith.constant 0 : i32
      %dma_wait3A_81 = tpu.memref_slice %arg10[%add3A_14, %dma_wait3A_80] : memref<10240x128xf32, #tpu.memory_space<vmem_shared>> -> memref<128x128xf32, #tpu.memory_space<vmem_shared>>
      tpu.wait_dma2 semaphore(%run_scoped3A : memref<!tpu.dma_semaphore, #tpu.memory_space<semaphore_mem>>) src(%arg8 : memref<128x128xf32, #tpu.memory_space<vmem>>) dst(%dma_wait3A_81 : memref<128x128xf32, #tpu.memory_space<vmem_shared>>)
      tpu.yield
    }) : () -> ()
    %add3A_15 = arith.constant 384 : i32
    %add3A_16 = arith.addi %multiple_of3A, %add3A_15 : i32
    "tpu.region"() ({
      %run_scoped3A = tpu.sem_alloc : memref<!tpu.dma_semaphore, #tpu.memory_space<semaphore_mem>>
      %dma_start3A_74 = arith.constant 0 : i32
      %dma_start3A_75 = tpu.memref_slice %arg10[%add3A_16, %dma_start3A_74] : memref<10240x128xf32, #tpu.memory_space<vmem_shared>> -> memref<128x128xf32, #tpu.memory_space<vmem_shared>>
      %dma_start3A_76 = arith.constant 0 : i32
      %dma_start3A_77 = tpu.memref_slice %arg10[%add3A_16, %dma_start3A_76] : memref<10240x128xf32, #tpu.memory_space<vmem_shared>> -> memref<128x128xf32, #tpu.memory_space<vmem_shared>>
      tpu.enqueue_dma source(%arg8 : memref<128x128xf32, #tpu.memory_space<vmem>>) target(%dma_start3A_77 : memref<128x128xf32, #tpu.memory_space<vmem_shared>>) target_semaphore(%run_scoped3A : memref<!tpu.dma_semaphore, #tpu.memory_space<semaphore_mem>>)
      %dma_wait3A_78 = arith.constant 0 : i32
      %dma_wait3A_79 = tpu.memref_slice %arg10[%add3A_16, %dma_wait3A_78] : memref<10240x128xf32, #tpu.memory_space<vmem_shared>> -> memref<128x128xf32, #tpu.memory_space<vmem_shared>>
      %dma_wait3A_80 = arith.constant 0 : i32
      %dma_wait3A_81 = tpu.memref_slice %arg10[%add3A_16, %dma_wait3A_80] : memref<10240x128xf32, #tpu.memory_space<vmem_shared>> -> memref<128x128xf32, #tpu.memory_space<vmem_shared>>
      tpu.wait_dma2 semaphore(%run_scoped3A : memref<!tpu.dma_semaphore, #tpu.memory_space<semaphore_mem>>) src(%arg8 : memref<128x128xf32, #tpu.memory_space<vmem>>) dst(%dma_wait3A_81 : memref<128x128xf32, #tpu.memory_space<vmem_shared>>)
      tpu.yield
    }) : () -> ()
    %add3A_17 = arith.constant 512 : i32
    %add3A_18 = arith.addi %multiple_of3A, %add3A_17 : i32
    "tpu.region"() ({
      %run_scoped3A = tpu.sem_alloc : memref<!tpu.dma_semaphore, #tpu.memory_space<semaphore_mem>>
      %dma_start3A_74 = arith.constant 0 : i32
      %dma_start3A_75 = tpu.memref_slice %arg10[%add3A_18, %dma_start3A_74] : memref<10240x128xf32, #tpu.memory_space<vmem_shared>> -> memref<128x128xf32, #tpu.memory_space<vmem_shared>>
      %dma_start3A_76 = arith.constant 0 : i32
      %dma_start3A_77 = tpu.memref_slice %arg10[%add3A_18, %dma_start3A_76] : memref<10240x128xf32, #tpu.memory_space<vmem_shared>> -> memref<128x128xf32, #tpu.memory_space<vmem_shared>>
      tpu.enqueue_dma source(%arg8 : memref<128x128xf32, #tpu.memory_space<vmem>>) target(%dma_start3A_77 : memref<128x128xf32, #tpu.memory_space<vmem_shared>>) target_semaphore(%run_scoped3A : memref<!tpu.dma_semaphore, #tpu.memory_space<semaphore_mem>>)
      %dma_wait3A_78 = arith.constant 0 : i32
      %dma_wait3A_79 = tpu.memref_slice %arg10[%add3A_18, %dma_wait3A_78] : memref<10240x128xf32, #tpu.memory_space<vmem_shared>> -> memref<128x128xf32, #tpu.memory_space<vmem_shared>>
      %dma_wait3A_80 = arith.constant 0 : i32
      %dma_wait3A_81 = tpu.memref_slice %arg10[%add3A_18, %dma_wait3A_80] : memref<10240x128xf32, #tpu.memory_space<vmem_shared>> -> memref<128x128xf32, #tpu.memory_space<vmem_shared>>
      tpu.wait_dma2 semaphore(%run_scoped3A : memref<!tpu.dma_semaphore, #tpu.memory_space<semaphore_mem>>) src(%arg8 : memref<128x128xf32, #tpu.memory_space<vmem>>) dst(%dma_wait3A_81 : memref<128x128xf32, #tpu.memory_space<vmem_shared>>)
      tpu.yield
    }) : () -> ()
    %barrier3A = arith.constant 0 : index
    tpu.barrier barrier_id(%barrier3A)
    "tpu.region"() ({
      %run_scoped3A = tpu.sem_alloc : memref<!tpu.dma_semaphore, #tpu.memory_space<semaphore_mem>>
      %dma_start3A_74 = arith.constant 0 : i32
      %dma_start3A_75 = arith.constant 0 : i32
      %dma_start3A_76 = tpu.memref_slice %arg3[%add3A, %dma_start3A_74, %dma_start3A_75] : memref<32x80x128xi32, #tpu.memory_space<hbm>> -> memref<1x40x128xi32, #tpu.memory_space<hbm>>
      %dma_start3A_77 = tpu.memref_squeeze %dma_start3A_76 : memref<1x40x128xi32, #tpu.memory_space<hbm>> -> memref<40x128xi32, #tpu.memory_space<hbm>>
      %dma_start3A_78 = arith.constant 0 : i32
      %dma_start3A_79 = arith.constant 0 : i32
      %dma_start3A_80 = tpu.memref_slice %arg3[%add3A, %dma_start3A_78, %dma_start3A_79] : memref<32x80x128xi32, #tpu.memory_space<hbm>> -> memref<1x40x128xi32, #tpu.memory_space<hbm>>
      %dma_start3A_81 = tpu.memref_squeeze %dma_start3A_80 : memref<1x40x128xi32, #tpu.memory_space<hbm>> -> memref<40x128xi32, #tpu.memory_space<hbm>>
      tpu.enqueue_dma source(%dma_start3A_81 : memref<40x128xi32, #tpu.memory_space<hbm>>) target(%arg6 : memref<40x128xi32, #tpu.memory_space<vmem>>) target_semaphore(%run_scoped3A : memref<!tpu.dma_semaphore, #tpu.memory_space<semaphore_mem>>)
      %dma_wait3A_82 = arith.constant 0 : i32
      %dma_wait3A_83 = arith.constant 0 : i32
      %dma_wait3A_84 = tpu.memref_slice %arg3[%add3A, %dma_wait3A_82, %dma_wait3A_83] : memref<32x80x128xi32, #tpu.memory_space<hbm>> -> memref<1x40x128xi32, #tpu.memory_space<hbm>>
      %dma_wait3A_85 = tpu.memref_squeeze %dma_wait3A_84 : memref<1x40x128xi32, #tpu.memory_space<hbm>> -> memref<40x128xi32, #tpu.memory_space<hbm>>
      %dma_wait3A_86 = arith.constant 0 : i32
      %dma_wait3A_87 = arith.constant 0 : i32
      %dma_wait3A_88 = tpu.memref_slice %arg3[%add3A, %dma_wait3A_86, %dma_wait3A_87] : memref<32x80x128xi32, #tpu.memory_space<hbm>> -> memref<1x40x128xi32, #tpu.memory_space<hbm>>
      %dma_wait3A_89 = tpu.memref_squeeze %dma_wait3A_88 : memref<1x40x128xi32, #tpu.memory_space<hbm>> -> memref<40x128xi32, #tpu.memory_space<hbm>>
      tpu.wait_dma2 semaphore(%run_scoped3A : memref<!tpu.dma_semaphore, #tpu.memory_space<semaphore_mem>>) src(%dma_wait3A_89 : memref<40x128xi32, #tpu.memory_space<hbm>>) dst(%arg6 : memref<40x128xi32, #tpu.memory_space<vmem>>)
      tpu.yield
    }) : () -> ()
    "tpu.region"() ({
      %run_scoped3A = tpu.sem_alloc : memref<!tpu.dma_semaphore, #tpu.memory_space<semaphore_mem>>
      %dma_start3A_74 = arith.constant 0 : i32
      %dma_start3A_75 = arith.constant 0 : i32
      %dma_start3A_76 = tpu.memref_slice %arg4[%add3A, %dma_start3A_74, %dma_start3A_75] : memref<32x80x128xi32, #tpu.memory_space<hbm>> -> memref<1x40x128xi32, #tpu.memory_space<hbm>>
      %dma_start3A_77 = tpu.memref_squeeze %dma_start3A_76 : memref<1x40x128xi32, #tpu.memory_space<hbm>> -> memref<40x128xi32, #tpu.memory_space<hbm>>
      %dma_start3A_78 = arith.constant 0 : i32
      %dma_start3A_79 = arith.constant 0 : i32
      %dma_start3A_80 = tpu.memref_slice %arg4[%add3A, %dma_start3A_78, %dma_start3A_79] : memref<32x80x128xi32, #tpu.memory_space<hbm>> -> memref<1x40x128xi32, #tpu.memory_space<hbm>>
      %dma_start3A_81 = tpu.memref_squeeze %dma_start3A_80 : memref<1x40x128xi32, #tpu.memory_space<hbm>> -> memref<40x128xi32, #tpu.memory_space<hbm>>
      tpu.enqueue_dma source(%dma_start3A_81 : memref<40x128xi32, #tpu.memory_space<hbm>>) target(%arg7 : memref<40x128xi32, #tpu.memory_space<vmem>>) target_semaphore(%run_scoped3A : memref<!tpu.dma_semaphore, #tpu.memory_space<semaphore_mem>>)
      %dma_wait3A_82 = arith.constant 0 : i32
      %dma_wait3A_83 = arith.constant 0 : i32
      %dma_wait3A_84 = tpu.memref_slice %arg4[%add3A, %dma_wait3A_82, %dma_wait3A_83] : memref<32x80x128xi32, #tpu.memory_space<hbm>> -> memref<1x40x128xi32, #tpu.memory_space<hbm>>
      %dma_wait3A_85 = tpu.memref_squeeze %dma_wait3A_84 : memref<1x40x128xi32, #tpu.memory_space<hbm>> -> memref<40x128xi32, #tpu.memory_space<hbm>>
      %dma_wait3A_86 = arith.constant 0 : i32
      %dma_wait3A_87 = arith.constant 0 : i32
      %dma_wait3A_88 = tpu.memref_slice %arg4[%add3A, %dma_wait3A_86, %dma_wait3A_87] : memref<32x80x128xi32, #tpu.memory_space<hbm>> -> memref<1x40x128xi32, #tpu.memory_space<hbm>>
      %dma_wait3A_89 = tpu.memref_squeeze %dma_wait3A_88 : memref<1x40x128xi32, #tpu.memory_space<hbm>> -> memref<40x128xi32, #tpu.memory_space<hbm>>
      tpu.wait_dma2 semaphore(%run_scoped3A : memref<!tpu.dma_semaphore, #tpu.memory_space<semaphore_mem>>) src(%dma_wait3A_89 : memref<40x128xi32, #tpu.memory_space<hbm>>) dst(%arg7 : memref<40x128xi32, #tpu.memory_space<vmem>>)
      tpu.yield
    }) : () -> ()
    %dma_start3A = arith.constant 0 : i32
    %dma_start3A_19 = arith.constant 0 : i32
    %dma_start3A_20 = tpu.memref_slice %arg6[%dma_start3A, %dma_start3A_19] : memref<40x128xi32, #tpu.memory_space<vmem>> -> memref<1x128xi32, #tpu.memory_space<vmem>>
    %dma_start3A_21 = tpu.memref_squeeze %dma_start3A_20 : memref<1x128xi32, #tpu.memory_space<vmem>> -> memref<128xi32, #tpu.memory_space<vmem>>
    %dma_start3A_22 = arith.constant 0 : i32
    %dma_start3A_23 = arith.constant 0 : i32
    %dma_start3A_24 = tpu.memref_slice %arg2[%dma_start3A_22, %dma_start3A_23] : memref<10240x128xf32, #tpu.memory_space<hbm>> -> memref<10240x128xf32, #tpu.memory_space<hbm>>
    tpu.enqueue_indirect_dma source(%dma_start3A_24 : memref<10240x128xf32, #tpu.memory_space<hbm>>) target(%arg8 : memref<128x128xf32, #tpu.memory_space<vmem>>) offsets(%dma_start3A_21 : memref<128xi32, #tpu.memory_space<vmem>>) semaphore(%arg11 : memref<!tpu.dma_semaphore, #tpu.memory_space<semaphore_mem>>)
    %scan3A_25 = arith.constant 0 : i32
    %scan3A_26 = arith.constant 0 : i32
    %scan3A_27 = arith.constant 20 : i32
    %scan3A_28 = arith.addi %scan3A_26, %scan3A_27 : i32
    %scan3A_29 = arith.constant 1 : i32
    %scan3A_30 = scf.for %scan3A_74 = %scan3A_26 to %scan3A_28 step %scan3A_29 iter_args(%scan3A_75 = %scan3A_25) -> (i32)  : i32 {
      %mul3A_76 = arith.constant 2 : i32
      %mul3A_77 = arith.muli %scan3A_74, %mul3A_76 : i32
      %add3A_78 = arith.constant 0 : i32
      %add3A_79 = arith.addi %mul3A_77, %add3A_78 : i32
      %dma_wait3A_80 = arith.constant 0 : i32
      %dma_wait3A_81 = tpu.memref_slice %arg6[%add3A_79, %dma_wait3A_80] : memref<40x128xi32, #tpu.memory_space<vmem>> -> memref<1x128xi32, #tpu.memory_space<vmem>>
      %dma_wait3A_82 = tpu.memref_squeeze %dma_wait3A_81 : memref<1x128xi32, #tpu.memory_space<vmem>> -> memref<128xi32, #tpu.memory_space<vmem>>
      %dma_wait3A_83 = arith.constant 0 : i32
      %dma_wait3A_84 = arith.constant 0 : i32
      %dma_wait3A_85 = tpu.memref_slice %arg2[%dma_wait3A_83, %dma_wait3A_84] : memref<10240x128xf32, #tpu.memory_space<hbm>> -> memref<10240x128xf32, #tpu.memory_space<hbm>>
      tpu.wait_indirect_dma semaphore(%arg11 : memref<!tpu.dma_semaphore, #tpu.memory_space<semaphore_mem>>) src(%dma_wait3A_85 : memref<10240x128xf32, #tpu.memory_space<hbm>>) dst(%arg8 : memref<128x128xf32, #tpu.memory_space<vmem>>)
      %dma_start3A_86 = arith.constant 0 : i32
      %dma_start3A_87 = tpu.memref_slice %arg7[%add3A_79, %dma_start3A_86] : memref<40x128xi32, #tpu.memory_space<vmem>> -> memref<1x128xi32, #tpu.memory_space<vmem>>
      %dma_start3A_88 = tpu.memref_squeeze %dma_start3A_87 : memref<1x128xi32, #tpu.memory_space<vmem>> -> memref<128xi32, #tpu.memory_space<vmem>>
      %dma_start3A_89 = arith.constant 0 : i32
      %dma_start3A_90 = arith.constant 0 : i32
      %dma_start3A_91 = tpu.memref_slice %arg10[%dma_start3A_89, %dma_start3A_90] : memref<10240x128xf32, #tpu.memory_space<vmem_shared>> -> memref<10240x128xf32, #tpu.memory_space<vmem_shared>>
      tpu.enqueue_indirect_dma source(%arg8 : memref<128x128xf32, #tpu.memory_space<vmem>>) target(%dma_start3A_91 : memref<10240x128xf32, #tpu.memory_space<vmem_shared>>) offsets(%dma_start3A_88 : memref<128xi32, #tpu.memory_space<vmem>>) semaphore(%arg11 : memref<!tpu.dma_semaphore, #tpu.memory_space<semaphore_mem>>) {add = true}
      %add3A_92 = arith.constant 1 : i32
      %add3A_93 = arith.addi %add3A_79, %add3A_92 : i32
      %lt3A = arith.constant 40 : i32
      %lt3A_94 = arith.cmpi slt, %add3A_93, %lt3A : i32
      %convert_element_type3A = arith.extui %lt3A_94 : i1 to i32
      %cond3A = arith.constant 0 : i32
      %cond3A_95 = arith.cmpi ne, %convert_element_type3A, %cond3A : i32
      scf.if %cond3A_95 {
        %ge3A = arith.constant 1 : i32
        %ge3A_120 = arith.cmpi sge, %add3A_79, %ge3A : i32
        %convert_element_type3A_121 = arith.extui %ge3A_120 : i1 to i32
        %cond3A_122 = arith.constant 0 : i32
        %cond3A_123 = arith.cmpi ne, %convert_element_type3A_121, %cond3A_122 : i32
        scf.if %cond3A_123 {
          %dma_wait3A_132 = arith.constant 0 : i32
          %dma_wait3A_133 = tpu.memref_slice %arg7[%add3A_79, %dma_wait3A_132] : memref<40x128xi32, #tpu.memory_space<vmem>> -> memref<1x128xi32, #tpu.memory_space<vmem>>
          %dma_wait3A_134 = tpu.memref_squeeze %dma_wait3A_133 : memref<1x128xi32, #tpu.memory_space<vmem>> -> memref<128xi32, #tpu.memory_space<vmem>>
          %dma_wait3A_135 = arith.constant 0 : i32
          %dma_wait3A_136 = arith.constant 0 : i32
          %dma_wait3A_137 = tpu.memref_slice %arg10[%dma_wait3A_135, %dma_wait3A_136] : memref<10240x128xf32, #tpu.memory_space<vmem_shared>> -> memref<10240x128xf32, #tpu.memory_space<vmem_shared>>
          tpu.wait_indirect_dma semaphore(%arg12 : memref<!tpu.dma_semaphore, #tpu.memory_space<semaphore_mem>>) src(%arg9 : memref<128x128xf32, #tpu.memory_space<vmem>>) dst(%dma_wait3A_137 : memref<10240x128xf32, #tpu.memory_space<vmem_shared>>)
        } else {
        }
        %add3A_124 = arith.constant 1 : i32
        %add3A_125 = arith.addi %add3A_79, %add3A_124 : i32
        %dma_start3A_126 = arith.constant 0 : i32
        %dma_start3A_127 = tpu.memref_slice %arg6[%add3A_125, %dma_start3A_126] : memref<40x128xi32, #tpu.memory_space<vmem>> -> memref<1x128xi32, #tpu.memory_space<vmem>>
        %dma_start3A_128 = tpu.memref_squeeze %dma_start3A_127 : memref<1x128xi32, #tpu.memory_space<vmem>> -> memref<128xi32, #tpu.memory_space<vmem>>
        %dma_start3A_129 = arith.constant 0 : i32
        %dma_start3A_130 = arith.constant 0 : i32
        %dma_start3A_131 = tpu.memref_slice %arg2[%dma_start3A_129, %dma_start3A_130] : memref<10240x128xf32, #tpu.memory_space<hbm>> -> memref<10240x128xf32, #tpu.memory_space<hbm>>
        tpu.enqueue_indirect_dma source(%dma_start3A_131 : memref<10240x128xf32, #tpu.memory_space<hbm>>) target(%arg9 : memref<128x128xf32, #tpu.memory_space<vmem>>) offsets(%dma_start3A_128 : memref<128xi32, #tpu.memory_space<vmem>>) semaphore(%arg12 : memref<!tpu.dma_semaphore, #tpu.memory_space<semaphore_mem>>)
      } else {
      }
      %mul3A_96 = arith.constant 2 : i32
      %mul3A_97 = arith.muli %scan3A_74, %mul3A_96 : i32
      %add3A_98 = arith.constant 1 : i32
      %add3A_99 = arith.addi %mul3A_97, %add3A_98 : i32
      %dma_wait3A_100 = arith.constant 0 : i32
      %dma_wait3A_101 = tpu.memref_slice %arg6[%add3A_99, %dma_wait3A_100] : memref<40x128xi32, #tpu.memory_space<vmem>> -> memref<1x128xi32, #tpu.memory_space<vmem>>
      %dma_wait3A_102 = tpu.memref_squeeze %dma_wait3A_101 : memref<1x128xi32, #tpu.memory_space<vmem>> -> memref<128xi32, #tpu.memory_space<vmem>>
      %dma_wait3A_103 = arith.constant 0 : i32
      %dma_wait3A_104 = arith.constant 0 : i32
      %dma_wait3A_105 = tpu.memref_slice %arg2[%dma_wait3A_103, %dma_wait3A_104] : memref<10240x128xf32, #tpu.memory_space<hbm>> -> memref<10240x128xf32, #tpu.memory_space<hbm>>
      tpu.wait_indirect_dma semaphore(%arg12 : memref<!tpu.dma_semaphore, #tpu.memory_space<semaphore_mem>>) src(%dma_wait3A_105 : memref<10240x128xf32, #tpu.memory_space<hbm>>) dst(%arg9 : memref<128x128xf32, #tpu.memory_space<vmem>>)
      %dma_start3A_106 = arith.constant 0 : i32
      %dma_start3A_107 = tpu.memref_slice %arg7[%add3A_99, %dma_start3A_106] : memref<40x128xi32, #tpu.memory_space<vmem>> -> memref<1x128xi32, #tpu.memory_space<vmem>>
      %dma_start3A_108 = tpu.memref_squeeze %dma_start3A_107 : memref<1x128xi32, #tpu.memory_space<vmem>> -> memref<128xi32, #tpu.memory_space<vmem>>
      %dma_start3A_109 = arith.constant 0 : i32
      %dma_start3A_110 = arith.constant 0 : i32
      %dma_start3A_111 = tpu.memref_slice %arg10[%dma_start3A_109, %dma_start3A_110] : memref<10240x128xf32, #tpu.memory_space<vmem_shared>> -> memref<10240x128xf32, #tpu.memory_space<vmem_shared>>
      tpu.enqueue_indirect_dma source(%arg9 : memref<128x128xf32, #tpu.memory_space<vmem>>) target(%dma_start3A_111 : memref<10240x128xf32, #tpu.memory_space<vmem_shared>>) offsets(%dma_start3A_108 : memref<128xi32, #tpu.memory_space<vmem>>) semaphore(%arg12 : memref<!tpu.dma_semaphore, #tpu.memory_space<semaphore_mem>>) {add = true}
      %add3A_112 = arith.constant 1 : i32
      %add3A_113 = arith.addi %add3A_99, %add3A_112 : i32
      %lt3A_114 = arith.constant 40 : i32
      %lt3A_115 = arith.cmpi slt, %add3A_113, %lt3A_114 : i32
      %convert_element_type3A_116 = arith.extui %lt3A_115 : i1 to i32
      %cond3A_117 = arith.constant 0 : i32
      %cond3A_118 = arith.cmpi ne, %convert_element_type3A_116, %cond3A_117 : i32
      scf.if %cond3A_118 {
        %ge3A = arith.constant 1 : i32
        %ge3A_120 = arith.cmpi sge, %add3A_99, %ge3A : i32
        %convert_element_type3A_121 = arith.extui %ge3A_120 : i1 to i32
        %cond3A_122 = arith.constant 0 : i32
        %cond3A_123 = arith.cmpi ne, %convert_element_type3A_121, %cond3A_122 : i32
        scf.if %cond3A_123 {
          %dma_wait3A_132 = arith.constant 0 : i32
          %dma_wait3A_133 = tpu.memref_slice %arg7[%add3A_99, %dma_wait3A_132] : memref<40x128xi32, #tpu.memory_space<vmem>> -> memref<1x128xi32, #tpu.memory_space<vmem>>
          %dma_wait3A_134 = tpu.memref_squeeze %dma_wait3A_133 : memref<1x128xi32, #tpu.memory_space<vmem>> -> memref<128xi32, #tpu.memory_space<vmem>>
          %dma_wait3A_135 = arith.constant 0 : i32
          %dma_wait3A_136 = arith.constant 0 : i32
          %dma_wait3A_137 = tpu.memref_slice %arg10[%dma_wait3A_135, %dma_wait3A_136] : memref<10240x128xf32, #tpu.memory_space<vmem_shared>> -> memref<10240x128xf32, #tpu.memory_space<vmem_shared>>
          tpu.wait_indirect_dma semaphore(%arg11 : memref<!tpu.dma_semaphore, #tpu.memory_space<semaphore_mem>>) src(%arg8 : memref<128x128xf32, #tpu.memory_space<vmem>>) dst(%dma_wait3A_137 : memref<10240x128xf32, #tpu.memory_space<vmem_shared>>)
        } else {
        }
        %add3A_124 = arith.constant 1 : i32
        %add3A_125 = arith.addi %add3A_99, %add3A_124 : i32
        %dma_start3A_126 = arith.constant 0 : i32
        %dma_start3A_127 = tpu.memref_slice %arg6[%add3A_125, %dma_start3A_126] : memref<40x128xi32, #tpu.memory_space<vmem>> -> memref<1x128xi32, #tpu.memory_space<vmem>>
        %dma_start3A_128 = tpu.memref_squeeze %dma_start3A_127 : memref<1x128xi32, #tpu.memory_space<vmem>> -> memref<128xi32, #tpu.memory_space<vmem>>
        %dma_start3A_129 = arith.constant 0 : i32
        %dma_start3A_130 = arith.constant 0 : i32
        %dma_start3A_131 = tpu.memref_slice %arg2[%dma_start3A_129, %dma_start3A_130] : memref<10240x128xf32, #tpu.memory_space<hbm>> -> memref<10240x128xf32, #tpu.memory_space<hbm>>
        tpu.enqueue_indirect_dma source(%dma_start3A_131 : memref<10240x128xf32, #tpu.memory_space<hbm>>) target(%arg8 : memref<128x128xf32, #tpu.memory_space<vmem>>) offsets(%dma_start3A_128 : memref<128xi32, #tpu.memory_space<vmem>>) semaphore(%arg11 : memref<!tpu.dma_semaphore, #tpu.memory_space<semaphore_mem>>)
      } else {
      }
      %scan3A_119 = arith.constant 0 : i32
      scf.yield %scan3A_119 : i32
    }
    %scan3A_31 = arith.constant 20 : i32
    %dma_wait3A = arith.constant 0 : i32
    %dma_wait3A_32 = arith.constant 0 : i32
    %dma_wait3A_33 = tpu.memref_slice %arg7[%dma_wait3A, %dma_wait3A_32] : memref<40x128xi32, #tpu.memory_space<vmem>> -> memref<1x128xi32, #tpu.memory_space<vmem>>
    %dma_wait3A_34 = tpu.memref_squeeze %dma_wait3A_33 : memref<1x128xi32, #tpu.memory_space<vmem>> -> memref<128xi32, #tpu.memory_space<vmem>>
    %dma_wait3A_35 = arith.constant 0 : i32
    %dma_wait3A_36 = arith.constant 0 : i32
    %dma_wait3A_37 = tpu.memref_slice %arg10[%dma_wait3A_35, %dma_wait3A_36] : memref<10240x128xf32, #tpu.memory_space<vmem_shared>> -> memref<10240x128xf32, #tpu.memory_space<vmem_shared>>
    tpu.wait_indirect_dma semaphore(%arg11 : memref<!tpu.dma_semaphore, #tpu.memory_space<semaphore_mem>>) src(%arg8 : memref<128x128xf32, #tpu.memory_space<vmem>>) dst(%dma_wait3A_37 : memref<10240x128xf32, #tpu.memory_space<vmem_shared>>)
    %dma_wait3A_38 = arith.constant 0 : i32
    %dma_wait3A_39 = arith.constant 0 : i32
    %dma_wait3A_40 = tpu.memref_slice %arg7[%dma_wait3A_38, %dma_wait3A_39] : memref<40x128xi32, #tpu.memory_space<vmem>> -> memref<1x128xi32, #tpu.memory_space<vmem>>
    %dma_wait3A_41 = tpu.memref_squeeze %dma_wait3A_40 : memref<1x128xi32, #tpu.memory_space<vmem>> -> memref<128xi32, #tpu.memory_space<vmem>>
    %dma_wait3A_42 = arith.constant 0 : i32
    %dma_wait3A_43 = arith.constant 0 : i32
    %dma_wait3A_44 = tpu.memref_slice %arg10[%dma_wait3A_42, %dma_wait3A_43] : memref<10240x128xf32, #tpu.memory_space<vmem_shared>> -> memref<10240x128xf32, #tpu.memory_space<vmem_shared>>
    tpu.wait_indirect_dma semaphore(%arg12 : memref<!tpu.dma_semaphore, #tpu.memory_space<semaphore_mem>>) src(%arg9 : memref<128x128xf32, #tpu.memory_space<vmem>>) dst(%dma_wait3A_44 : memref<10240x128xf32, #tpu.memory_space<vmem_shared>>)
    "tpu.region"() ({
      %run_scoped3A = tpu.sem_alloc : memref<!tpu.dma_semaphore, #tpu.memory_space<semaphore_mem>>
      %dma_start3A_74 = arith.constant 40 : i32
      %dma_start3A_75 = arith.constant 0 : i32
      %dma_start3A_76 = tpu.memref_slice %arg3[%add3A, %dma_start3A_74, %dma_start3A_75] : memref<32x80x128xi32, #tpu.memory_space<hbm>> -> memref<1x40x128xi32, #tpu.memory_space<hbm>>
      %dma_start3A_77 = tpu.memref_squeeze %dma_start3A_76 : memref<1x40x128xi32, #tpu.memory_space<hbm>> -> memref<40x128xi32, #tpu.memory_space<hbm>>
      %dma_start3A_78 = arith.constant 40 : i32
      %dma_start3A_79 = arith.constant 0 : i32
      %dma_start3A_80 = tpu.memref_slice %arg3[%add3A, %dma_start3A_78, %dma_start3A_79] : memref<32x80x128xi32, #tpu.memory_space<hbm>> -> memref<1x40x128xi32, #tpu.memory_space<hbm>>
      %dma_start3A_81 = tpu.memref_squeeze %dma_start3A_80 : memref<1x40x128xi32, #tpu.memory_space<hbm>> -> memref<40x128xi32, #tpu.memory_space<hbm>>
      tpu.enqueue_dma source(%dma_start3A_81 : memref<40x128xi32, #tpu.memory_space<hbm>>) target(%arg6 : memref<40x128xi32, #tpu.memory_space<vmem>>) target_semaphore(%run_scoped3A : memref<!tpu.dma_semaphore, #tpu.memory_space<semaphore_mem>>)
      %dma_wait3A_82 = arith.constant 40 : i32
      %dma_wait3A_83 = arith.constant 0 : i32
      %dma_wait3A_84 = tpu.memref_slice %arg3[%add3A, %dma_wait3A_82, %dma_wait3A_83] : memref<32x80x128xi32, #tpu.memory_space<hbm>> -> memref<1x40x128xi32, #tpu.memory_space<hbm>>
      %dma_wait3A_85 = tpu.memref_squeeze %dma_wait3A_84 : memref<1x40x128xi32, #tpu.memory_space<hbm>> -> memref<40x128xi32, #tpu.memory_space<hbm>>
      %dma_wait3A_86 = arith.constant 40 : i32
      %dma_wait3A_87 = arith.constant 0 : i32
      %dma_wait3A_88 = tpu.memref_slice %arg3[%add3A, %dma_wait3A_86, %dma_wait3A_87] : memref<32x80x128xi32, #tpu.memory_space<hbm>> -> memref<1x40x128xi32, #tpu.memory_space<hbm>>
      %dma_wait3A_89 = tpu.memref_squeeze %dma_wait3A_88 : memref<1x40x128xi32, #tpu.memory_space<hbm>> -> memref<40x128xi32, #tpu.memory_space<hbm>>
      tpu.wait_dma2 semaphore(%run_scoped3A : memref<!tpu.dma_semaphore, #tpu.memory_space<semaphore_mem>>) src(%dma_wait3A_89 : memref<40x128xi32, #tpu.memory_space<hbm>>) dst(%arg6 : memref<40x128xi32, #tpu.memory_space<vmem>>)
      tpu.yield
    }) : () -> ()
    "tpu.region"() ({
      %run_scoped3A = tpu.sem_alloc : memref<!tpu.dma_semaphore, #tpu.memory_space<semaphore_mem>>
      %dma_start3A_74 = arith.constant 40 : i32
      %dma_start3A_75 = arith.constant 0 : i32
      %dma_start3A_76 = tpu.memref_slice %arg4[%add3A, %dma_start3A_74, %dma_start3A_75] : memref<32x80x128xi32, #tpu.memory_space<hbm>> -> memref<1x40x128xi32, #tpu.memory_space<hbm>>
      %dma_start3A_77 = tpu.memref_squeeze %dma_start3A_76 : memref<1x40x128xi32, #tpu.memory_space<hbm>> -> memref<40x128xi32, #tpu.memory_space<hbm>>
      %dma_start3A_78 = arith.constant 40 : i32
      %dma_start3A_79 = arith.constant 0 : i32
      %dma_start3A_80 = tpu.memref_slice %arg4[%add3A, %dma_start3A_78, %dma_start3A_79] : memref<32x80x128xi32, #tpu.memory_space<hbm>> -> memref<1x40x128xi32, #tpu.memory_space<hbm>>
      %dma_start3A_81 = tpu.memref_squeeze %dma_start3A_80 : memref<1x40x128xi32, #tpu.memory_space<hbm>> -> memref<40x128xi32, #tpu.memory_space<hbm>>
      tpu.enqueue_dma source(%dma_start3A_81 : memref<40x128xi32, #tpu.memory_space<hbm>>) target(%arg7 : memref<40x128xi32, #tpu.memory_space<vmem>>) target_semaphore(%run_scoped3A : memref<!tpu.dma_semaphore, #tpu.memory_space<semaphore_mem>>)
      %dma_wait3A_82 = arith.constant 40 : i32
      %dma_wait3A_83 = arith.constant 0 : i32
      %dma_wait3A_84 = tpu.memref_slice %arg4[%add3A, %dma_wait3A_82, %dma_wait3A_83] : memref<32x80x128xi32, #tpu.memory_space<hbm>> -> memref<1x40x128xi32, #tpu.memory_space<hbm>>
      %dma_wait3A_85 = tpu.memref_squeeze %dma_wait3A_84 : memref<1x40x128xi32, #tpu.memory_space<hbm>> -> memref<40x128xi32, #tpu.memory_space<hbm>>
      %dma_wait3A_86 = arith.constant 40 : i32
      %dma_wait3A_87 = arith.constant 0 : i32
      %dma_wait3A_88 = tpu.memref_slice %arg4[%add3A, %dma_wait3A_86, %dma_wait3A_87] : memref<32x80x128xi32, #tpu.memory_space<hbm>> -> memref<1x40x128xi32, #tpu.memory_space<hbm>>
      %dma_wait3A_89 = tpu.memref_squeeze %dma_wait3A_88 : memref<1x40x128xi32, #tpu.memory_space<hbm>> -> memref<40x128xi32, #tpu.memory_space<hbm>>
      tpu.wait_dma2 semaphore(%run_scoped3A : memref<!tpu.dma_semaphore, #tpu.memory_space<semaphore_mem>>) src(%dma_wait3A_89 : memref<40x128xi32, #tpu.memory_space<hbm>>) dst(%arg7 : memref<40x128xi32, #tpu.memory_space<vmem>>)
      tpu.yield
    }) : () -> ()
    %dma_start3A_45 = arith.constant 0 : i32
    %dma_start3A_46 = arith.constant 0 : i32
    %dma_start3A_47 = tpu.memref_slice %arg6[%dma_start3A_45, %dma_start3A_46] : memref<40x128xi32, #tpu.memory_space<vmem>> -> memref<1x128xi32, #tpu.memory_space<vmem>>
    %dma_start3A_48 = tpu.memref_squeeze %dma_start3A_47 : memref<1x128xi32, #tpu.memory_space<vmem>> -> memref<128xi32, #tpu.memory_space<vmem>>
    %dma_start3A_49 = arith.constant 0 : i32
    %dma_start3A_50 = arith.constant 0 : i32
    %dma_start3A_51 = tpu.memref_slice %arg2[%dma_start3A_49, %dma_start3A_50] : memref<10240x128xf32, #tpu.memory_space<hbm>> -> memref<10240x128xf32, #tpu.memory_space<hbm>>
    tpu.enqueue_indirect_dma source(%dma_start3A_51 : memref<10240x128xf32, #tpu.memory_space<hbm>>) target(%arg8 : memref<128x128xf32, #tpu.memory_space<vmem>>) offsets(%dma_start3A_48 : memref<128xi32, #tpu.memory_space<vmem>>) semaphore(%arg11 : memref<!tpu.dma_semaphore, #tpu.memory_space<semaphore_mem>>)
    %scan3A_52 = arith.constant 0 : i32
    %scan3A_53 = arith.constant 0 : i32
    %scan3A_54 = arith.constant 20 : i32
    %scan3A_55 = arith.addi %scan3A_53, %scan3A_54 : i32
    %scan3A_56 = arith.constant 1 : i32
    %scan3A_57 = scf.for %scan3A_74 = %scan3A_53 to %scan3A_55 step %scan3A_56 iter_args(%scan3A_75 = %scan3A_52) -> (i32)  : i32 {
      %mul3A_76 = arith.constant 2 : i32
      %mul3A_77 = arith.muli %scan3A_74, %mul3A_76 : i32
      %add3A_78 = arith.constant 0 : i32
      %add3A_79 = arith.addi %mul3A_77, %add3A_78 : i32
      %dma_wait3A_80 = arith.constant 0 : i32
      %dma_wait3A_81 = tpu.memref_slice %arg6[%add3A_79, %dma_wait3A_80] : memref<40x128xi32, #tpu.memory_space<vmem>> -> memref<1x128xi32, #tpu.memory_space<vmem>>
      %dma_wait3A_82 = tpu.memref_squeeze %dma_wait3A_81 : memref<1x128xi32, #tpu.memory_space<vmem>> -> memref<128xi32, #tpu.memory_space<vmem>>
      %dma_wait3A_83 = arith.constant 0 : i32
      %dma_wait3A_84 = arith.constant 0 : i32
      %dma_wait3A_85 = tpu.memref_slice %arg2[%dma_wait3A_83, %dma_wait3A_84] : memref<10240x128xf32, #tpu.memory_space<hbm>> -> memref<10240x128xf32, #tpu.memory_space<hbm>>
      tpu.wait_indirect_dma semaphore(%arg11 : memref<!tpu.dma_semaphore, #tpu.memory_space<semaphore_mem>>) src(%dma_wait3A_85 : memref<10240x128xf32, #tpu.memory_space<hbm>>) dst(%arg8 : memref<128x128xf32, #tpu.memory_space<vmem>>)
      %dma_start3A_86 = arith.constant 0 : i32
      %dma_start3A_87 = tpu.memref_slice %arg7[%add3A_79, %dma_start3A_86] : memref<40x128xi32, #tpu.memory_space<vmem>> -> memref<1x128xi32, #tpu.memory_space<vmem>>
      %dma_start3A_88 = tpu.memref_squeeze %dma_start3A_87 : memref<1x128xi32, #tpu.memory_space<vmem>> -> memref<128xi32, #tpu.memory_space<vmem>>
      %dma_start3A_89 = arith.constant 0 : i32
      %dma_start3A_90 = arith.constant 0 : i32
      %dma_start3A_91 = tpu.memref_slice %arg10[%dma_start3A_89, %dma_start3A_90] : memref<10240x128xf32, #tpu.memory_space<vmem_shared>> -> memref<10240x128xf32, #tpu.memory_space<vmem_shared>>
      tpu.enqueue_indirect_dma source(%arg8 : memref<128x128xf32, #tpu.memory_space<vmem>>) target(%dma_start3A_91 : memref<10240x128xf32, #tpu.memory_space<vmem_shared>>) offsets(%dma_start3A_88 : memref<128xi32, #tpu.memory_space<vmem>>) semaphore(%arg11 : memref<!tpu.dma_semaphore, #tpu.memory_space<semaphore_mem>>) {add = true}
      %add3A_92 = arith.constant 1 : i32
      %add3A_93 = arith.addi %add3A_79, %add3A_92 : i32
      %lt3A = arith.constant 40 : i32
      %lt3A_94 = arith.cmpi slt, %add3A_93, %lt3A : i32
      %convert_element_type3A = arith.extui %lt3A_94 : i1 to i32
      %cond3A = arith.constant 0 : i32
      %cond3A_95 = arith.cmpi ne, %convert_element_type3A, %cond3A : i32
      scf.if %cond3A_95 {
        %ge3A = arith.constant 1 : i32
        %ge3A_120 = arith.cmpi sge, %add3A_79, %ge3A : i32
        %convert_element_type3A_121 = arith.extui %ge3A_120 : i1 to i32
        %cond3A_122 = arith.constant 0 : i32
        %cond3A_123 = arith.cmpi ne, %convert_element_type3A_121, %cond3A_122 : i32
        scf.if %cond3A_123 {
          %dma_wait3A_132 = arith.constant 0 : i32
          %dma_wait3A_133 = tpu.memref_slice %arg7[%add3A_79, %dma_wait3A_132] : memref<40x128xi32, #tpu.memory_space<vmem>> -> memref<1x128xi32, #tpu.memory_space<vmem>>
          %dma_wait3A_134 = tpu.memref_squeeze %dma_wait3A_133 : memref<1x128xi32, #tpu.memory_space<vmem>> -> memref<128xi32, #tpu.memory_space<vmem>>
          %dma_wait3A_135 = arith.constant 0 : i32
          %dma_wait3A_136 = arith.constant 0 : i32
          %dma_wait3A_137 = tpu.memref_slice %arg10[%dma_wait3A_135, %dma_wait3A_136] : memref<10240x128xf32, #tpu.memory_space<vmem_shared>> -> memref<10240x128xf32, #tpu.memory_space<vmem_shared>>
          tpu.wait_indirect_dma semaphore(%arg12 : memref<!tpu.dma_semaphore, #tpu.memory_space<semaphore_mem>>) src(%arg9 : memref<128x128xf32, #tpu.memory_space<vmem>>) dst(%dma_wait3A_137 : memref<10240x128xf32, #tpu.memory_space<vmem_shared>>)
        } else {
        }
        %add3A_124 = arith.constant 1 : i32
        %add3A_125 = arith.addi %add3A_79, %add3A_124 : i32
        %dma_start3A_126 = arith.constant 0 : i32
        %dma_start3A_127 = tpu.memref_slice %arg6[%add3A_125, %dma_start3A_126] : memref<40x128xi32, #tpu.memory_space<vmem>> -> memref<1x128xi32, #tpu.memory_space<vmem>>
        %dma_start3A_128 = tpu.memref_squeeze %dma_start3A_127 : memref<1x128xi32, #tpu.memory_space<vmem>> -> memref<128xi32, #tpu.memory_space<vmem>>
        %dma_start3A_129 = arith.constant 0 : i32
        %dma_start3A_130 = arith.constant 0 : i32
        %dma_start3A_131 = tpu.memref_slice %arg2[%dma_start3A_129, %dma_start3A_130] : memref<10240x128xf32, #tpu.memory_space<hbm>> -> memref<10240x128xf32, #tpu.memory_space<hbm>>
        tpu.enqueue_indirect_dma source(%dma_start3A_131 : memref<10240x128xf32, #tpu.memory_space<hbm>>) target(%arg9 : memref<128x128xf32, #tpu.memory_space<vmem>>) offsets(%dma_start3A_128 : memref<128xi32, #tpu.memory_space<vmem>>) semaphore(%arg12 : memref<!tpu.dma_semaphore, #tpu.memory_space<semaphore_mem>>)
      } else {
      }
      %mul3A_96 = arith.constant 2 : i32
      %mul3A_97 = arith.muli %scan3A_74, %mul3A_96 : i32
      %add3A_98 = arith.constant 1 : i32
      %add3A_99 = arith.addi %mul3A_97, %add3A_98 : i32
      %dma_wait3A_100 = arith.constant 0 : i32
      %dma_wait3A_101 = tpu.memref_slice %arg6[%add3A_99, %dma_wait3A_100] : memref<40x128xi32, #tpu.memory_space<vmem>> -> memref<1x128xi32, #tpu.memory_space<vmem>>
      %dma_wait3A_102 = tpu.memref_squeeze %dma_wait3A_101 : memref<1x128xi32, #tpu.memory_space<vmem>> -> memref<128xi32, #tpu.memory_space<vmem>>
      %dma_wait3A_103 = arith.constant 0 : i32
      %dma_wait3A_104 = arith.constant 0 : i32
      %dma_wait3A_105 = tpu.memref_slice %arg2[%dma_wait3A_103, %dma_wait3A_104] : memref<10240x128xf32, #tpu.memory_space<hbm>> -> memref<10240x128xf32, #tpu.memory_space<hbm>>
      tpu.wait_indirect_dma semaphore(%arg12 : memref<!tpu.dma_semaphore, #tpu.memory_space<semaphore_mem>>) src(%dma_wait3A_105 : memref<10240x128xf32, #tpu.memory_space<hbm>>) dst(%arg9 : memref<128x128xf32, #tpu.memory_space<vmem>>)
      %dma_start3A_106 = arith.constant 0 : i32
      %dma_start3A_107 = tpu.memref_slice %arg7[%add3A_99, %dma_start3A_106] : memref<40x128xi32, #tpu.memory_space<vmem>> -> memref<1x128xi32, #tpu.memory_space<vmem>>
      %dma_start3A_108 = tpu.memref_squeeze %dma_start3A_107 : memref<1x128xi32, #tpu.memory_space<vmem>> -> memref<128xi32, #tpu.memory_space<vmem>>
      %dma_start3A_109 = arith.constant 0 : i32
      %dma_start3A_110 = arith.constant 0 : i32
      %dma_start3A_111 = tpu.memref_slice %arg10[%dma_start3A_109, %dma_start3A_110] : memref<10240x128xf32, #tpu.memory_space<vmem_shared>> -> memref<10240x128xf32, #tpu.memory_space<vmem_shared>>
      tpu.enqueue_indirect_dma source(%arg9 : memref<128x128xf32, #tpu.memory_space<vmem>>) target(%dma_start3A_111 : memref<10240x128xf32, #tpu.memory_space<vmem_shared>>) offsets(%dma_start3A_108 : memref<128xi32, #tpu.memory_space<vmem>>) semaphore(%arg12 : memref<!tpu.dma_semaphore, #tpu.memory_space<semaphore_mem>>) {add = true}
      %add3A_112 = arith.constant 1 : i32
      %add3A_113 = arith.addi %add3A_99, %add3A_112 : i32
      %lt3A_114 = arith.constant 40 : i32
      %lt3A_115 = arith.cmpi slt, %add3A_113, %lt3A_114 : i32
      %convert_element_type3A_116 = arith.extui %lt3A_115 : i1 to i32
      %cond3A_117 = arith.constant 0 : i32
      %cond3A_118 = arith.cmpi ne, %convert_element_type3A_116, %cond3A_117 : i32
      scf.if %cond3A_118 {
        %ge3A = arith.constant 1 : i32
        %ge3A_120 = arith.cmpi sge, %add3A_99, %ge3A : i32
        %convert_element_type3A_121 = arith.extui %ge3A_120 : i1 to i32
        %cond3A_122 = arith.constant 0 : i32
        %cond3A_123 = arith.cmpi ne, %convert_element_type3A_121, %cond3A_122 : i32
        scf.if %cond3A_123 {
          %dma_wait3A_132 = arith.constant 0 : i32
          %dma_wait3A_133 = tpu.memref_slice %arg7[%add3A_99, %dma_wait3A_132] : memref<40x128xi32, #tpu.memory_space<vmem>> -> memref<1x128xi32, #tpu.memory_space<vmem>>
          %dma_wait3A_134 = tpu.memref_squeeze %dma_wait3A_133 : memref<1x128xi32, #tpu.memory_space<vmem>> -> memref<128xi32, #tpu.memory_space<vmem>>
          %dma_wait3A_135 = arith.constant 0 : i32
          %dma_wait3A_136 = arith.constant 0 : i32
          %dma_wait3A_137 = tpu.memref_slice %arg10[%dma_wait3A_135, %dma_wait3A_136] : memref<10240x128xf32, #tpu.memory_space<vmem_shared>> -> memref<10240x128xf32, #tpu.memory_space<vmem_shared>>
          tpu.wait_indirect_dma semaphore(%arg11 : memref<!tpu.dma_semaphore, #tpu.memory_space<semaphore_mem>>) src(%arg8 : memref<128x128xf32, #tpu.memory_space<vmem>>) dst(%dma_wait3A_137 : memref<10240x128xf32, #tpu.memory_space<vmem_shared>>)
        } else {
        }
        %add3A_124 = arith.constant 1 : i32
        %add3A_125 = arith.addi %add3A_99, %add3A_124 : i32
        %dma_start3A_126 = arith.constant 0 : i32
        %dma_start3A_127 = tpu.memref_slice %arg6[%add3A_125, %dma_start3A_126] : memref<40x128xi32, #tpu.memory_space<vmem>> -> memref<1x128xi32, #tpu.memory_space<vmem>>
        %dma_start3A_128 = tpu.memref_squeeze %dma_start3A_127 : memref<1x128xi32, #tpu.memory_space<vmem>> -> memref<128xi32, #tpu.memory_space<vmem>>
        %dma_start3A_129 = arith.constant 0 : i32
        %dma_start3A_130 = arith.constant 0 : i32
        %dma_start3A_131 = tpu.memref_slice %arg2[%dma_start3A_129, %dma_start3A_130] : memref<10240x128xf32, #tpu.memory_space<hbm>> -> memref<10240x128xf32, #tpu.memory_space<hbm>>
        tpu.enqueue_indirect_dma source(%dma_start3A_131 : memref<10240x128xf32, #tpu.memory_space<hbm>>) target(%arg8 : memref<128x128xf32, #tpu.memory_space<vmem>>) offsets(%dma_start3A_128 : memref<128xi32, #tpu.memory_space<vmem>>) semaphore(%arg11 : memref<!tpu.dma_semaphore, #tpu.memory_space<semaphore_mem>>)
      } else {
      }
      %scan3A_119 = arith.constant 0 : i32
      scf.yield %scan3A_119 : i32
    }
    %scan3A_58 = arith.constant 20 : i32
    %dma_wait3A_59 = arith.constant 0 : i32
    %dma_wait3A_60 = arith.constant 0 : i32
    %dma_wait3A_61 = tpu.memref_slice %arg7[%dma_wait3A_59, %dma_wait3A_60] : memref<40x128xi32, #tpu.memory_space<vmem>> -> memref<1x128xi32, #tpu.memory_space<vmem>>
    %dma_wait3A_62 = tpu.memref_squeeze %dma_wait3A_61 : memref<1x128xi32, #tpu.memory_space<vmem>> -> memref<128xi32, #tpu.memory_space<vmem>>
    %dma_wait3A_63 = arith.constant 0 : i32
    %dma_wait3A_64 = arith.constant 0 : i32
    %dma_wait3A_65 = tpu.memref_slice %arg10[%dma_wait3A_63, %dma_wait3A_64] : memref<10240x128xf32, #tpu.memory_space<vmem_shared>> -> memref<10240x128xf32, #tpu.memory_space<vmem_shared>>
    tpu.wait_indirect_dma semaphore(%arg11 : memref<!tpu.dma_semaphore, #tpu.memory_space<semaphore_mem>>) src(%arg8 : memref<128x128xf32, #tpu.memory_space<vmem>>) dst(%dma_wait3A_65 : memref<10240x128xf32, #tpu.memory_space<vmem_shared>>)
    %dma_wait3A_66 = arith.constant 0 : i32
    %dma_wait3A_67 = arith.constant 0 : i32
    %dma_wait3A_68 = tpu.memref_slice %arg7[%dma_wait3A_66, %dma_wait3A_67] : memref<40x128xi32, #tpu.memory_space<vmem>> -> memref<1x128xi32, #tpu.memory_space<vmem>>
    %dma_wait3A_69 = tpu.memref_squeeze %dma_wait3A_68 : memref<1x128xi32, #tpu.memory_space<vmem>> -> memref<128xi32, #tpu.memory_space<vmem>>
    %dma_wait3A_70 = arith.constant 0 : i32
    %dma_wait3A_71 = arith.constant 0 : i32
    %dma_wait3A_72 = tpu.memref_slice %arg10[%dma_wait3A_70, %dma_wait3A_71] : memref<10240x128xf32, #tpu.memory_space<vmem_shared>> -> memref<10240x128xf32, #tpu.memory_space<vmem_shared>>
    tpu.wait_indirect_dma semaphore(%arg12 : memref<!tpu.dma_semaphore, #tpu.memory_space<semaphore_mem>>) src(%arg9 : memref<128x128xf32, #tpu.memory_space<vmem>>) dst(%dma_wait3A_72 : memref<10240x128xf32, #tpu.memory_space<vmem_shared>>)
    %barrier3A_73 = arith.constant 0 : index
    tpu.barrier barrier_id(%barrier3A_73)
    "tpu.region"() ({
      %run_scoped3A = tpu.sem_alloc : memref<!tpu.dma_semaphore, #tpu.memory_space<semaphore_mem>>
      %dma_start3A_74 = arith.constant 0 : i32
      %dma_start3A_75 = tpu.memref_slice %arg5[%arg0, %multiple_of3A, %dma_start3A_74] : memref<2x10240x128xf32, #tpu.memory_space<hbm>> -> memref<1x640x128xf32, #tpu.memory_space<hbm>>
      %dma_start3A_76 = tpu.memref_squeeze %dma_start3A_75 : memref<1x640x128xf32, #tpu.memory_space<hbm>> -> memref<640x128xf32, #tpu.memory_space<hbm>>
      %dma_start3A_77 = arith.constant 0 : i32
      %dma_start3A_78 = tpu.memref_slice %arg10[%multiple_of3A, %dma_start3A_77] : memref<10240x128xf32, #tpu.memory_space<vmem_shared>> -> memref<640x128xf32, #tpu.memory_space<vmem_shared>>
      tpu.enqueue_dma source(%dma_start3A_78 : memref<640x128xf32, #tpu.memory_space<vmem_shared>>) target(%dma_start3A_76 : memref<640x128xf32, #tpu.memory_space<hbm>>) target_semaphore(%run_scoped3A : memref<!tpu.dma_semaphore, #tpu.memory_space<semaphore_mem>>)
      %dma_wait3A_79 = arith.constant 0 : i32
      %dma_wait3A_80 = tpu.memref_slice %arg5[%arg0, %multiple_of3A, %dma_wait3A_79] : memref<2x10240x128xf32, #tpu.memory_space<hbm>> -> memref<1x640x128xf32, #tpu.memory_space<hbm>>
      %dma_wait3A_81 = tpu.memref_squeeze %dma_wait3A_80 : memref<1x640x128xf32, #tpu.memory_space<hbm>> -> memref<640x128xf32, #tpu.memory_space<hbm>>
      %dma_wait3A_82 = arith.constant 0 : i32
      %dma_wait3A_83 = tpu.memref_slice %arg10[%multiple_of3A, %dma_wait3A_82] : memref<10240x128xf32, #tpu.memory_space<vmem_shared>> -> memref<640x128xf32, #tpu.memory_space<vmem_shared>>
      tpu.wait_dma2 semaphore(%run_scoped3A : memref<!tpu.dma_semaphore, #tpu.memory_space<semaphore_mem>>) src(%dma_wait3A_83 : memref<640x128xf32, #tpu.memory_space<vmem_shared>>) dst(%dma_wait3A_81 : memref<640x128xf32, #tpu.memory_space<hbm>>)
      tpu.yield
    }) : () -> ()
    return
  }
}

#map = affine_map<(d0, d1) -> (0, 0, 0)>
module attributes {stable_mosaic.version = 14 : i64} {
  func.func @_sc_degree(%arg0: i32, %arg1: i32, %arg2: memref<32x80x128xi32, #tpu.memory_space<hbm>>, %arg3: memref<2x10240x128xf32, #tpu.memory_space<hbm>>, %arg4: memref<40x128xi32, #tpu.memory_space<vmem>>, %arg5: memref<128x128xf32, #tpu.memory_space<vmem>>, %arg6: memref<10240x128xf32, #tpu.memory_space<vmem_shared>>, %arg7: memref<!tpu.dma_semaphore, #tpu.memory_space<semaphore_mem>>) attributes {dimension_semantics = [#tpu.dimension_semantics<core_parallel>, #tpu.dimension_semantics<subcore_parallel>], iteration_bounds = array<i64: 2, 16>, scalar_prefetch = 0 : i64, scratch_operands = 4 : i64, tpu.core_type = #tpu.core_type<sc_vector_subcore>, window_params = [{transform_indices = #map}, {transform_indices = #map}]} {
    %mul3A = arith.constant 16 : i32
    %mul3A_0 = arith.muli %arg0, %mul3A : i32
    %add3A = arith.addi %mul3A_0, %arg1 : i32
    %scan3A = arith.constant 0 : i32
    %scan3A_1 = arith.constant 0 : i32
    %scan3A_2 = arith.constant 128 : i32
    %scan3A_3 = arith.addi %scan3A_1, %scan3A_2 : i32
    %scan3A_4 = arith.constant 1 : i32
    %scan3A_5 = scf.for %scan3A_68 = %scan3A_1 to %scan3A_3 step %scan3A_4 iter_args(%scan3A_69 = %scan3A) -> (i32)  : i32 {
      %broadcast_in_dim3A = arith.constant 0.000000e+00 : f32
      %broadcast_in_dim3A_70 = vector.broadcast %broadcast_in_dim3A : f32 to vector<16xf32>
      %swap3A = arith.index_cast %scan3A_68 : i32 to index
      %swap3A_71 = arith.constant 0 : index
      %swap3A_72 = tpu.vector_load %arg5[%swap3A, %swap3A_71] {strides = array<i32>} : memref<128x128xf32, #tpu.memory_space<vmem>>, vector<1x16xf32>,
      %swap3A_73 = vector.shape_cast %swap3A_72 : vector<1x16xf32> to vector<16xf32>
      %swap3A_74 = vector.shape_cast %broadcast_in_dim3A_70 : vector<16xf32> to vector<1x16xf32>
      tpu.vector_store %arg5[%swap3A, %swap3A_71], %swap3A_74 {strides = array<i32>} : memref<128x128xf32, #tpu.memory_space<vmem>>, vector<1x16xf32>,
      %broadcast_in_dim3A_75 = arith.constant 0.000000e+00 : f32
      %broadcast_in_dim3A_76 = vector.broadcast %broadcast_in_dim3A_75 : f32 to vector<16xf32>
      %swap3A_77 = arith.index_cast %scan3A_68 : i32 to index
      %swap3A_78 = arith.constant 16 : index
      %swap3A_79 = tpu.vector_load %arg5[%swap3A_77, %swap3A_78] {strides = array<i32>} : memref<128x128xf32, #tpu.memory_space<vmem>>, vector<1x16xf32>,
      %swap3A_80 = vector.shape_cast %swap3A_79 : vector<1x16xf32> to vector<16xf32>
      %swap3A_81 = vector.shape_cast %broadcast_in_dim3A_76 : vector<16xf32> to vector<1x16xf32>
      tpu.vector_store %arg5[%swap3A_77, %swap3A_78], %swap3A_81 {strides = array<i32>} : memref<128x128xf32, #tpu.memory_space<vmem>>, vector<1x16xf32>,
      %broadcast_in_dim3A_82 = arith.constant 0.000000e+00 : f32
      %broadcast_in_dim3A_83 = vector.broadcast %broadcast_in_dim3A_82 : f32 to vector<16xf32>
      %swap3A_84 = arith.index_cast %scan3A_68 : i32 to index
      %swap3A_85 = arith.constant 32 : index
      %swap3A_86 = tpu.vector_load %arg5[%swap3A_84, %swap3A_85] {strides = array<i32>} : memref<128x128xf32, #tpu.memory_space<vmem>>, vector<1x16xf32>,
      %swap3A_87 = vector.shape_cast %swap3A_86 : vector<1x16xf32> to vector<16xf32>
      %swap3A_88 = vector.shape_cast %broadcast_in_dim3A_83 : vector<16xf32> to vector<1x16xf32>
      tpu.vector_store %arg5[%swap3A_84, %swap3A_85], %swap3A_88 {strides = array<i32>} : memref<128x128xf32, #tpu.memory_space<vmem>>, vector<1x16xf32>,
      %broadcast_in_dim3A_89 = arith.constant 0.000000e+00 : f32
      %broadcast_in_dim3A_90 = vector.broadcast %broadcast_in_dim3A_89 : f32 to vector<16xf32>
      %swap3A_91 = arith.index_cast %scan3A_68 : i32 to index
      %swap3A_92 = arith.constant 48 : index
      %swap3A_93 = tpu.vector_load %arg5[%swap3A_91, %swap3A_92] {strides = array<i32>} : memref<128x128xf32, #tpu.memory_space<vmem>>, vector<1x16xf32>,
      %swap3A_94 = vector.shape_cast %swap3A_93 : vector<1x16xf32> to vector<16xf32>
      %swap3A_95 = vector.shape_cast %broadcast_in_dim3A_90 : vector<16xf32> to vector<1x16xf32>
      tpu.vector_store %arg5[%swap3A_91, %swap3A_92], %swap3A_95 {strides = array<i32>} : memref<128x128xf32, #tpu.memory_space<vmem>>, vector<1x16xf32>,
      %broadcast_in_dim3A_96 = arith.constant 0.000000e+00 : f32
      %broadcast_in_dim3A_97 = vector.broadcast %broadcast_in_dim3A_96 : f32 to vector<16xf32>
      %swap3A_98 = arith.index_cast %scan3A_68 : i32 to index
      %swap3A_99 = arith.constant 64 : index
      %swap3A_100 = tpu.vector_load %arg5[%swap3A_98, %swap3A_99] {strides = array<i32>} : memref<128x128xf32, #tpu.memory_space<vmem>>, vector<1x16xf32>,
      %swap3A_101 = vector.shape_cast %swap3A_100 : vector<1x16xf32> to vector<16xf32>
      %swap3A_102 = vector.shape_cast %broadcast_in_dim3A_97 : vector<16xf32> to vector<1x16xf32>
      tpu.vector_store %arg5[%swap3A_98, %swap3A_99], %swap3A_102 {strides = array<i32>} : memref<128x128xf32, #tpu.memory_space<vmem>>, vector<1x16xf32>,
      %broadcast_in_dim3A_103 = arith.constant 0.000000e+00 : f32
      %broadcast_in_dim3A_104 = vector.broadcast %broadcast_in_dim3A_103 : f32 to vector<16xf32>
      %swap3A_105 = arith.index_cast %scan3A_68 : i32 to index
      %swap3A_106 = arith.constant 80 : index
      %swap3A_107 = tpu.vector_load %arg5[%swap3A_105, %swap3A_106] {strides = array<i32>} : memref<128x128xf32, #tpu.memory_space<vmem>>, vector<1x16xf32>,
      %swap3A_108 = vector.shape_cast %swap3A_107 : vector<1x16xf32> to vector<16xf32>
      %swap3A_109 = vector.shape_cast %broadcast_in_dim3A_104 : vector<16xf32> to vector<1x16xf32>
      tpu.vector_store %arg5[%swap3A_105, %swap3A_106], %swap3A_109 {strides = array<i32>} : memref<128x128xf32, #tpu.memory_space<vmem>>, vector<1x16xf32>,
      %broadcast_in_dim3A_110 = arith.constant 0.000000e+00 : f32
      %broadcast_in_dim3A_111 = vector.broadcast %broadcast_in_dim3A_110 : f32 to vector<16xf32>
      %swap3A_112 = arith.index_cast %scan3A_68 : i32 to index
      %swap3A_113 = arith.constant 96 : index
      %swap3A_114 = tpu.vector_load %arg5[%swap3A_112, %swap3A_113] {strides = array<i32>} : memref<128x128xf32, #tpu.memory_space<vmem>>, vector<1x16xf32>,
      %swap3A_115 = vector.shape_cast %swap3A_114 : vector<1x16xf32> to vector<16xf32>
      %swap3A_116 = vector.shape_cast %broadcast_in_dim3A_111 : vector<16xf32> to vector<1x16xf32>
      tpu.vector_store %arg5[%swap3A_112, %swap3A_113], %swap3A_116 {strides = array<i32>} : memref<128x128xf32, #tpu.memory_space<vmem>>, vector<1x16xf32>,
      %broadcast_in_dim3A_117 = arith.constant 0.000000e+00 : f32
      %broadcast_in_dim3A_118 = vector.broadcast %broadcast_in_dim3A_117 : f32 to vector<16xf32>
      %swap3A_119 = arith.index_cast %scan3A_68 : i32 to index
      %swap3A_120 = arith.constant 112 : index
      %swap3A_121 = tpu.vector_load %arg5[%swap3A_119, %swap3A_120] {strides = array<i32>} : memref<128x128xf32, #tpu.memory_space<vmem>>, vector<1x16xf32>,
      %swap3A_122 = vector.shape_cast %swap3A_121 : vector<1x16xf32> to vector<16xf32>
      %swap3A_123 = vector.shape_cast %broadcast_in_dim3A_118 : vector<16xf32> to vector<1x16xf32>
      tpu.vector_store %arg5[%swap3A_119, %swap3A_120], %swap3A_123 {strides = array<i32>} : memref<128x128xf32, #tpu.memory_space<vmem>>, vector<1x16xf32>,
      %scan3A_124 = arith.constant 0 : i32
      scf.yield %scan3A_124 : i32
    }
    %scan3A_6 = arith.constant 128 : i32
    %mul3A_7 = arith.constant 640 : i32
    %mul3A_8 = arith.muli %arg1, %mul3A_7 : i32
    %multiple_of3A = tpu.assume_multiple %mul3A_8, 8 : i32
    %add3A_9 = arith.constant 0 : i32
    %add3A_10 = arith.addi %multiple_of3A, %add3A_9 : i32
    "tpu.region"() ({
      %run_scoped3A = tpu.sem_alloc : memref<!tpu.dma_semaphore, #tpu.memory_space<semaphore_mem>>
      %dma_start3A = arith.constant 0 : i32
      %dma_start3A_68 = tpu.memref_slice %arg6[%add3A_10, %dma_start3A] : memref<10240x128xf32, #tpu.memory_space<vmem_shared>> -> memref<128x128xf32, #tpu.memory_space<vmem_shared>>
      %dma_start3A_69 = arith.constant 0 : i32
      %dma_start3A_70 = tpu.memref_slice %arg6[%add3A_10, %dma_start3A_69] : memref<10240x128xf32, #tpu.memory_space<vmem_shared>> -> memref<128x128xf32, #tpu.memory_space<vmem_shared>>
      tpu.enqueue_dma source(%arg5 : memref<128x128xf32, #tpu.memory_space<vmem>>) target(%dma_start3A_70 : memref<128x128xf32, #tpu.memory_space<vmem_shared>>) target_semaphore(%run_scoped3A : memref<!tpu.dma_semaphore, #tpu.memory_space<semaphore_mem>>)
      %dma_wait3A_71 = arith.constant 0 : i32
      %dma_wait3A_72 = tpu.memref_slice %arg6[%add3A_10, %dma_wait3A_71] : memref<10240x128xf32, #tpu.memory_space<vmem_shared>> -> memref<128x128xf32, #tpu.memory_space<vmem_shared>>
      %dma_wait3A_73 = arith.constant 0 : i32
      %dma_wait3A_74 = tpu.memref_slice %arg6[%add3A_10, %dma_wait3A_73] : memref<10240x128xf32, #tpu.memory_space<vmem_shared>> -> memref<128x128xf32, #tpu.memory_space<vmem_shared>>
      tpu.wait_dma2 semaphore(%run_scoped3A : memref<!tpu.dma_semaphore, #tpu.memory_space<semaphore_mem>>) src(%arg5 : memref<128x128xf32, #tpu.memory_space<vmem>>) dst(%dma_wait3A_74 : memref<128x128xf32, #tpu.memory_space<vmem_shared>>)
      tpu.yield
    }) : () -> ()
    %add3A_11 = arith.constant 128 : i32
    %add3A_12 = arith.addi %multiple_of3A, %add3A_11 : i32
    "tpu.region"() ({
      %run_scoped3A = tpu.sem_alloc : memref<!tpu.dma_semaphore, #tpu.memory_space<semaphore_mem>>
      %dma_start3A = arith.constant 0 : i32
      %dma_start3A_68 = tpu.memref_slice %arg6[%add3A_12, %dma_start3A] : memref<10240x128xf32, #tpu.memory_space<vmem_shared>> -> memref<128x128xf32, #tpu.memory_space<vmem_shared>>
      %dma_start3A_69 = arith.constant 0 : i32
      %dma_start3A_70 = tpu.memref_slice %arg6[%add3A_12, %dma_start3A_69] : memref<10240x128xf32, #tpu.memory_space<vmem_shared>> -> memref<128x128xf32, #tpu.memory_space<vmem_shared>>
      tpu.enqueue_dma source(%arg5 : memref<128x128xf32, #tpu.memory_space<vmem>>) target(%dma_start3A_70 : memref<128x128xf32, #tpu.memory_space<vmem_shared>>) target_semaphore(%run_scoped3A : memref<!tpu.dma_semaphore, #tpu.memory_space<semaphore_mem>>)
      %dma_wait3A_71 = arith.constant 0 : i32
      %dma_wait3A_72 = tpu.memref_slice %arg6[%add3A_12, %dma_wait3A_71] : memref<10240x128xf32, #tpu.memory_space<vmem_shared>> -> memref<128x128xf32, #tpu.memory_space<vmem_shared>>
      %dma_wait3A_73 = arith.constant 0 : i32
      %dma_wait3A_74 = tpu.memref_slice %arg6[%add3A_12, %dma_wait3A_73] : memref<10240x128xf32, #tpu.memory_space<vmem_shared>> -> memref<128x128xf32, #tpu.memory_space<vmem_shared>>
      tpu.wait_dma2 semaphore(%run_scoped3A : memref<!tpu.dma_semaphore, #tpu.memory_space<semaphore_mem>>) src(%arg5 : memref<128x128xf32, #tpu.memory_space<vmem>>) dst(%dma_wait3A_74 : memref<128x128xf32, #tpu.memory_space<vmem_shared>>)
      tpu.yield
    }) : () -> ()
    %add3A_13 = arith.constant 256 : i32
    %add3A_14 = arith.addi %multiple_of3A, %add3A_13 : i32
    "tpu.region"() ({
      %run_scoped3A = tpu.sem_alloc : memref<!tpu.dma_semaphore, #tpu.memory_space<semaphore_mem>>
      %dma_start3A = arith.constant 0 : i32
      %dma_start3A_68 = tpu.memref_slice %arg6[%add3A_14, %dma_start3A] : memref<10240x128xf32, #tpu.memory_space<vmem_shared>> -> memref<128x128xf32, #tpu.memory_space<vmem_shared>>
      %dma_start3A_69 = arith.constant 0 : i32
      %dma_start3A_70 = tpu.memref_slice %arg6[%add3A_14, %dma_start3A_69] : memref<10240x128xf32, #tpu.memory_space<vmem_shared>> -> memref<128x128xf32, #tpu.memory_space<vmem_shared>>
      tpu.enqueue_dma source(%arg5 : memref<128x128xf32, #tpu.memory_space<vmem>>) target(%dma_start3A_70 : memref<128x128xf32, #tpu.memory_space<vmem_shared>>) target_semaphore(%run_scoped3A : memref<!tpu.dma_semaphore, #tpu.memory_space<semaphore_mem>>)
      %dma_wait3A_71 = arith.constant 0 : i32
      %dma_wait3A_72 = tpu.memref_slice %arg6[%add3A_14, %dma_wait3A_71] : memref<10240x128xf32, #tpu.memory_space<vmem_shared>> -> memref<128x128xf32, #tpu.memory_space<vmem_shared>>
      %dma_wait3A_73 = arith.constant 0 : i32
      %dma_wait3A_74 = tpu.memref_slice %arg6[%add3A_14, %dma_wait3A_73] : memref<10240x128xf32, #tpu.memory_space<vmem_shared>> -> memref<128x128xf32, #tpu.memory_space<vmem_shared>>
      tpu.wait_dma2 semaphore(%run_scoped3A : memref<!tpu.dma_semaphore, #tpu.memory_space<semaphore_mem>>) src(%arg5 : memref<128x128xf32, #tpu.memory_space<vmem>>) dst(%dma_wait3A_74 : memref<128x128xf32, #tpu.memory_space<vmem_shared>>)
      tpu.yield
    }) : () -> ()
    %add3A_15 = arith.constant 384 : i32
    %add3A_16 = arith.addi %multiple_of3A, %add3A_15 : i32
    "tpu.region"() ({
      %run_scoped3A = tpu.sem_alloc : memref<!tpu.dma_semaphore, #tpu.memory_space<semaphore_mem>>
      %dma_start3A = arith.constant 0 : i32
      %dma_start3A_68 = tpu.memref_slice %arg6[%add3A_16, %dma_start3A] : memref<10240x128xf32, #tpu.memory_space<vmem_shared>> -> memref<128x128xf32, #tpu.memory_space<vmem_shared>>
      %dma_start3A_69 = arith.constant 0 : i32
      %dma_start3A_70 = tpu.memref_slice %arg6[%add3A_16, %dma_start3A_69] : memref<10240x128xf32, #tpu.memory_space<vmem_shared>> -> memref<128x128xf32, #tpu.memory_space<vmem_shared>>
      tpu.enqueue_dma source(%arg5 : memref<128x128xf32, #tpu.memory_space<vmem>>) target(%dma_start3A_70 : memref<128x128xf32, #tpu.memory_space<vmem_shared>>) target_semaphore(%run_scoped3A : memref<!tpu.dma_semaphore, #tpu.memory_space<semaphore_mem>>)
      %dma_wait3A_71 = arith.constant 0 : i32
      %dma_wait3A_72 = tpu.memref_slice %arg6[%add3A_16, %dma_wait3A_71] : memref<10240x128xf32, #tpu.memory_space<vmem_shared>> -> memref<128x128xf32, #tpu.memory_space<vmem_shared>>
      %dma_wait3A_73 = arith.constant 0 : i32
      %dma_wait3A_74 = tpu.memref_slice %arg6[%add3A_16, %dma_wait3A_73] : memref<10240x128xf32, #tpu.memory_space<vmem_shared>> -> memref<128x128xf32, #tpu.memory_space<vmem_shared>>
      tpu.wait_dma2 semaphore(%run_scoped3A : memref<!tpu.dma_semaphore, #tpu.memory_space<semaphore_mem>>) src(%arg5 : memref<128x128xf32, #tpu.memory_space<vmem>>) dst(%dma_wait3A_74 : memref<128x128xf32, #tpu.memory_space<vmem_shared>>)
      tpu.yield
    }) : () -> ()
    %add3A_17 = arith.constant 512 : i32
    %add3A_18 = arith.addi %multiple_of3A, %add3A_17 : i32
    "tpu.region"() ({
      %run_scoped3A = tpu.sem_alloc : memref<!tpu.dma_semaphore, #tpu.memory_space<semaphore_mem>>
      %dma_start3A = arith.constant 0 : i32
      %dma_start3A_68 = tpu.memref_slice %arg6[%add3A_18, %dma_start3A] : memref<10240x128xf32, #tpu.memory_space<vmem_shared>> -> memref<128x128xf32, #tpu.memory_space<vmem_shared>>
      %dma_start3A_69 = arith.constant 0 : i32
      %dma_start3A_70 = tpu.memref_slice %arg6[%add3A_18, %dma_start3A_69] : memref<10240x128xf32, #tpu.memory_space<vmem_shared>> -> memref<128x128xf32, #tpu.memory_space<vmem_shared>>
      tpu.enqueue_dma source(%arg5 : memref<128x128xf32, #tpu.memory_space<vmem>>) target(%dma_start3A_70 : memref<128x128xf32, #tpu.memory_space<vmem_shared>>) target_semaphore(%run_scoped3A : memref<!tpu.dma_semaphore, #tpu.memory_space<semaphore_mem>>)
      %dma_wait3A_71 = arith.constant 0 : i32
      %dma_wait3A_72 = tpu.memref_slice %arg6[%add3A_18, %dma_wait3A_71] : memref<10240x128xf32, #tpu.memory_space<vmem_shared>> -> memref<128x128xf32, #tpu.memory_space<vmem_shared>>
      %dma_wait3A_73 = arith.constant 0 : i32
      %dma_wait3A_74 = tpu.memref_slice %arg6[%add3A_18, %dma_wait3A_73] : memref<10240x128xf32, #tpu.memory_space<vmem_shared>> -> memref<128x128xf32, #tpu.memory_space<vmem_shared>>
      tpu.wait_dma2 semaphore(%run_scoped3A : memref<!tpu.dma_semaphore, #tpu.memory_space<semaphore_mem>>) src(%arg5 : memref<128x128xf32, #tpu.memory_space<vmem>>) dst(%dma_wait3A_74 : memref<128x128xf32, #tpu.memory_space<vmem_shared>>)
      tpu.yield
    }) : () -> ()
    %scan3A_19 = arith.constant 0 : i32
    %scan3A_20 = arith.constant 0 : i32
    %scan3A_21 = arith.constant 128 : i32
    %scan3A_22 = arith.addi %scan3A_20, %scan3A_21 : i32
    %scan3A_23 = arith.constant 1 : i32
    %scan3A_24 = scf.for %scan3A_68 = %scan3A_20 to %scan3A_22 step %scan3A_23 iter_args(%scan3A_69 = %scan3A_19) -> (i32)  : i32 {
      %broadcast_in_dim3A = arith.constant 1.000000e+00 : f32
      %broadcast_in_dim3A_70 = vector.broadcast %broadcast_in_dim3A : f32 to vector<16xf32>
      %swap3A = arith.index_cast %scan3A_68 : i32 to index
      %swap3A_71 = arith.constant 0 : index
      %swap3A_72 = tpu.vector_load %arg5[%swap3A, %swap3A_71] {strides = array<i32>} : memref<128x128xf32, #tpu.memory_space<vmem>>, vector<1x16xf32>,
      %swap3A_73 = vector.shape_cast %swap3A_72 : vector<1x16xf32> to vector<16xf32>
      %swap3A_74 = vector.shape_cast %broadcast_in_dim3A_70 : vector<16xf32> to vector<1x16xf32>
      tpu.vector_store %arg5[%swap3A, %swap3A_71], %swap3A_74 {strides = array<i32>} : memref<128x128xf32, #tpu.memory_space<vmem>>, vector<1x16xf32>,
      %broadcast_in_dim3A_75 = arith.constant 1.000000e+00 : f32
      %broadcast_in_dim3A_76 = vector.broadcast %broadcast_in_dim3A_75 : f32 to vector<16xf32>
      %swap3A_77 = arith.index_cast %scan3A_68 : i32 to index
      %swap3A_78 = arith.constant 16 : index
      %swap3A_79 = tpu.vector_load %arg5[%swap3A_77, %swap3A_78] {strides = array<i32>} : memref<128x128xf32, #tpu.memory_space<vmem>>, vector<1x16xf32>,
      %swap3A_80 = vector.shape_cast %swap3A_79 : vector<1x16xf32> to vector<16xf32>
      %swap3A_81 = vector.shape_cast %broadcast_in_dim3A_76 : vector<16xf32> to vector<1x16xf32>
      tpu.vector_store %arg5[%swap3A_77, %swap3A_78], %swap3A_81 {strides = array<i32>} : memref<128x128xf32, #tpu.memory_space<vmem>>, vector<1x16xf32>,
      %broadcast_in_dim3A_82 = arith.constant 1.000000e+00 : f32
      %broadcast_in_dim3A_83 = vector.broadcast %broadcast_in_dim3A_82 : f32 to vector<16xf32>
      %swap3A_84 = arith.index_cast %scan3A_68 : i32 to index
      %swap3A_85 = arith.constant 32 : index
      %swap3A_86 = tpu.vector_load %arg5[%swap3A_84, %swap3A_85] {strides = array<i32>} : memref<128x128xf32, #tpu.memory_space<vmem>>, vector<1x16xf32>,
      %swap3A_87 = vector.shape_cast %swap3A_86 : vector<1x16xf32> to vector<16xf32>
      %swap3A_88 = vector.shape_cast %broadcast_in_dim3A_83 : vector<16xf32> to vector<1x16xf32>
      tpu.vector_store %arg5[%swap3A_84, %swap3A_85], %swap3A_88 {strides = array<i32>} : memref<128x128xf32, #tpu.memory_space<vmem>>, vector<1x16xf32>,
      %broadcast_in_dim3A_89 = arith.constant 1.000000e+00 : f32
      %broadcast_in_dim3A_90 = vector.broadcast %broadcast_in_dim3A_89 : f32 to vector<16xf32>
      %swap3A_91 = arith.index_cast %scan3A_68 : i32 to index
      %swap3A_92 = arith.constant 48 : index
      %swap3A_93 = tpu.vector_load %arg5[%swap3A_91, %swap3A_92] {strides = array<i32>} : memref<128x128xf32, #tpu.memory_space<vmem>>, vector<1x16xf32>,
      %swap3A_94 = vector.shape_cast %swap3A_93 : vector<1x16xf32> to vector<16xf32>
      %swap3A_95 = vector.shape_cast %broadcast_in_dim3A_90 : vector<16xf32> to vector<1x16xf32>
      tpu.vector_store %arg5[%swap3A_91, %swap3A_92], %swap3A_95 {strides = array<i32>} : memref<128x128xf32, #tpu.memory_space<vmem>>, vector<1x16xf32>,
      %broadcast_in_dim3A_96 = arith.constant 1.000000e+00 : f32
      %broadcast_in_dim3A_97 = vector.broadcast %broadcast_in_dim3A_96 : f32 to vector<16xf32>
      %swap3A_98 = arith.index_cast %scan3A_68 : i32 to index
      %swap3A_99 = arith.constant 64 : index
      %swap3A_100 = tpu.vector_load %arg5[%swap3A_98, %swap3A_99] {strides = array<i32>} : memref<128x128xf32, #tpu.memory_space<vmem>>, vector<1x16xf32>,
      %swap3A_101 = vector.shape_cast %swap3A_100 : vector<1x16xf32> to vector<16xf32>
      %swap3A_102 = vector.shape_cast %broadcast_in_dim3A_97 : vector<16xf32> to vector<1x16xf32>
      tpu.vector_store %arg5[%swap3A_98, %swap3A_99], %swap3A_102 {strides = array<i32>} : memref<128x128xf32, #tpu.memory_space<vmem>>, vector<1x16xf32>,
      %broadcast_in_dim3A_103 = arith.constant 1.000000e+00 : f32
      %broadcast_in_dim3A_104 = vector.broadcast %broadcast_in_dim3A_103 : f32 to vector<16xf32>
      %swap3A_105 = arith.index_cast %scan3A_68 : i32 to index
      %swap3A_106 = arith.constant 80 : index
      %swap3A_107 = tpu.vector_load %arg5[%swap3A_105, %swap3A_106] {strides = array<i32>} : memref<128x128xf32, #tpu.memory_space<vmem>>, vector<1x16xf32>,
      %swap3A_108 = vector.shape_cast %swap3A_107 : vector<1x16xf32> to vector<16xf32>
      %swap3A_109 = vector.shape_cast %broadcast_in_dim3A_104 : vector<16xf32> to vector<1x16xf32>
      tpu.vector_store %arg5[%swap3A_105, %swap3A_106], %swap3A_109 {strides = array<i32>} : memref<128x128xf32, #tpu.memory_space<vmem>>, vector<1x16xf32>,
      %broadcast_in_dim3A_110 = arith.constant 1.000000e+00 : f32
      %broadcast_in_dim3A_111 = vector.broadcast %broadcast_in_dim3A_110 : f32 to vector<16xf32>
      %swap3A_112 = arith.index_cast %scan3A_68 : i32 to index
      %swap3A_113 = arith.constant 96 : index
      %swap3A_114 = tpu.vector_load %arg5[%swap3A_112, %swap3A_113] {strides = array<i32>} : memref<128x128xf32, #tpu.memory_space<vmem>>, vector<1x16xf32>,
      %swap3A_115 = vector.shape_cast %swap3A_114 : vector<1x16xf32> to vector<16xf32>
      %swap3A_116 = vector.shape_cast %broadcast_in_dim3A_111 : vector<16xf32> to vector<1x16xf32>
      tpu.vector_store %arg5[%swap3A_112, %swap3A_113], %swap3A_116 {strides = array<i32>} : memref<128x128xf32, #tpu.memory_space<vmem>>, vector<1x16xf32>,
      %broadcast_in_dim3A_117 = arith.constant 1.000000e+00 : f32
      %broadcast_in_dim3A_118 = vector.broadcast %broadcast_in_dim3A_117 : f32 to vector<16xf32>
      %swap3A_119 = arith.index_cast %scan3A_68 : i32 to index
      %swap3A_120 = arith.constant 112 : index
      %swap3A_121 = tpu.vector_load %arg5[%swap3A_119, %swap3A_120] {strides = array<i32>} : memref<128x128xf32, #tpu.memory_space<vmem>>, vector<1x16xf32>,
      %swap3A_122 = vector.shape_cast %swap3A_121 : vector<1x16xf32> to vector<16xf32>
      %swap3A_123 = vector.shape_cast %broadcast_in_dim3A_118 : vector<16xf32> to vector<1x16xf32>
      tpu.vector_store %arg5[%swap3A_119, %swap3A_120], %swap3A_123 {strides = array<i32>} : memref<128x128xf32, #tpu.memory_space<vmem>>, vector<1x16xf32>,
      %scan3A_124 = arith.constant 0 : i32
      scf.yield %scan3A_124 : i32
    }
    %scan3A_25 = arith.constant 128 : i32
    %barrier3A = arith.constant 0 : index
    tpu.barrier barrier_id(%barrier3A)
    "tpu.region"() ({
      %run_scoped3A = tpu.sem_alloc : memref<!tpu.dma_semaphore, #tpu.memory_space<semaphore_mem>>
      %dma_start3A = arith.constant 0 : i32
      %dma_start3A_68 = arith.constant 0 : i32
      %dma_start3A_69 = tpu.memref_slice %arg2[%add3A, %dma_start3A, %dma_start3A_68] : memref<32x80x128xi32, #tpu.memory_space<hbm>> -> memref<1x40x128xi32, #tpu.memory_space<hbm>>
      %dma_start3A_70 = tpu.memref_squeeze %dma_start3A_69 : memref<1x40x128xi32, #tpu.memory_space<hbm>> -> memref<40x128xi32, #tpu.memory_space<hbm>>
      %dma_start3A_71 = arith.constant 0 : i32
      %dma_start3A_72 = arith.constant 0 : i32
      %dma_start3A_73 = tpu.memref_slice %arg2[%add3A, %dma_start3A_71, %dma_start3A_72] : memref<32x80x128xi32, #tpu.memory_space<hbm>> -> memref<1x40x128xi32, #tpu.memory_space<hbm>>
      %dma_start3A_74 = tpu.memref_squeeze %dma_start3A_73 : memref<1x40x128xi32, #tpu.memory_space<hbm>> -> memref<40x128xi32, #tpu.memory_space<hbm>>
      tpu.enqueue_dma source(%dma_start3A_74 : memref<40x128xi32, #tpu.memory_space<hbm>>) target(%arg4 : memref<40x128xi32, #tpu.memory_space<vmem>>) target_semaphore(%run_scoped3A : memref<!tpu.dma_semaphore, #tpu.memory_space<semaphore_mem>>)
      %dma_wait3A_75 = arith.constant 0 : i32
      %dma_wait3A_76 = arith.constant 0 : i32
      %dma_wait3A_77 = tpu.memref_slice %arg2[%add3A, %dma_wait3A_75, %dma_wait3A_76] : memref<32x80x128xi32, #tpu.memory_space<hbm>> -> memref<1x40x128xi32, #tpu.memory_space<hbm>>
      %dma_wait3A_78 = tpu.memref_squeeze %dma_wait3A_77 : memref<1x40x128xi32, #tpu.memory_space<hbm>> -> memref<40x128xi32, #tpu.memory_space<hbm>>
      %dma_wait3A_79 = arith.constant 0 : i32
      %dma_wait3A_80 = arith.constant 0 : i32
      %dma_wait3A_81 = tpu.memref_slice %arg2[%add3A, %dma_wait3A_79, %dma_wait3A_80] : memref<32x80x128xi32, #tpu.memory_space<hbm>> -> memref<1x40x128xi32, #tpu.memory_space<hbm>>
      %dma_wait3A_82 = tpu.memref_squeeze %dma_wait3A_81 : memref<1x40x128xi32, #tpu.memory_space<hbm>> -> memref<40x128xi32, #tpu.memory_space<hbm>>
      tpu.wait_dma2 semaphore(%run_scoped3A : memref<!tpu.dma_semaphore, #tpu.memory_space<semaphore_mem>>) src(%dma_wait3A_82 : memref<40x128xi32, #tpu.memory_space<hbm>>) dst(%arg4 : memref<40x128xi32, #tpu.memory_space<vmem>>)
      tpu.yield
    }) : () -> ()
    %scan3A_26 = arith.constant 0 : i32
    %scan3A_27 = arith.constant 0 : i32
    %scan3A_28 = arith.constant 40 : i32
    %scan3A_29 = arith.addi %scan3A_27, %scan3A_28 : i32
    %scan3A_30 = arith.constant 1 : i32
    %scan3A_31 = scf.for %scan3A_68 = %scan3A_27 to %scan3A_29 step %scan3A_30 iter_args(%scan3A_69 = %scan3A_26) -> (i32)  : i32 {
      %ge3A = arith.constant 2 : i32
      %ge3A_70 = arith.cmpi sge, %scan3A_68, %ge3A : i32
      %convert_element_type3A = arith.extui %ge3A_70 : i1 to i32
      %cond3A = arith.constant 0 : i32
      %cond3A_71 = arith.cmpi ne, %convert_element_type3A, %cond3A : i32
      scf.if %cond3A_71 {
        %dma_wait3A_78 = arith.constant 0 : i32
        %dma_wait3A_79 = tpu.memref_slice %arg4[%scan3A_68, %dma_wait3A_78] : memref<40x128xi32, #tpu.memory_space<vmem>> -> memref<1x128xi32, #tpu.memory_space<vmem>>
        %dma_wait3A_80 = tpu.memref_squeeze %dma_wait3A_79 : memref<1x128xi32, #tpu.memory_space<vmem>> -> memref<128xi32, #tpu.memory_space<vmem>>
        %dma_wait3A_81 = arith.constant 0 : i32
        %dma_wait3A_82 = arith.constant 0 : i32
        %dma_wait3A_83 = tpu.memref_slice %arg6[%dma_wait3A_81, %dma_wait3A_82] : memref<10240x128xf32, #tpu.memory_space<vmem_shared>> -> memref<10240x128xf32, #tpu.memory_space<vmem_shared>>
        tpu.wait_indirect_dma semaphore(%arg7 : memref<!tpu.dma_semaphore, #tpu.memory_space<semaphore_mem>>) src(%arg5 : memref<128x128xf32, #tpu.memory_space<vmem>>) dst(%dma_wait3A_83 : memref<10240x128xf32, #tpu.memory_space<vmem_shared>>)
      } else {
      }
      %dma_start3A = arith.constant 0 : i32
      %dma_start3A_72 = tpu.memref_slice %arg4[%scan3A_68, %dma_start3A] : memref<40x128xi32, #tpu.memory_space<vmem>> -> memref<1x128xi32, #tpu.memory_space<vmem>>
      %dma_start3A_73 = tpu.memref_squeeze %dma_start3A_72 : memref<1x128xi32, #tpu.memory_space<vmem>> -> memref<128xi32, #tpu.memory_space<vmem>>
      %dma_start3A_74 = arith.constant 0 : i32
      %dma_start3A_75 = arith.constant 0 : i32
      %dma_start3A_76 = tpu.memref_slice %arg6[%dma_start3A_74, %dma_start3A_75] : memref<10240x128xf32, #tpu.memory_space<vmem_shared>> -> memref<10240x128xf32, #tpu.memory_space<vmem_shared>>
      tpu.enqueue_indirect_dma source(%arg5 : memref<128x128xf32, #tpu.memory_space<vmem>>) target(%dma_start3A_76 : memref<10240x128xf32, #tpu.memory_space<vmem_shared>>) offsets(%dma_start3A_73 : memref<128xi32, #tpu.memory_space<vmem>>) semaphore(%arg7 : memref<!tpu.dma_semaphore, #tpu.memory_space<semaphore_mem>>) {add = true}
      %scan3A_77 = arith.constant 0 : i32
      scf.yield %scan3A_77 : i32
    }
    %scan3A_32 = arith.constant 40 : i32
    %dma_wait3A = arith.constant 0 : i32
    %dma_wait3A_33 = arith.constant 0 : i32
    %dma_wait3A_34 = tpu.memref_slice %arg4[%dma_wait3A, %dma_wait3A_33] : memref<40x128xi32, #tpu.memory_space<vmem>> -> memref<1x128xi32, #tpu.memory_space<vmem>>
    %dma_wait3A_35 = tpu.memref_squeeze %dma_wait3A_34 : memref<1x128xi32, #tpu.memory_space<vmem>> -> memref<128xi32, #tpu.memory_space<vmem>>
    %dma_wait3A_36 = arith.constant 0 : i32
    %dma_wait3A_37 = arith.constant 0 : i32
    %dma_wait3A_38 = tpu.memref_slice %arg6[%dma_wait3A_36, %dma_wait3A_37] : memref<10240x128xf32, #tpu.memory_space<vmem_shared>> -> memref<10240x128xf32, #tpu.memory_space<vmem_shared>>
    tpu.wait_indirect_dma semaphore(%arg7 : memref<!tpu.dma_semaphore, #tpu.memory_space<semaphore_mem>>) src(%arg5 : memref<128x128xf32, #tpu.memory_space<vmem>>) dst(%dma_wait3A_38 : memref<10240x128xf32, #tpu.memory_space<vmem_shared>>)
    %dma_wait3A_39 = arith.constant 0 : i32
    %dma_wait3A_40 = arith.constant 0 : i32
    %dma_wait3A_41 = tpu.memref_slice %arg4[%dma_wait3A_39, %dma_wait3A_40] : memref<40x128xi32, #tpu.memory_space<vmem>> -> memref<1x128xi32, #tpu.memory_space<vmem>>
    %dma_wait3A_42 = tpu.memref_squeeze %dma_wait3A_41 : memref<1x128xi32, #tpu.memory_space<vmem>> -> memref<128xi32, #tpu.memory_space<vmem>>
    %dma_wait3A_43 = arith.constant 0 : i32
    %dma_wait3A_44 = arith.constant 0 : i32
    %dma_wait3A_45 = tpu.memref_slice %arg6[%dma_wait3A_43, %dma_wait3A_44] : memref<10240x128xf32, #tpu.memory_space<vmem_shared>> -> memref<10240x128xf32, #tpu.memory_space<vmem_shared>>
    tpu.wait_indirect_dma semaphore(%arg7 : memref<!tpu.dma_semaphore, #tpu.memory_space<semaphore_mem>>) src(%arg5 : memref<128x128xf32, #tpu.memory_space<vmem>>) dst(%dma_wait3A_45 : memref<10240x128xf32, #tpu.memory_space<vmem_shared>>)
    "tpu.region"() ({
      %run_scoped3A = tpu.sem_alloc : memref<!tpu.dma_semaphore, #tpu.memory_space<semaphore_mem>>
      %dma_start3A = arith.constant 40 : i32
      %dma_start3A_68 = arith.constant 0 : i32
      %dma_start3A_69 = tpu.memref_slice %arg2[%add3A, %dma_start3A, %dma_start3A_68] : memref<32x80x128xi32, #tpu.memory_space<hbm>> -> memref<1x40x128xi32, #tpu.memory_space<hbm>>
      %dma_start3A_70 = tpu.memref_squeeze %dma_start3A_69 : memref<1x40x128xi32, #tpu.memory_space<hbm>> -> memref<40x128xi32, #tpu.memory_space<hbm>>
      %dma_start3A_71 = arith.constant 40 : i32
      %dma_start3A_72 = arith.constant 0 : i32
      %dma_start3A_73 = tpu.memref_slice %arg2[%add3A, %dma_start3A_71, %dma_start3A_72] : memref<32x80x128xi32, #tpu.memory_space<hbm>> -> memref<1x40x128xi32, #tpu.memory_space<hbm>>
      %dma_start3A_74 = tpu.memref_squeeze %dma_start3A_73 : memref<1x40x128xi32, #tpu.memory_space<hbm>> -> memref<40x128xi32, #tpu.memory_space<hbm>>
      tpu.enqueue_dma source(%dma_start3A_74 : memref<40x128xi32, #tpu.memory_space<hbm>>) target(%arg4 : memref<40x128xi32, #tpu.memory_space<vmem>>) target_semaphore(%run_scoped3A : memref<!tpu.dma_semaphore, #tpu.memory_space<semaphore_mem>>)
      %dma_wait3A_75 = arith.constant 40 : i32
      %dma_wait3A_76 = arith.constant 0 : i32
      %dma_wait3A_77 = tpu.memref_slice %arg2[%add3A, %dma_wait3A_75, %dma_wait3A_76] : memref<32x80x128xi32, #tpu.memory_space<hbm>> -> memref<1x40x128xi32, #tpu.memory_space<hbm>>
      %dma_wait3A_78 = tpu.memref_squeeze %dma_wait3A_77 : memref<1x40x128xi32, #tpu.memory_space<hbm>> -> memref<40x128xi32, #tpu.memory_space<hbm>>
      %dma_wait3A_79 = arith.constant 40 : i32
      %dma_wait3A_80 = arith.constant 0 : i32
      %dma_wait3A_81 = tpu.memref_slice %arg2[%add3A, %dma_wait3A_79, %dma_wait3A_80] : memref<32x80x128xi32, #tpu.memory_space<hbm>> -> memref<1x40x128xi32, #tpu.memory_space<hbm>>
      %dma_wait3A_82 = tpu.memref_squeeze %dma_wait3A_81 : memref<1x40x128xi32, #tpu.memory_space<hbm>> -> memref<40x128xi32, #tpu.memory_space<hbm>>
      tpu.wait_dma2 semaphore(%run_scoped3A : memref<!tpu.dma_semaphore, #tpu.memory_space<semaphore_mem>>) src(%dma_wait3A_82 : memref<40x128xi32, #tpu.memory_space<hbm>>) dst(%arg4 : memref<40x128xi32, #tpu.memory_space<vmem>>)
      tpu.yield
    }) : () -> ()
    %scan3A_46 = arith.constant 0 : i32
    %scan3A_47 = arith.constant 0 : i32
    %scan3A_48 = arith.constant 40 : i32
    %scan3A_49 = arith.addi %scan3A_47, %scan3A_48 : i32
    %scan3A_50 = arith.constant 1 : i32
    %scan3A_51 = scf.for %scan3A_68 = %scan3A_47 to %scan3A_49 step %scan3A_50 iter_args(%scan3A_69 = %scan3A_46) -> (i32)  : i32 {
      %ge3A = arith.constant 2 : i32
      %ge3A_70 = arith.cmpi sge, %scan3A_68, %ge3A : i32
      %convert_element_type3A = arith.extui %ge3A_70 : i1 to i32
      %cond3A = arith.constant 0 : i32
      %cond3A_71 = arith.cmpi ne, %convert_element_type3A, %cond3A : i32
      scf.if %cond3A_71 {
        %dma_wait3A_78 = arith.constant 0 : i32
        %dma_wait3A_79 = tpu.memref_slice %arg4[%scan3A_68, %dma_wait3A_78] : memref<40x128xi32, #tpu.memory_space<vmem>> -> memref<1x128xi32, #tpu.memory_space<vmem>>
        %dma_wait3A_80 = tpu.memref_squeeze %dma_wait3A_79 : memref<1x128xi32, #tpu.memory_space<vmem>> -> memref<128xi32, #tpu.memory_space<vmem>>
        %dma_wait3A_81 = arith.constant 0 : i32
        %dma_wait3A_82 = arith.constant 0 : i32
        %dma_wait3A_83 = tpu.memref_slice %arg6[%dma_wait3A_81, %dma_wait3A_82] : memref<10240x128xf32, #tpu.memory_space<vmem_shared>> -> memref<10240x128xf32, #tpu.memory_space<vmem_shared>>
        tpu.wait_indirect_dma semaphore(%arg7 : memref<!tpu.dma_semaphore, #tpu.memory_space<semaphore_mem>>) src(%arg5 : memref<128x128xf32, #tpu.memory_space<vmem>>) dst(%dma_wait3A_83 : memref<10240x128xf32, #tpu.memory_space<vmem_shared>>)
      } else {
      }
      %dma_start3A = arith.constant 0 : i32
      %dma_start3A_72 = tpu.memref_slice %arg4[%scan3A_68, %dma_start3A] : memref<40x128xi32, #tpu.memory_space<vmem>> -> memref<1x128xi32, #tpu.memory_space<vmem>>
      %dma_start3A_73 = tpu.memref_squeeze %dma_start3A_72 : memref<1x128xi32, #tpu.memory_space<vmem>> -> memref<128xi32, #tpu.memory_space<vmem>>
      %dma_start3A_74 = arith.constant 0 : i32
      %dma_start3A_75 = arith.constant 0 : i32
      %dma_start3A_76 = tpu.memref_slice %arg6[%dma_start3A_74, %dma_start3A_75] : memref<10240x128xf32, #tpu.memory_space<vmem_shared>> -> memref<10240x128xf32, #tpu.memory_space<vmem_shared>>
      tpu.enqueue_indirect_dma source(%arg5 : memref<128x128xf32, #tpu.memory_space<vmem>>) target(%dma_start3A_76 : memref<10240x128xf32, #tpu.memory_space<vmem_shared>>) offsets(%dma_start3A_73 : memref<128xi32, #tpu.memory_space<vmem>>) semaphore(%arg7 : memref<!tpu.dma_semaphore, #tpu.memory_space<semaphore_mem>>) {add = true}
      %scan3A_77 = arith.constant 0 : i32
      scf.yield %scan3A_77 : i32
    }
    %scan3A_52 = arith.constant 40 : i32
    %dma_wait3A_53 = arith.constant 0 : i32
    %dma_wait3A_54 = arith.constant 0 : i32
    %dma_wait3A_55 = tpu.memref_slice %arg4[%dma_wait3A_53, %dma_wait3A_54] : memref<40x128xi32, #tpu.memory_space<vmem>> -> memref<1x128xi32, #tpu.memory_space<vmem>>
    %dma_wait3A_56 = tpu.memref_squeeze %dma_wait3A_55 : memref<1x128xi32, #tpu.memory_space<vmem>> -> memref<128xi32, #tpu.memory_space<vmem>>
    %dma_wait3A_57 = arith.constant 0 : i32
    %dma_wait3A_58 = arith.constant 0 : i32
    %dma_wait3A_59 = tpu.memref_slice %arg6[%dma_wait3A_57, %dma_wait3A_58] : memref<10240x128xf32, #tpu.memory_space<vmem_shared>> -> memref<10240x128xf32, #tpu.memory_space<vmem_shared>>
    tpu.wait_indirect_dma semaphore(%arg7 : memref<!tpu.dma_semaphore, #tpu.memory_space<semaphore_mem>>) src(%arg5 : memref<128x128xf32, #tpu.memory_space<vmem>>) dst(%dma_wait3A_59 : memref<10240x128xf32, #tpu.memory_space<vmem_shared>>)
    %dma_wait3A_60 = arith.constant 0 : i32
    %dma_wait3A_61 = arith.constant 0 : i32
    %dma_wait3A_62 = tpu.memref_slice %arg4[%dma_wait3A_60, %dma_wait3A_61] : memref<40x128xi32, #tpu.memory_space<vmem>> -> memref<1x128xi32, #tpu.memory_space<vmem>>
    %dma_wait3A_63 = tpu.memref_squeeze %dma_wait3A_62 : memref<1x128xi32, #tpu.memory_space<vmem>> -> memref<128xi32, #tpu.memory_space<vmem>>
    %dma_wait3A_64 = arith.constant 0 : i32
    %dma_wait3A_65 = arith.constant 0 : i32
    %dma_wait3A_66 = tpu.memref_slice %arg6[%dma_wait3A_64, %dma_wait3A_65] : memref<10240x128xf32, #tpu.memory_space<vmem_shared>> -> memref<10240x128xf32, #tpu.memory_space<vmem_shared>>
    tpu.wait_indirect_dma semaphore(%arg7 : memref<!tpu.dma_semaphore, #tpu.memory_space<semaphore_mem>>) src(%arg5 : memref<128x128xf32, #tpu.memory_space<vmem>>) dst(%dma_wait3A_66 : memref<10240x128xf32, #tpu.memory_space<vmem_shared>>)
    %barrier3A_67 = arith.constant 0 : index
    tpu.barrier barrier_id(%barrier3A_67)
    "tpu.region"() ({
      %run_scoped3A = tpu.sem_alloc : memref<!tpu.dma_semaphore, #tpu.memory_space<semaphore_mem>>
      %dma_start3A = arith.constant 0 : i32
      %dma_start3A_68 = tpu.memref_slice %arg3[%arg0, %multiple_of3A, %dma_start3A] : memref<2x10240x128xf32, #tpu.memory_space<hbm>> -> memref<1x640x128xf32, #tpu.memory_space<hbm>>
      %dma_start3A_69 = tpu.memref_squeeze %dma_start3A_68 : memref<1x640x128xf32, #tpu.memory_space<hbm>> -> memref<640x128xf32, #tpu.memory_space<hbm>>
      %dma_start3A_70 = arith.constant 0 : i32
      %dma_start3A_71 = tpu.memref_slice %arg6[%multiple_of3A, %dma_start3A_70] : memref<10240x128xf32, #tpu.memory_space<vmem_shared>> -> memref<640x128xf32, #tpu.memory_space<vmem_shared>>
      tpu.enqueue_dma source(%dma_start3A_71 : memref<640x128xf32, #tpu.memory_space<vmem_shared>>) target(%dma_start3A_69 : memref<640x128xf32, #tpu.memory_space<hbm>>) target_semaphore(%run_scoped3A : memref<!tpu.dma_semaphore, #tpu.memory_space<semaphore_mem>>)
      %dma_wait3A_72 = arith.constant 0 : i32
      %dma_wait3A_73 = tpu.memref_slice %arg3[%arg0, %multiple_of3A, %dma_wait3A_72] : memref<2x10240x128xf32, #tpu.memory_space<hbm>> -> memref<1x640x128xf32, #tpu.memory_space<hbm>>
      %dma_wait3A_74 = tpu.memref_squeeze %dma_wait3A_73 : memref<1x640x128xf32, #tpu.memory_space<hbm>> -> memref<640x128xf32, #tpu.memory_space<hbm>>
      %dma_wait3A_75 = arith.constant 0 : i32
      %dma_wait3A_76 = tpu.memref_slice %arg6[%multiple_of3A, %dma_wait3A_75] : memref<10240x128xf32, #tpu.memory_space<vmem_shared>> -> memref<640x128xf32, #tpu.memory_space<vmem_shared>>
      tpu.wait_dma2 semaphore(%run_scoped3A : memref<!tpu.dma_semaphore, #tpu.memory_space<semaphore_mem>>) src(%dma_wait3A_76 : memref<640x128xf32, #tpu.memory_space<vmem_shared>>) dst(%dma_wait3A_74 : memref<640x128xf32, #tpu.memory_space<hbm>>)
      tpu.yield
    }) : () -> ()
    return
  }
}

#map = affine_map<(d0, d1) -> (0, 0)>
#map1 = affine_map<(d0, d1) -> (0, 0, 0)>
module attributes {stable_mosaic.version = 14 : i64} {
  func.func @_sc_hop(%arg0: i32, %arg1: i32, %arg2: memref<10240x128xf32, #tpu.memory_space<hbm>>, %arg3: memref<32x80x128xi32, #tpu.memory_space<hbm>>, %arg4: memref<32x80x128xi32, #tpu.memory_space<hbm>>, %arg5: memref<2x10240x128xf32, #tpu.memory_space<hbm>>, %arg6: memref<40x128xi32, #tpu.memory_space<vmem>>, %arg7: memref<40x128xi32, #tpu.memory_space<vmem>>, %arg8: memref<128x128xf32, #tpu.memory_space<vmem>>, %arg9: memref<128x128xf32, #tpu.memory_space<vmem>>, %arg10: memref<10240x128xf32, #tpu.memory_space<vmem_shared>>, %arg11: memref<!tpu.dma_semaphore, #tpu.memory_space<semaphore_mem>>, %arg12: memref<!tpu.dma_semaphore, #tpu.memory_space<semaphore_mem>>) attributes {dimension_semantics = [#tpu.dimension_semantics<core_parallel>, #tpu.dimension_semantics<subcore_parallel>], iteration_bounds = array<i64: 2, 16>, scalar_prefetch = 0 : i64, scratch_operands = 7 : i64, tpu.core_type = #tpu.core_type<sc_vector_subcore>, window_params = [{transform_indices = #map}, {transform_indices = #map1}, {transform_indices = #map1}, {transform_indices = #map1}]} {
    %mul3A = arith.constant 16 : i32
    %mul3A_0 = arith.muli %arg0, %mul3A : i32
    %add3A = arith.addi %mul3A_0, %arg1 : i32
    %scan3A = arith.constant 0 : i32
    %scan3A_1 = arith.constant 0 : i32
    %scan3A_2 = arith.constant 128 : i32
    %scan3A_3 = arith.addi %scan3A_1, %scan3A_2 : i32
    %scan3A_4 = arith.constant 1 : i32
    %scan3A_5 = scf.for %scan3A_74 = %scan3A_1 to %scan3A_3 step %scan3A_4 iter_args(%scan3A_75 = %scan3A) -> (i32)  : i32 {
      %broadcast_in_dim3A = arith.constant 0.000000e+00 : f32
      %broadcast_in_dim3A_76 = vector.broadcast %broadcast_in_dim3A : f32 to vector<16xf32>
      %swap3A = arith.index_cast %scan3A_74 : i32 to index
      %swap3A_77 = arith.constant 0 : index
      %swap3A_78 = tpu.vector_load %arg8[%swap3A, %swap3A_77] {strides = array<i32>} : memref<128x128xf32, #tpu.memory_space<vmem>>, vector<1x16xf32>,
      %swap3A_79 = vector.shape_cast %swap3A_78 : vector<1x16xf32> to vector<16xf32>
      %swap3A_80 = vector.shape_cast %broadcast_in_dim3A_76 : vector<16xf32> to vector<1x16xf32>
      tpu.vector_store %arg8[%swap3A, %swap3A_77], %swap3A_80 {strides = array<i32>} : memref<128x128xf32, #tpu.memory_space<vmem>>, vector<1x16xf32>,
      %broadcast_in_dim3A_81 = arith.constant 0.000000e+00 : f32
      %broadcast_in_dim3A_82 = vector.broadcast %broadcast_in_dim3A_81 : f32 to vector<16xf32>
      %swap3A_83 = arith.index_cast %scan3A_74 : i32 to index
      %swap3A_84 = arith.constant 16 : index
      %swap3A_85 = tpu.vector_load %arg8[%swap3A_83, %swap3A_84] {strides = array<i32>} : memref<128x128xf32, #tpu.memory_space<vmem>>, vector<1x16xf32>,
      %swap3A_86 = vector.shape_cast %swap3A_85 : vector<1x16xf32> to vector<16xf32>
      %swap3A_87 = vector.shape_cast %broadcast_in_dim3A_82 : vector<16xf32> to vector<1x16xf32>
      tpu.vector_store %arg8[%swap3A_83, %swap3A_84], %swap3A_87 {strides = array<i32>} : memref<128x128xf32, #tpu.memory_space<vmem>>, vector<1x16xf32>,
      %broadcast_in_dim3A_88 = arith.constant 0.000000e+00 : f32
      %broadcast_in_dim3A_89 = vector.broadcast %broadcast_in_dim3A_88 : f32 to vector<16xf32>
      %swap3A_90 = arith.index_cast %scan3A_74 : i32 to index
      %swap3A_91 = arith.constant 32 : index
      %swap3A_92 = tpu.vector_load %arg8[%swap3A_90, %swap3A_91] {strides = array<i32>} : memref<128x128xf32, #tpu.memory_space<vmem>>, vector<1x16xf32>,
      %swap3A_93 = vector.shape_cast %swap3A_92 : vector<1x16xf32> to vector<16xf32>
      %swap3A_94 = vector.shape_cast %broadcast_in_dim3A_89 : vector<16xf32> to vector<1x16xf32>
      tpu.vector_store %arg8[%swap3A_90, %swap3A_91], %swap3A_94 {strides = array<i32>} : memref<128x128xf32, #tpu.memory_space<vmem>>, vector<1x16xf32>,
      %broadcast_in_dim3A_95 = arith.constant 0.000000e+00 : f32
      %broadcast_in_dim3A_96 = vector.broadcast %broadcast_in_dim3A_95 : f32 to vector<16xf32>
      %swap3A_97 = arith.index_cast %scan3A_74 : i32 to index
      %swap3A_98 = arith.constant 48 : index
      %swap3A_99 = tpu.vector_load %arg8[%swap3A_97, %swap3A_98] {strides = array<i32>} : memref<128x128xf32, #tpu.memory_space<vmem>>, vector<1x16xf32>,
      %swap3A_100 = vector.shape_cast %swap3A_99 : vector<1x16xf32> to vector<16xf32>
      %swap3A_101 = vector.shape_cast %broadcast_in_dim3A_96 : vector<16xf32> to vector<1x16xf32>
      tpu.vector_store %arg8[%swap3A_97, %swap3A_98], %swap3A_101 {strides = array<i32>} : memref<128x128xf32, #tpu.memory_space<vmem>>, vector<1x16xf32>,
      %broadcast_in_dim3A_102 = arith.constant 0.000000e+00 : f32
      %broadcast_in_dim3A_103 = vector.broadcast %broadcast_in_dim3A_102 : f32 to vector<16xf32>
      %swap3A_104 = arith.index_cast %scan3A_74 : i32 to index
      %swap3A_105 = arith.constant 64 : index
      %swap3A_106 = tpu.vector_load %arg8[%swap3A_104, %swap3A_105] {strides = array<i32>} : memref<128x128xf32, #tpu.memory_space<vmem>>, vector<1x16xf32>,
      %swap3A_107 = vector.shape_cast %swap3A_106 : vector<1x16xf32> to vector<16xf32>
      %swap3A_108 = vector.shape_cast %broadcast_in_dim3A_103 : vector<16xf32> to vector<1x16xf32>
      tpu.vector_store %arg8[%swap3A_104, %swap3A_105], %swap3A_108 {strides = array<i32>} : memref<128x128xf32, #tpu.memory_space<vmem>>, vector<1x16xf32>,
      %broadcast_in_dim3A_109 = arith.constant 0.000000e+00 : f32
      %broadcast_in_dim3A_110 = vector.broadcast %broadcast_in_dim3A_109 : f32 to vector<16xf32>
      %swap3A_111 = arith.index_cast %scan3A_74 : i32 to index
      %swap3A_112 = arith.constant 80 : index
      %swap3A_113 = tpu.vector_load %arg8[%swap3A_111, %swap3A_112] {strides = array<i32>} : memref<128x128xf32, #tpu.memory_space<vmem>>, vector<1x16xf32>,
      %swap3A_114 = vector.shape_cast %swap3A_113 : vector<1x16xf32> to vector<16xf32>
      %swap3A_115 = vector.shape_cast %broadcast_in_dim3A_110 : vector<16xf32> to vector<1x16xf32>
      tpu.vector_store %arg8[%swap3A_111, %swap3A_112], %swap3A_115 {strides = array<i32>} : memref<128x128xf32, #tpu.memory_space<vmem>>, vector<1x16xf32>,
      %broadcast_in_dim3A_116 = arith.constant 0.000000e+00 : f32
      %broadcast_in_dim3A_117 = vector.broadcast %broadcast_in_dim3A_116 : f32 to vector<16xf32>
      %swap3A_118 = arith.index_cast %scan3A_74 : i32 to index
      %swap3A_119 = arith.constant 96 : index
      %swap3A_120 = tpu.vector_load %arg8[%swap3A_118, %swap3A_119] {strides = array<i32>} : memref<128x128xf32, #tpu.memory_space<vmem>>, vector<1x16xf32>,
      %swap3A_121 = vector.shape_cast %swap3A_120 : vector<1x16xf32> to vector<16xf32>
      %swap3A_122 = vector.shape_cast %broadcast_in_dim3A_117 : vector<16xf32> to vector<1x16xf32>
      tpu.vector_store %arg8[%swap3A_118, %swap3A_119], %swap3A_122 {strides = array<i32>} : memref<128x128xf32, #tpu.memory_space<vmem>>, vector<1x16xf32>,
      %broadcast_in_dim3A_123 = arith.constant 0.000000e+00 : f32
      %broadcast_in_dim3A_124 = vector.broadcast %broadcast_in_dim3A_123 : f32 to vector<16xf32>
      %swap3A_125 = arith.index_cast %scan3A_74 : i32 to index
      %swap3A_126 = arith.constant 112 : index
      %swap3A_127 = tpu.vector_load %arg8[%swap3A_125, %swap3A_126] {strides = array<i32>} : memref<128x128xf32, #tpu.memory_space<vmem>>, vector<1x16xf32>,
      %swap3A_128 = vector.shape_cast %swap3A_127 : vector<1x16xf32> to vector<16xf32>
      %swap3A_129 = vector.shape_cast %broadcast_in_dim3A_124 : vector<16xf32> to vector<1x16xf32>
      tpu.vector_store %arg8[%swap3A_125, %swap3A_126], %swap3A_129 {strides = array<i32>} : memref<128x128xf32, #tpu.memory_space<vmem>>, vector<1x16xf32>,
      %scan3A_130 = arith.constant 0 : i32
      scf.yield %scan3A_130 : i32
    }
    %scan3A_6 = arith.constant 128 : i32
    %mul3A_7 = arith.constant 640 : i32
    %mul3A_8 = arith.muli %arg1, %mul3A_7 : i32
    %multiple_of3A = tpu.assume_multiple %mul3A_8, 8 : i32
    %add3A_9 = arith.constant 0 : i32
    %add3A_10 = arith.addi %multiple_of3A, %add3A_9 : i32
    "tpu.region"() ({
      %run_scoped3A = tpu.sem_alloc : memref<!tpu.dma_semaphore, #tpu.memory_space<semaphore_mem>>
      %dma_start3A_74 = arith.constant 0 : i32
      %dma_start3A_75 = tpu.memref_slice %arg10[%add3A_10, %dma_start3A_74] : memref<10240x128xf32, #tpu.memory_space<vmem_shared>> -> memref<128x128xf32, #tpu.memory_space<vmem_shared>>
      %dma_start3A_76 = arith.constant 0 : i32
      %dma_start3A_77 = tpu.memref_slice %arg10[%add3A_10, %dma_start3A_76] : memref<10240x128xf32, #tpu.memory_space<vmem_shared>> -> memref<128x128xf32, #tpu.memory_space<vmem_shared>>
      tpu.enqueue_dma source(%arg8 : memref<128x128xf32, #tpu.memory_space<vmem>>) target(%dma_start3A_77 : memref<128x128xf32, #tpu.memory_space<vmem_shared>>) target_semaphore(%run_scoped3A : memref<!tpu.dma_semaphore, #tpu.memory_space<semaphore_mem>>)
      %dma_wait3A_78 = arith.constant 0 : i32
      %dma_wait3A_79 = tpu.memref_slice %arg10[%add3A_10, %dma_wait3A_78] : memref<10240x128xf32, #tpu.memory_space<vmem_shared>> -> memref<128x128xf32, #tpu.memory_space<vmem_shared>>
      %dma_wait3A_80 = arith.constant 0 : i32
      %dma_wait3A_81 = tpu.memref_slice %arg10[%add3A_10, %dma_wait3A_80] : memref<10240x128xf32, #tpu.memory_space<vmem_shared>> -> memref<128x128xf32, #tpu.memory_space<vmem_shared>>
      tpu.wait_dma2 semaphore(%run_scoped3A : memref<!tpu.dma_semaphore, #tpu.memory_space<semaphore_mem>>) src(%arg8 : memref<128x128xf32, #tpu.memory_space<vmem>>) dst(%dma_wait3A_81 : memref<128x128xf32, #tpu.memory_space<vmem_shared>>)
      tpu.yield
    }) : () -> ()
    %add3A_11 = arith.constant 128 : i32
    %add3A_12 = arith.addi %multiple_of3A, %add3A_11 : i32
    "tpu.region"() ({
      %run_scoped3A = tpu.sem_alloc : memref<!tpu.dma_semaphore, #tpu.memory_space<semaphore_mem>>
      %dma_start3A_74 = arith.constant 0 : i32
      %dma_start3A_75 = tpu.memref_slice %arg10[%add3A_12, %dma_start3A_74] : memref<10240x128xf32, #tpu.memory_space<vmem_shared>> -> memref<128x128xf32, #tpu.memory_space<vmem_shared>>
      %dma_start3A_76 = arith.constant 0 : i32
      %dma_start3A_77 = tpu.memref_slice %arg10[%add3A_12, %dma_start3A_76] : memref<10240x128xf32, #tpu.memory_space<vmem_shared>> -> memref<128x128xf32, #tpu.memory_space<vmem_shared>>
      tpu.enqueue_dma source(%arg8 : memref<128x128xf32, #tpu.memory_space<vmem>>) target(%dma_start3A_77 : memref<128x128xf32, #tpu.memory_space<vmem_shared>>) target_semaphore(%run_scoped3A : memref<!tpu.dma_semaphore, #tpu.memory_space<semaphore_mem>>)
      %dma_wait3A_78 = arith.constant 0 : i32
      %dma_wait3A_79 = tpu.memref_slice %arg10[%add3A_12, %dma_wait3A_78] : memref<10240x128xf32, #tpu.memory_space<vmem_shared>> -> memref<128x128xf32, #tpu.memory_space<vmem_shared>>
      %dma_wait3A_80 = arith.constant 0 : i32
      %dma_wait3A_81 = tpu.memref_slice %arg10[%add3A_12, %dma_wait3A_80] : memref<10240x128xf32, #tpu.memory_space<vmem_shared>> -> memref<128x128xf32, #tpu.memory_space<vmem_shared>>
      tpu.wait_dma2 semaphore(%run_scoped3A : memref<!tpu.dma_semaphore, #tpu.memory_space<semaphore_mem>>) src(%arg8 : memref<128x128xf32, #tpu.memory_space<vmem>>) dst(%dma_wait3A_81 : memref<128x128xf32, #tpu.memory_space<vmem_shared>>)
      tpu.yield
    }) : () -> ()
    %add3A_13 = arith.constant 256 : i32
    %add3A_14 = arith.addi %multiple_of3A, %add3A_13 : i32
    "tpu.region"() ({
      %run_scoped3A = tpu.sem_alloc : memref<!tpu.dma_semaphore, #tpu.memory_space<semaphore_mem>>
      %dma_start3A_74 = arith.constant 0 : i32
      %dma_start3A_75 = tpu.memref_slice %arg10[%add3A_14, %dma_start3A_74] : memref<10240x128xf32, #tpu.memory_space<vmem_shared>> -> memref<128x128xf32, #tpu.memory_space<vmem_shared>>
      %dma_start3A_76 = arith.constant 0 : i32
      %dma_start3A_77 = tpu.memref_slice %arg10[%add3A_14, %dma_start3A_76] : memref<10240x128xf32, #tpu.memory_space<vmem_shared>> -> memref<128x128xf32, #tpu.memory_space<vmem_shared>>
      tpu.enqueue_dma source(%arg8 : memref<128x128xf32, #tpu.memory_space<vmem>>) target(%dma_start3A_77 : memref<128x128xf32, #tpu.memory_space<vmem_shared>>) target_semaphore(%run_scoped3A : memref<!tpu.dma_semaphore, #tpu.memory_space<semaphore_mem>>)
      %dma_wait3A_78 = arith.constant 0 : i32
      %dma_wait3A_79 = tpu.memref_slice %arg10[%add3A_14, %dma_wait3A_78] : memref<10240x128xf32, #tpu.memory_space<vmem_shared>> -> memref<128x128xf32, #tpu.memory_space<vmem_shared>>
      %dma_wait3A_80 = arith.constant 0 : i32
      %dma_wait3A_81 = tpu.memref_slice %arg10[%add3A_14, %dma_wait3A_80] : memref<10240x128xf32, #tpu.memory_space<vmem_shared>> -> memref<128x128xf32, #tpu.memory_space<vmem_shared>>
      tpu.wait_dma2 semaphore(%run_scoped3A : memref<!tpu.dma_semaphore, #tpu.memory_space<semaphore_mem>>) src(%arg8 : memref<128x128xf32, #tpu.memory_space<vmem>>) dst(%dma_wait3A_81 : memref<128x128xf32, #tpu.memory_space<vmem_shared>>)
      tpu.yield
    }) : () -> ()
    %add3A_15 = arith.constant 384 : i32
    %add3A_16 = arith.addi %multiple_of3A, %add3A_15 : i32
    "tpu.region"() ({
      %run_scoped3A = tpu.sem_alloc : memref<!tpu.dma_semaphore, #tpu.memory_space<semaphore_mem>>
      %dma_start3A_74 = arith.constant 0 : i32
      %dma_start3A_75 = tpu.memref_slice %arg10[%add3A_16, %dma_start3A_74] : memref<10240x128xf32, #tpu.memory_space<vmem_shared>> -> memref<128x128xf32, #tpu.memory_space<vmem_shared>>
      %dma_start3A_76 = arith.constant 0 : i32
      %dma_start3A_77 = tpu.memref_slice %arg10[%add3A_16, %dma_start3A_76] : memref<10240x128xf32, #tpu.memory_space<vmem_shared>> -> memref<128x128xf32, #tpu.memory_space<vmem_shared>>
      tpu.enqueue_dma source(%arg8 : memref<128x128xf32, #tpu.memory_space<vmem>>) target(%dma_start3A_77 : memref<128x128xf32, #tpu.memory_space<vmem_shared>>) target_semaphore(%run_scoped3A : memref<!tpu.dma_semaphore, #tpu.memory_space<semaphore_mem>>)
      %dma_wait3A_78 = arith.constant 0 : i32
      %dma_wait3A_79 = tpu.memref_slice %arg10[%add3A_16, %dma_wait3A_78] : memref<10240x128xf32, #tpu.memory_space<vmem_shared>> -> memref<128x128xf32, #tpu.memory_space<vmem_shared>>
      %dma_wait3A_80 = arith.constant 0 : i32
      %dma_wait3A_81 = tpu.memref_slice %arg10[%add3A_16, %dma_wait3A_80] : memref<10240x128xf32, #tpu.memory_space<vmem_shared>> -> memref<128x128xf32, #tpu.memory_space<vmem_shared>>
      tpu.wait_dma2 semaphore(%run_scoped3A : memref<!tpu.dma_semaphore, #tpu.memory_space<semaphore_mem>>) src(%arg8 : memref<128x128xf32, #tpu.memory_space<vmem>>) dst(%dma_wait3A_81 : memref<128x128xf32, #tpu.memory_space<vmem_shared>>)
      tpu.yield
    }) : () -> ()
    %add3A_17 = arith.constant 512 : i32
    %add3A_18 = arith.addi %multiple_of3A, %add3A_17 : i32
    "tpu.region"() ({
      %run_scoped3A = tpu.sem_alloc : memref<!tpu.dma_semaphore, #tpu.memory_space<semaphore_mem>>
      %dma_start3A_74 = arith.constant 0 : i32
      %dma_start3A_75 = tpu.memref_slice %arg10[%add3A_18, %dma_start3A_74] : memref<10240x128xf32, #tpu.memory_space<vmem_shared>> -> memref<128x128xf32, #tpu.memory_space<vmem_shared>>
      %dma_start3A_76 = arith.constant 0 : i32
      %dma_start3A_77 = tpu.memref_slice %arg10[%add3A_18, %dma_start3A_76] : memref<10240x128xf32, #tpu.memory_space<vmem_shared>> -> memref<128x128xf32, #tpu.memory_space<vmem_shared>>
      tpu.enqueue_dma source(%arg8 : memref<128x128xf32, #tpu.memory_space<vmem>>) target(%dma_start3A_77 : memref<128x128xf32, #tpu.memory_space<vmem_shared>>) target_semaphore(%run_scoped3A : memref<!tpu.dma_semaphore, #tpu.memory_space<semaphore_mem>>)
      %dma_wait3A_78 = arith.constant 0 : i32
      %dma_wait3A_79 = tpu.memref_slice %arg10[%add3A_18, %dma_wait3A_78] : memref<10240x128xf32, #tpu.memory_space<vmem_shared>> -> memref<128x128xf32, #tpu.memory_space<vmem_shared>>
      %dma_wait3A_80 = arith.constant 0 : i32
      %dma_wait3A_81 = tpu.memref_slice %arg10[%add3A_18, %dma_wait3A_80] : memref<10240x128xf32, #tpu.memory_space<vmem_shared>> -> memref<128x128xf32, #tpu.memory_space<vmem_shared>>
      tpu.wait_dma2 semaphore(%run_scoped3A : memref<!tpu.dma_semaphore, #tpu.memory_space<semaphore_mem>>) src(%arg8 : memref<128x128xf32, #tpu.memory_space<vmem>>) dst(%dma_wait3A_81 : memref<128x128xf32, #tpu.memory_space<vmem_shared>>)
      tpu.yield
    }) : () -> ()
    %barrier3A = arith.constant 0 : index
    tpu.barrier barrier_id(%barrier3A)
    "tpu.region"() ({
      %run_scoped3A = tpu.sem_alloc : memref<!tpu.dma_semaphore, #tpu.memory_space<semaphore_mem>>
      %dma_start3A_74 = arith.constant 0 : i32
      %dma_start3A_75 = arith.constant 0 : i32
      %dma_start3A_76 = tpu.memref_slice %arg3[%add3A, %dma_start3A_74, %dma_start3A_75] : memref<32x80x128xi32, #tpu.memory_space<hbm>> -> memref<1x40x128xi32, #tpu.memory_space<hbm>>
      %dma_start3A_77 = tpu.memref_squeeze %dma_start3A_76 : memref<1x40x128xi32, #tpu.memory_space<hbm>> -> memref<40x128xi32, #tpu.memory_space<hbm>>
      %dma_start3A_78 = arith.constant 0 : i32
      %dma_start3A_79 = arith.constant 0 : i32
      %dma_start3A_80 = tpu.memref_slice %arg3[%add3A, %dma_start3A_78, %dma_start3A_79] : memref<32x80x128xi32, #tpu.memory_space<hbm>> -> memref<1x40x128xi32, #tpu.memory_space<hbm>>
      %dma_start3A_81 = tpu.memref_squeeze %dma_start3A_80 : memref<1x40x128xi32, #tpu.memory_space<hbm>> -> memref<40x128xi32, #tpu.memory_space<hbm>>
      tpu.enqueue_dma source(%dma_start3A_81 : memref<40x128xi32, #tpu.memory_space<hbm>>) target(%arg6 : memref<40x128xi32, #tpu.memory_space<vmem>>) target_semaphore(%run_scoped3A : memref<!tpu.dma_semaphore, #tpu.memory_space<semaphore_mem>>)
      %dma_wait3A_82 = arith.constant 0 : i32
      %dma_wait3A_83 = arith.constant 0 : i32
      %dma_wait3A_84 = tpu.memref_slice %arg3[%add3A, %dma_wait3A_82, %dma_wait3A_83] : memref<32x80x128xi32, #tpu.memory_space<hbm>> -> memref<1x40x128xi32, #tpu.memory_space<hbm>>
      %dma_wait3A_85 = tpu.memref_squeeze %dma_wait3A_84 : memref<1x40x128xi32, #tpu.memory_space<hbm>> -> memref<40x128xi32, #tpu.memory_space<hbm>>
      %dma_wait3A_86 = arith.constant 0 : i32
      %dma_wait3A_87 = arith.constant 0 : i32
      %dma_wait3A_88 = tpu.memref_slice %arg3[%add3A, %dma_wait3A_86, %dma_wait3A_87] : memref<32x80x128xi32, #tpu.memory_space<hbm>> -> memref<1x40x128xi32, #tpu.memory_space<hbm>>
      %dma_wait3A_89 = tpu.memref_squeeze %dma_wait3A_88 : memref<1x40x128xi32, #tpu.memory_space<hbm>> -> memref<40x128xi32, #tpu.memory_space<hbm>>
      tpu.wait_dma2 semaphore(%run_scoped3A : memref<!tpu.dma_semaphore, #tpu.memory_space<semaphore_mem>>) src(%dma_wait3A_89 : memref<40x128xi32, #tpu.memory_space<hbm>>) dst(%arg6 : memref<40x128xi32, #tpu.memory_space<vmem>>)
      tpu.yield
    }) : () -> ()
    "tpu.region"() ({
      %run_scoped3A = tpu.sem_alloc : memref<!tpu.dma_semaphore, #tpu.memory_space<semaphore_mem>>
      %dma_start3A_74 = arith.constant 0 : i32
      %dma_start3A_75 = arith.constant 0 : i32
      %dma_start3A_76 = tpu.memref_slice %arg4[%add3A, %dma_start3A_74, %dma_start3A_75] : memref<32x80x128xi32, #tpu.memory_space<hbm>> -> memref<1x40x128xi32, #tpu.memory_space<hbm>>
      %dma_start3A_77 = tpu.memref_squeeze %dma_start3A_76 : memref<1x40x128xi32, #tpu.memory_space<hbm>> -> memref<40x128xi32, #tpu.memory_space<hbm>>
      %dma_start3A_78 = arith.constant 0 : i32
      %dma_start3A_79 = arith.constant 0 : i32
      %dma_start3A_80 = tpu.memref_slice %arg4[%add3A, %dma_start3A_78, %dma_start3A_79] : memref<32x80x128xi32, #tpu.memory_space<hbm>> -> memref<1x40x128xi32, #tpu.memory_space<hbm>>
      %dma_start3A_81 = tpu.memref_squeeze %dma_start3A_80 : memref<1x40x128xi32, #tpu.memory_space<hbm>> -> memref<40x128xi32, #tpu.memory_space<hbm>>
      tpu.enqueue_dma source(%dma_start3A_81 : memref<40x128xi32, #tpu.memory_space<hbm>>) target(%arg7 : memref<40x128xi32, #tpu.memory_space<vmem>>) target_semaphore(%run_scoped3A : memref<!tpu.dma_semaphore, #tpu.memory_space<semaphore_mem>>)
      %dma_wait3A_82 = arith.constant 0 : i32
      %dma_wait3A_83 = arith.constant 0 : i32
      %dma_wait3A_84 = tpu.memref_slice %arg4[%add3A, %dma_wait3A_82, %dma_wait3A_83] : memref<32x80x128xi32, #tpu.memory_space<hbm>> -> memref<1x40x128xi32, #tpu.memory_space<hbm>>
      %dma_wait3A_85 = tpu.memref_squeeze %dma_wait3A_84 : memref<1x40x128xi32, #tpu.memory_space<hbm>> -> memref<40x128xi32, #tpu.memory_space<hbm>>
      %dma_wait3A_86 = arith.constant 0 : i32
      %dma_wait3A_87 = arith.constant 0 : i32
      %dma_wait3A_88 = tpu.memref_slice %arg4[%add3A, %dma_wait3A_86, %dma_wait3A_87] : memref<32x80x128xi32, #tpu.memory_space<hbm>> -> memref<1x40x128xi32, #tpu.memory_space<hbm>>
      %dma_wait3A_89 = tpu.memref_squeeze %dma_wait3A_88 : memref<1x40x128xi32, #tpu.memory_space<hbm>> -> memref<40x128xi32, #tpu.memory_space<hbm>>
      tpu.wait_dma2 semaphore(%run_scoped3A : memref<!tpu.dma_semaphore, #tpu.memory_space<semaphore_mem>>) src(%dma_wait3A_89 : memref<40x128xi32, #tpu.memory_space<hbm>>) dst(%arg7 : memref<40x128xi32, #tpu.memory_space<vmem>>)
      tpu.yield
    }) : () -> ()
    %dma_start3A = arith.constant 0 : i32
    %dma_start3A_19 = arith.constant 0 : i32
    %dma_start3A_20 = tpu.memref_slice %arg6[%dma_start3A, %dma_start3A_19] : memref<40x128xi32, #tpu.memory_space<vmem>> -> memref<1x128xi32, #tpu.memory_space<vmem>>
    %dma_start3A_21 = tpu.memref_squeeze %dma_start3A_20 : memref<1x128xi32, #tpu.memory_space<vmem>> -> memref<128xi32, #tpu.memory_space<vmem>>
    %dma_start3A_22 = arith.constant 0 : i32
    %dma_start3A_23 = arith.constant 0 : i32
    %dma_start3A_24 = tpu.memref_slice %arg2[%dma_start3A_22, %dma_start3A_23] : memref<10240x128xf32, #tpu.memory_space<hbm>> -> memref<10240x128xf32, #tpu.memory_space<hbm>>
    tpu.enqueue_indirect_dma source(%dma_start3A_24 : memref<10240x128xf32, #tpu.memory_space<hbm>>) target(%arg8 : memref<128x128xf32, #tpu.memory_space<vmem>>) offsets(%dma_start3A_21 : memref<128xi32, #tpu.memory_space<vmem>>) semaphore(%arg11 : memref<!tpu.dma_semaphore, #tpu.memory_space<semaphore_mem>>)
    %scan3A_25 = arith.constant 0 : i32
    %scan3A_26 = arith.constant 0 : i32
    %scan3A_27 = arith.constant 20 : i32
    %scan3A_28 = arith.addi %scan3A_26, %scan3A_27 : i32
    %scan3A_29 = arith.constant 1 : i32
    %scan3A_30 = scf.for %scan3A_74 = %scan3A_26 to %scan3A_28 step %scan3A_29 iter_args(%scan3A_75 = %scan3A_25) -> (i32)  : i32 {
      %mul3A_76 = arith.constant 2 : i32
      %mul3A_77 = arith.muli %scan3A_74, %mul3A_76 : i32
      %add3A_78 = arith.constant 0 : i32
      %add3A_79 = arith.addi %mul3A_77, %add3A_78 : i32
      %dma_wait3A_80 = arith.constant 0 : i32
      %dma_wait3A_81 = tpu.memref_slice %arg6[%add3A_79, %dma_wait3A_80] : memref<40x128xi32, #tpu.memory_space<vmem>> -> memref<1x128xi32, #tpu.memory_space<vmem>>
      %dma_wait3A_82 = tpu.memref_squeeze %dma_wait3A_81 : memref<1x128xi32, #tpu.memory_space<vmem>> -> memref<128xi32, #tpu.memory_space<vmem>>
      %dma_wait3A_83 = arith.constant 0 : i32
      %dma_wait3A_84 = arith.constant 0 : i32
      %dma_wait3A_85 = tpu.memref_slice %arg2[%dma_wait3A_83, %dma_wait3A_84] : memref<10240x128xf32, #tpu.memory_space<hbm>> -> memref<10240x128xf32, #tpu.memory_space<hbm>>
      tpu.wait_indirect_dma semaphore(%arg11 : memref<!tpu.dma_semaphore, #tpu.memory_space<semaphore_mem>>) src(%dma_wait3A_85 : memref<10240x128xf32, #tpu.memory_space<hbm>>) dst(%arg8 : memref<128x128xf32, #tpu.memory_space<vmem>>)
      %dma_start3A_86 = arith.constant 0 : i32
      %dma_start3A_87 = tpu.memref_slice %arg7[%add3A_79, %dma_start3A_86] : memref<40x128xi32, #tpu.memory_space<vmem>> -> memref<1x128xi32, #tpu.memory_space<vmem>>
      %dma_start3A_88 = tpu.memref_squeeze %dma_start3A_87 : memref<1x128xi32, #tpu.memory_space<vmem>> -> memref<128xi32, #tpu.memory_space<vmem>>
      %dma_start3A_89 = arith.constant 0 : i32
      %dma_start3A_90 = arith.constant 0 : i32
      %dma_start3A_91 = tpu.memref_slice %arg10[%dma_start3A_89, %dma_start3A_90] : memref<10240x128xf32, #tpu.memory_space<vmem_shared>> -> memref<10240x128xf32, #tpu.memory_space<vmem_shared>>
      tpu.enqueue_indirect_dma source(%arg8 : memref<128x128xf32, #tpu.memory_space<vmem>>) target(%dma_start3A_91 : memref<10240x128xf32, #tpu.memory_space<vmem_shared>>) offsets(%dma_start3A_88 : memref<128xi32, #tpu.memory_space<vmem>>) semaphore(%arg11 : memref<!tpu.dma_semaphore, #tpu.memory_space<semaphore_mem>>) {add = true}
      %add3A_92 = arith.constant 1 : i32
      %add3A_93 = arith.addi %add3A_79, %add3A_92 : i32
      %lt3A = arith.constant 40 : i32
      %lt3A_94 = arith.cmpi slt, %add3A_93, %lt3A : i32
      %convert_element_type3A = arith.extui %lt3A_94 : i1 to i32
      %cond3A = arith.constant 0 : i32
      %cond3A_95 = arith.cmpi ne, %convert_element_type3A, %cond3A : i32
      scf.if %cond3A_95 {
        %ge3A = arith.constant 1 : i32
        %ge3A_120 = arith.cmpi sge, %add3A_79, %ge3A : i32
        %convert_element_type3A_121 = arith.extui %ge3A_120 : i1 to i32
        %cond3A_122 = arith.constant 0 : i32
        %cond3A_123 = arith.cmpi ne, %convert_element_type3A_121, %cond3A_122 : i32
        scf.if %cond3A_123 {
          %dma_wait3A_132 = arith.constant 0 : i32
          %dma_wait3A_133 = tpu.memref_slice %arg7[%add3A_79, %dma_wait3A_132] : memref<40x128xi32, #tpu.memory_space<vmem>> -> memref<1x128xi32, #tpu.memory_space<vmem>>
          %dma_wait3A_134 = tpu.memref_squeeze %dma_wait3A_133 : memref<1x128xi32, #tpu.memory_space<vmem>> -> memref<128xi32, #tpu.memory_space<vmem>>
          %dma_wait3A_135 = arith.constant 0 : i32
          %dma_wait3A_136 = arith.constant 0 : i32
          %dma_wait3A_137 = tpu.memref_slice %arg10[%dma_wait3A_135, %dma_wait3A_136] : memref<10240x128xf32, #tpu.memory_space<vmem_shared>> -> memref<10240x128xf32, #tpu.memory_space<vmem_shared>>
          tpu.wait_indirect_dma semaphore(%arg12 : memref<!tpu.dma_semaphore, #tpu.memory_space<semaphore_mem>>) src(%arg9 : memref<128x128xf32, #tpu.memory_space<vmem>>) dst(%dma_wait3A_137 : memref<10240x128xf32, #tpu.memory_space<vmem_shared>>)
        } else {
        }
        %add3A_124 = arith.constant 1 : i32
        %add3A_125 = arith.addi %add3A_79, %add3A_124 : i32
        %dma_start3A_126 = arith.constant 0 : i32
        %dma_start3A_127 = tpu.memref_slice %arg6[%add3A_125, %dma_start3A_126] : memref<40x128xi32, #tpu.memory_space<vmem>> -> memref<1x128xi32, #tpu.memory_space<vmem>>
        %dma_start3A_128 = tpu.memref_squeeze %dma_start3A_127 : memref<1x128xi32, #tpu.memory_space<vmem>> -> memref<128xi32, #tpu.memory_space<vmem>>
        %dma_start3A_129 = arith.constant 0 : i32
        %dma_start3A_130 = arith.constant 0 : i32
        %dma_start3A_131 = tpu.memref_slice %arg2[%dma_start3A_129, %dma_start3A_130] : memref<10240x128xf32, #tpu.memory_space<hbm>> -> memref<10240x128xf32, #tpu.memory_space<hbm>>
        tpu.enqueue_indirect_dma source(%dma_start3A_131 : memref<10240x128xf32, #tpu.memory_space<hbm>>) target(%arg9 : memref<128x128xf32, #tpu.memory_space<vmem>>) offsets(%dma_start3A_128 : memref<128xi32, #tpu.memory_space<vmem>>) semaphore(%arg12 : memref<!tpu.dma_semaphore, #tpu.memory_space<semaphore_mem>>)
      } else {
      }
      %mul3A_96 = arith.constant 2 : i32
      %mul3A_97 = arith.muli %scan3A_74, %mul3A_96 : i32
      %add3A_98 = arith.constant 1 : i32
      %add3A_99 = arith.addi %mul3A_97, %add3A_98 : i32
      %dma_wait3A_100 = arith.constant 0 : i32
      %dma_wait3A_101 = tpu.memref_slice %arg6[%add3A_99, %dma_wait3A_100] : memref<40x128xi32, #tpu.memory_space<vmem>> -> memref<1x128xi32, #tpu.memory_space<vmem>>
      %dma_wait3A_102 = tpu.memref_squeeze %dma_wait3A_101 : memref<1x128xi32, #tpu.memory_space<vmem>> -> memref<128xi32, #tpu.memory_space<vmem>>
      %dma_wait3A_103 = arith.constant 0 : i32
      %dma_wait3A_104 = arith.constant 0 : i32
      %dma_wait3A_105 = tpu.memref_slice %arg2[%dma_wait3A_103, %dma_wait3A_104] : memref<10240x128xf32, #tpu.memory_space<hbm>> -> memref<10240x128xf32, #tpu.memory_space<hbm>>
      tpu.wait_indirect_dma semaphore(%arg12 : memref<!tpu.dma_semaphore, #tpu.memory_space<semaphore_mem>>) src(%dma_wait3A_105 : memref<10240x128xf32, #tpu.memory_space<hbm>>) dst(%arg9 : memref<128x128xf32, #tpu.memory_space<vmem>>)
      %dma_start3A_106 = arith.constant 0 : i32
      %dma_start3A_107 = tpu.memref_slice %arg7[%add3A_99, %dma_start3A_106] : memref<40x128xi32, #tpu.memory_space<vmem>> -> memref<1x128xi32, #tpu.memory_space<vmem>>
      %dma_start3A_108 = tpu.memref_squeeze %dma_start3A_107 : memref<1x128xi32, #tpu.memory_space<vmem>> -> memref<128xi32, #tpu.memory_space<vmem>>
      %dma_start3A_109 = arith.constant 0 : i32
      %dma_start3A_110 = arith.constant 0 : i32
      %dma_start3A_111 = tpu.memref_slice %arg10[%dma_start3A_109, %dma_start3A_110] : memref<10240x128xf32, #tpu.memory_space<vmem_shared>> -> memref<10240x128xf32, #tpu.memory_space<vmem_shared>>
      tpu.enqueue_indirect_dma source(%arg9 : memref<128x128xf32, #tpu.memory_space<vmem>>) target(%dma_start3A_111 : memref<10240x128xf32, #tpu.memory_space<vmem_shared>>) offsets(%dma_start3A_108 : memref<128xi32, #tpu.memory_space<vmem>>) semaphore(%arg12 : memref<!tpu.dma_semaphore, #tpu.memory_space<semaphore_mem>>) {add = true}
      %add3A_112 = arith.constant 1 : i32
      %add3A_113 = arith.addi %add3A_99, %add3A_112 : i32
      %lt3A_114 = arith.constant 40 : i32
      %lt3A_115 = arith.cmpi slt, %add3A_113, %lt3A_114 : i32
      %convert_element_type3A_116 = arith.extui %lt3A_115 : i1 to i32
      %cond3A_117 = arith.constant 0 : i32
      %cond3A_118 = arith.cmpi ne, %convert_element_type3A_116, %cond3A_117 : i32
      scf.if %cond3A_118 {
        %ge3A = arith.constant 1 : i32
        %ge3A_120 = arith.cmpi sge, %add3A_99, %ge3A : i32
        %convert_element_type3A_121 = arith.extui %ge3A_120 : i1 to i32
        %cond3A_122 = arith.constant 0 : i32
        %cond3A_123 = arith.cmpi ne, %convert_element_type3A_121, %cond3A_122 : i32
        scf.if %cond3A_123 {
          %dma_wait3A_132 = arith.constant 0 : i32
          %dma_wait3A_133 = tpu.memref_slice %arg7[%add3A_99, %dma_wait3A_132] : memref<40x128xi32, #tpu.memory_space<vmem>> -> memref<1x128xi32, #tpu.memory_space<vmem>>
          %dma_wait3A_134 = tpu.memref_squeeze %dma_wait3A_133 : memref<1x128xi32, #tpu.memory_space<vmem>> -> memref<128xi32, #tpu.memory_space<vmem>>
          %dma_wait3A_135 = arith.constant 0 : i32
          %dma_wait3A_136 = arith.constant 0 : i32
          %dma_wait3A_137 = tpu.memref_slice %arg10[%dma_wait3A_135, %dma_wait3A_136] : memref<10240x128xf32, #tpu.memory_space<vmem_shared>> -> memref<10240x128xf32, #tpu.memory_space<vmem_shared>>
          tpu.wait_indirect_dma semaphore(%arg11 : memref<!tpu.dma_semaphore, #tpu.memory_space<semaphore_mem>>) src(%arg8 : memref<128x128xf32, #tpu.memory_space<vmem>>) dst(%dma_wait3A_137 : memref<10240x128xf32, #tpu.memory_space<vmem_shared>>)
        } else {
        }
        %add3A_124 = arith.constant 1 : i32
        %add3A_125 = arith.addi %add3A_99, %add3A_124 : i32
        %dma_start3A_126 = arith.constant 0 : i32
        %dma_start3A_127 = tpu.memref_slice %arg6[%add3A_125, %dma_start3A_126] : memref<40x128xi32, #tpu.memory_space<vmem>> -> memref<1x128xi32, #tpu.memory_space<vmem>>
        %dma_start3A_128 = tpu.memref_squeeze %dma_start3A_127 : memref<1x128xi32, #tpu.memory_space<vmem>> -> memref<128xi32, #tpu.memory_space<vmem>>
        %dma_start3A_129 = arith.constant 0 : i32
        %dma_start3A_130 = arith.constant 0 : i32
        %dma_start3A_131 = tpu.memref_slice %arg2[%dma_start3A_129, %dma_start3A_130] : memref<10240x128xf32, #tpu.memory_space<hbm>> -> memref<10240x128xf32, #tpu.memory_space<hbm>>
        tpu.enqueue_indirect_dma source(%dma_start3A_131 : memref<10240x128xf32, #tpu.memory_space<hbm>>) target(%arg8 : memref<128x128xf32, #tpu.memory_space<vmem>>) offsets(%dma_start3A_128 : memref<128xi32, #tpu.memory_space<vmem>>) semaphore(%arg11 : memref<!tpu.dma_semaphore, #tpu.memory_space<semaphore_mem>>)
      } else {
      }
      %scan3A_119 = arith.constant 0 : i32
      scf.yield %scan3A_119 : i32
    }
    %scan3A_31 = arith.constant 20 : i32
    %dma_wait3A = arith.constant 0 : i32
    %dma_wait3A_32 = arith.constant 0 : i32
    %dma_wait3A_33 = tpu.memref_slice %arg7[%dma_wait3A, %dma_wait3A_32] : memref<40x128xi32, #tpu.memory_space<vmem>> -> memref<1x128xi32, #tpu.memory_space<vmem>>
    %dma_wait3A_34 = tpu.memref_squeeze %dma_wait3A_33 : memref<1x128xi32, #tpu.memory_space<vmem>> -> memref<128xi32, #tpu.memory_space<vmem>>
    %dma_wait3A_35 = arith.constant 0 : i32
    %dma_wait3A_36 = arith.constant 0 : i32
    %dma_wait3A_37 = tpu.memref_slice %arg10[%dma_wait3A_35, %dma_wait3A_36] : memref<10240x128xf32, #tpu.memory_space<vmem_shared>> -> memref<10240x128xf32, #tpu.memory_space<vmem_shared>>
    tpu.wait_indirect_dma semaphore(%arg11 : memref<!tpu.dma_semaphore, #tpu.memory_space<semaphore_mem>>) src(%arg8 : memref<128x128xf32, #tpu.memory_space<vmem>>) dst(%dma_wait3A_37 : memref<10240x128xf32, #tpu.memory_space<vmem_shared>>)
    %dma_wait3A_38 = arith.constant 0 : i32
    %dma_wait3A_39 = arith.constant 0 : i32
    %dma_wait3A_40 = tpu.memref_slice %arg7[%dma_wait3A_38, %dma_wait3A_39] : memref<40x128xi32, #tpu.memory_space<vmem>> -> memref<1x128xi32, #tpu.memory_space<vmem>>
    %dma_wait3A_41 = tpu.memref_squeeze %dma_wait3A_40 : memref<1x128xi32, #tpu.memory_space<vmem>> -> memref<128xi32, #tpu.memory_space<vmem>>
    %dma_wait3A_42 = arith.constant 0 : i32
    %dma_wait3A_43 = arith.constant 0 : i32
    %dma_wait3A_44 = tpu.memref_slice %arg10[%dma_wait3A_42, %dma_wait3A_43] : memref<10240x128xf32, #tpu.memory_space<vmem_shared>> -> memref<10240x128xf32, #tpu.memory_space<vmem_shared>>
    tpu.wait_indirect_dma semaphore(%arg12 : memref<!tpu.dma_semaphore, #tpu.memory_space<semaphore_mem>>) src(%arg9 : memref<128x128xf32, #tpu.memory_space<vmem>>) dst(%dma_wait3A_44 : memref<10240x128xf32, #tpu.memory_space<vmem_shared>>)
    "tpu.region"() ({
      %run_scoped3A = tpu.sem_alloc : memref<!tpu.dma_semaphore, #tpu.memory_space<semaphore_mem>>
      %dma_start3A_74 = arith.constant 40 : i32
      %dma_start3A_75 = arith.constant 0 : i32
      %dma_start3A_76 = tpu.memref_slice %arg3[%add3A, %dma_start3A_74, %dma_start3A_75] : memref<32x80x128xi32, #tpu.memory_space<hbm>> -> memref<1x40x128xi32, #tpu.memory_space<hbm>>
      %dma_start3A_77 = tpu.memref_squeeze %dma_start3A_76 : memref<1x40x128xi32, #tpu.memory_space<hbm>> -> memref<40x128xi32, #tpu.memory_space<hbm>>
      %dma_start3A_78 = arith.constant 40 : i32
      %dma_start3A_79 = arith.constant 0 : i32
      %dma_start3A_80 = tpu.memref_slice %arg3[%add3A, %dma_start3A_78, %dma_start3A_79] : memref<32x80x128xi32, #tpu.memory_space<hbm>> -> memref<1x40x128xi32, #tpu.memory_space<hbm>>
      %dma_start3A_81 = tpu.memref_squeeze %dma_start3A_80 : memref<1x40x128xi32, #tpu.memory_space<hbm>> -> memref<40x128xi32, #tpu.memory_space<hbm>>
      tpu.enqueue_dma source(%dma_start3A_81 : memref<40x128xi32, #tpu.memory_space<hbm>>) target(%arg6 : memref<40x128xi32, #tpu.memory_space<vmem>>) target_semaphore(%run_scoped3A : memref<!tpu.dma_semaphore, #tpu.memory_space<semaphore_mem>>)
      %dma_wait3A_82 = arith.constant 40 : i32
      %dma_wait3A_83 = arith.constant 0 : i32
      %dma_wait3A_84 = tpu.memref_slice %arg3[%add3A, %dma_wait3A_82, %dma_wait3A_83] : memref<32x80x128xi32, #tpu.memory_space<hbm>> -> memref<1x40x128xi32, #tpu.memory_space<hbm>>
      %dma_wait3A_85 = tpu.memref_squeeze %dma_wait3A_84 : memref<1x40x128xi32, #tpu.memory_space<hbm>> -> memref<40x128xi32, #tpu.memory_space<hbm>>
      %dma_wait3A_86 = arith.constant 40 : i32
      %dma_wait3A_87 = arith.constant 0 : i32
      %dma_wait3A_88 = tpu.memref_slice %arg3[%add3A, %dma_wait3A_86, %dma_wait3A_87] : memref<32x80x128xi32, #tpu.memory_space<hbm>> -> memref<1x40x128xi32, #tpu.memory_space<hbm>>
      %dma_wait3A_89 = tpu.memref_squeeze %dma_wait3A_88 : memref<1x40x128xi32, #tpu.memory_space<hbm>> -> memref<40x128xi32, #tpu.memory_space<hbm>>
      tpu.wait_dma2 semaphore(%run_scoped3A : memref<!tpu.dma_semaphore, #tpu.memory_space<semaphore_mem>>) src(%dma_wait3A_89 : memref<40x128xi32, #tpu.memory_space<hbm>>) dst(%arg6 : memref<40x128xi32, #tpu.memory_space<vmem>>)
      tpu.yield
    }) : () -> ()
    "tpu.region"() ({
      %run_scoped3A = tpu.sem_alloc : memref<!tpu.dma_semaphore, #tpu.memory_space<semaphore_mem>>
      %dma_start3A_74 = arith.constant 40 : i32
      %dma_start3A_75 = arith.constant 0 : i32
      %dma_start3A_76 = tpu.memref_slice %arg4[%add3A, %dma_start3A_74, %dma_start3A_75] : memref<32x80x128xi32, #tpu.memory_space<hbm>> -> memref<1x40x128xi32, #tpu.memory_space<hbm>>
      %dma_start3A_77 = tpu.memref_squeeze %dma_start3A_76 : memref<1x40x128xi32, #tpu.memory_space<hbm>> -> memref<40x128xi32, #tpu.memory_space<hbm>>
      %dma_start3A_78 = arith.constant 40 : i32
      %dma_start3A_79 = arith.constant 0 : i32
      %dma_start3A_80 = tpu.memref_slice %arg4[%add3A, %dma_start3A_78, %dma_start3A_79] : memref<32x80x128xi32, #tpu.memory_space<hbm>> -> memref<1x40x128xi32, #tpu.memory_space<hbm>>
      %dma_start3A_81 = tpu.memref_squeeze %dma_start3A_80 : memref<1x40x128xi32, #tpu.memory_space<hbm>> -> memref<40x128xi32, #tpu.memory_space<hbm>>
      tpu.enqueue_dma source(%dma_start3A_81 : memref<40x128xi32, #tpu.memory_space<hbm>>) target(%arg7 : memref<40x128xi32, #tpu.memory_space<vmem>>) target_semaphore(%run_scoped3A : memref<!tpu.dma_semaphore, #tpu.memory_space<semaphore_mem>>)
      %dma_wait3A_82 = arith.constant 40 : i32
      %dma_wait3A_83 = arith.constant 0 : i32
      %dma_wait3A_84 = tpu.memref_slice %arg4[%add3A, %dma_wait3A_82, %dma_wait3A_83] : memref<32x80x128xi32, #tpu.memory_space<hbm>> -> memref<1x40x128xi32, #tpu.memory_space<hbm>>
      %dma_wait3A_85 = tpu.memref_squeeze %dma_wait3A_84 : memref<1x40x128xi32, #tpu.memory_space<hbm>> -> memref<40x128xi32, #tpu.memory_space<hbm>>
      %dma_wait3A_86 = arith.constant 40 : i32
      %dma_wait3A_87 = arith.constant 0 : i32
      %dma_wait3A_88 = tpu.memref_slice %arg4[%add3A, %dma_wait3A_86, %dma_wait3A_87] : memref<32x80x128xi32, #tpu.memory_space<hbm>> -> memref<1x40x128xi32, #tpu.memory_space<hbm>>
      %dma_wait3A_89 = tpu.memref_squeeze %dma_wait3A_88 : memref<1x40x128xi32, #tpu.memory_space<hbm>> -> memref<40x128xi32, #tpu.memory_space<hbm>>
      tpu.wait_dma2 semaphore(%run_scoped3A : memref<!tpu.dma_semaphore, #tpu.memory_space<semaphore_mem>>) src(%dma_wait3A_89 : memref<40x128xi32, #tpu.memory_space<hbm>>) dst(%arg7 : memref<40x128xi32, #tpu.memory_space<vmem>>)
      tpu.yield
    }) : () -> ()
    %dma_start3A_45 = arith.constant 0 : i32
    %dma_start3A_46 = arith.constant 0 : i32
    %dma_start3A_47 = tpu.memref_slice %arg6[%dma_start3A_45, %dma_start3A_46] : memref<40x128xi32, #tpu.memory_space<vmem>> -> memref<1x128xi32, #tpu.memory_space<vmem>>
    %dma_start3A_48 = tpu.memref_squeeze %dma_start3A_47 : memref<1x128xi32, #tpu.memory_space<vmem>> -> memref<128xi32, #tpu.memory_space<vmem>>
    %dma_start3A_49 = arith.constant 0 : i32
    %dma_start3A_50 = arith.constant 0 : i32
    %dma_start3A_51 = tpu.memref_slice %arg2[%dma_start3A_49, %dma_start3A_50] : memref<10240x128xf32, #tpu.memory_space<hbm>> -> memref<10240x128xf32, #tpu.memory_space<hbm>>
    tpu.enqueue_indirect_dma source(%dma_start3A_51 : memref<10240x128xf32, #tpu.memory_space<hbm>>) target(%arg8 : memref<128x128xf32, #tpu.memory_space<vmem>>) offsets(%dma_start3A_48 : memref<128xi32, #tpu.memory_space<vmem>>) semaphore(%arg11 : memref<!tpu.dma_semaphore, #tpu.memory_space<semaphore_mem>>)
    %scan3A_52 = arith.constant 0 : i32
    %scan3A_53 = arith.constant 0 : i32
    %scan3A_54 = arith.constant 20 : i32
    %scan3A_55 = arith.addi %scan3A_53, %scan3A_54 : i32
    %scan3A_56 = arith.constant 1 : i32
    %scan3A_57 = scf.for %scan3A_74 = %scan3A_53 to %scan3A_55 step %scan3A_56 iter_args(%scan3A_75 = %scan3A_52) -> (i32)  : i32 {
      %mul3A_76 = arith.constant 2 : i32
      %mul3A_77 = arith.muli %scan3A_74, %mul3A_76 : i32
      %add3A_78 = arith.constant 0 : i32
      %add3A_79 = arith.addi %mul3A_77, %add3A_78 : i32
      %dma_wait3A_80 = arith.constant 0 : i32
      %dma_wait3A_81 = tpu.memref_slice %arg6[%add3A_79, %dma_wait3A_80] : memref<40x128xi32, #tpu.memory_space<vmem>> -> memref<1x128xi32, #tpu.memory_space<vmem>>
      %dma_wait3A_82 = tpu.memref_squeeze %dma_wait3A_81 : memref<1x128xi32, #tpu.memory_space<vmem>> -> memref<128xi32, #tpu.memory_space<vmem>>
      %dma_wait3A_83 = arith.constant 0 : i32
      %dma_wait3A_84 = arith.constant 0 : i32
      %dma_wait3A_85 = tpu.memref_slice %arg2[%dma_wait3A_83, %dma_wait3A_84] : memref<10240x128xf32, #tpu.memory_space<hbm>> -> memref<10240x128xf32, #tpu.memory_space<hbm>>
      tpu.wait_indirect_dma semaphore(%arg11 : memref<!tpu.dma_semaphore, #tpu.memory_space<semaphore_mem>>) src(%dma_wait3A_85 : memref<10240x128xf32, #tpu.memory_space<hbm>>) dst(%arg8 : memref<128x128xf32, #tpu.memory_space<vmem>>)
      %dma_start3A_86 = arith.constant 0 : i32
      %dma_start3A_87 = tpu.memref_slice %arg7[%add3A_79, %dma_start3A_86] : memref<40x128xi32, #tpu.memory_space<vmem>> -> memref<1x128xi32, #tpu.memory_space<vmem>>
      %dma_start3A_88 = tpu.memref_squeeze %dma_start3A_87 : memref<1x128xi32, #tpu.memory_space<vmem>> -> memref<128xi32, #tpu.memory_space<vmem>>
      %dma_start3A_89 = arith.constant 0 : i32
      %dma_start3A_90 = arith.constant 0 : i32
      %dma_start3A_91 = tpu.memref_slice %arg10[%dma_start3A_89, %dma_start3A_90] : memref<10240x128xf32, #tpu.memory_space<vmem_shared>> -> memref<10240x128xf32, #tpu.memory_space<vmem_shared>>
      tpu.enqueue_indirect_dma source(%arg8 : memref<128x128xf32, #tpu.memory_space<vmem>>) target(%dma_start3A_91 : memref<10240x128xf32, #tpu.memory_space<vmem_shared>>) offsets(%dma_start3A_88 : memref<128xi32, #tpu.memory_space<vmem>>) semaphore(%arg11 : memref<!tpu.dma_semaphore, #tpu.memory_space<semaphore_mem>>) {add = true}
      %add3A_92 = arith.constant 1 : i32
      %add3A_93 = arith.addi %add3A_79, %add3A_92 : i32
      %lt3A = arith.constant 40 : i32
      %lt3A_94 = arith.cmpi slt, %add3A_93, %lt3A : i32
      %convert_element_type3A = arith.extui %lt3A_94 : i1 to i32
      %cond3A = arith.constant 0 : i32
      %cond3A_95 = arith.cmpi ne, %convert_element_type3A, %cond3A : i32
      scf.if %cond3A_95 {
        %ge3A = arith.constant 1 : i32
        %ge3A_120 = arith.cmpi sge, %add3A_79, %ge3A : i32
        %convert_element_type3A_121 = arith.extui %ge3A_120 : i1 to i32
        %cond3A_122 = arith.constant 0 : i32
        %cond3A_123 = arith.cmpi ne, %convert_element_type3A_121, %cond3A_122 : i32
        scf.if %cond3A_123 {
          %dma_wait3A_132 = arith.constant 0 : i32
          %dma_wait3A_133 = tpu.memref_slice %arg7[%add3A_79, %dma_wait3A_132] : memref<40x128xi32, #tpu.memory_space<vmem>> -> memref<1x128xi32, #tpu.memory_space<vmem>>
          %dma_wait3A_134 = tpu.memref_squeeze %dma_wait3A_133 : memref<1x128xi32, #tpu.memory_space<vmem>> -> memref<128xi32, #tpu.memory_space<vmem>>
          %dma_wait3A_135 = arith.constant 0 : i32
          %dma_wait3A_136 = arith.constant 0 : i32
          %dma_wait3A_137 = tpu.memref_slice %arg10[%dma_wait3A_135, %dma_wait3A_136] : memref<10240x128xf32, #tpu.memory_space<vmem_shared>> -> memref<10240x128xf32, #tpu.memory_space<vmem_shared>>
          tpu.wait_indirect_dma semaphore(%arg12 : memref<!tpu.dma_semaphore, #tpu.memory_space<semaphore_mem>>) src(%arg9 : memref<128x128xf32, #tpu.memory_space<vmem>>) dst(%dma_wait3A_137 : memref<10240x128xf32, #tpu.memory_space<vmem_shared>>)
        } else {
        }
        %add3A_124 = arith.constant 1 : i32
        %add3A_125 = arith.addi %add3A_79, %add3A_124 : i32
        %dma_start3A_126 = arith.constant 0 : i32
        %dma_start3A_127 = tpu.memref_slice %arg6[%add3A_125, %dma_start3A_126] : memref<40x128xi32, #tpu.memory_space<vmem>> -> memref<1x128xi32, #tpu.memory_space<vmem>>
        %dma_start3A_128 = tpu.memref_squeeze %dma_start3A_127 : memref<1x128xi32, #tpu.memory_space<vmem>> -> memref<128xi32, #tpu.memory_space<vmem>>
        %dma_start3A_129 = arith.constant 0 : i32
        %dma_start3A_130 = arith.constant 0 : i32
        %dma_start3A_131 = tpu.memref_slice %arg2[%dma_start3A_129, %dma_start3A_130] : memref<10240x128xf32, #tpu.memory_space<hbm>> -> memref<10240x128xf32, #tpu.memory_space<hbm>>
        tpu.enqueue_indirect_dma source(%dma_start3A_131 : memref<10240x128xf32, #tpu.memory_space<hbm>>) target(%arg9 : memref<128x128xf32, #tpu.memory_space<vmem>>) offsets(%dma_start3A_128 : memref<128xi32, #tpu.memory_space<vmem>>) semaphore(%arg12 : memref<!tpu.dma_semaphore, #tpu.memory_space<semaphore_mem>>)
      } else {
      }
      %mul3A_96 = arith.constant 2 : i32
      %mul3A_97 = arith.muli %scan3A_74, %mul3A_96 : i32
      %add3A_98 = arith.constant 1 : i32
      %add3A_99 = arith.addi %mul3A_97, %add3A_98 : i32
      %dma_wait3A_100 = arith.constant 0 : i32
      %dma_wait3A_101 = tpu.memref_slice %arg6[%add3A_99, %dma_wait3A_100] : memref<40x128xi32, #tpu.memory_space<vmem>> -> memref<1x128xi32, #tpu.memory_space<vmem>>
      %dma_wait3A_102 = tpu.memref_squeeze %dma_wait3A_101 : memref<1x128xi32, #tpu.memory_space<vmem>> -> memref<128xi32, #tpu.memory_space<vmem>>
      %dma_wait3A_103 = arith.constant 0 : i32
      %dma_wait3A_104 = arith.constant 0 : i32
      %dma_wait3A_105 = tpu.memref_slice %arg2[%dma_wait3A_103, %dma_wait3A_104] : memref<10240x128xf32, #tpu.memory_space<hbm>> -> memref<10240x128xf32, #tpu.memory_space<hbm>>
      tpu.wait_indirect_dma semaphore(%arg12 : memref<!tpu.dma_semaphore, #tpu.memory_space<semaphore_mem>>) src(%dma_wait3A_105 : memref<10240x128xf32, #tpu.memory_space<hbm>>) dst(%arg9 : memref<128x128xf32, #tpu.memory_space<vmem>>)
      %dma_start3A_106 = arith.constant 0 : i32
      %dma_start3A_107 = tpu.memref_slice %arg7[%add3A_99, %dma_start3A_106] : memref<40x128xi32, #tpu.memory_space<vmem>> -> memref<1x128xi32, #tpu.memory_space<vmem>>
      %dma_start3A_108 = tpu.memref_squeeze %dma_start3A_107 : memref<1x128xi32, #tpu.memory_space<vmem>> -> memref<128xi32, #tpu.memory_space<vmem>>
      %dma_start3A_109 = arith.constant 0 : i32
      %dma_start3A_110 = arith.constant 0 : i32
      %dma_start3A_111 = tpu.memref_slice %arg10[%dma_start3A_109, %dma_start3A_110] : memref<10240x128xf32, #tpu.memory_space<vmem_shared>> -> memref<10240x128xf32, #tpu.memory_space<vmem_shared>>
      tpu.enqueue_indirect_dma source(%arg9 : memref<128x128xf32, #tpu.memory_space<vmem>>) target(%dma_start3A_111 : memref<10240x128xf32, #tpu.memory_space<vmem_shared>>) offsets(%dma_start3A_108 : memref<128xi32, #tpu.memory_space<vmem>>) semaphore(%arg12 : memref<!tpu.dma_semaphore, #tpu.memory_space<semaphore_mem>>) {add = true}
      %add3A_112 = arith.constant 1 : i32
      %add3A_113 = arith.addi %add3A_99, %add3A_112 : i32
      %lt3A_114 = arith.constant 40 : i32
      %lt3A_115 = arith.cmpi slt, %add3A_113, %lt3A_114 : i32
      %convert_element_type3A_116 = arith.extui %lt3A_115 : i1 to i32
      %cond3A_117 = arith.constant 0 : i32
      %cond3A_118 = arith.cmpi ne, %convert_element_type3A_116, %cond3A_117 : i32
      scf.if %cond3A_118 {
        %ge3A = arith.constant 1 : i32
        %ge3A_120 = arith.cmpi sge, %add3A_99, %ge3A : i32
        %convert_element_type3A_121 = arith.extui %ge3A_120 : i1 to i32
        %cond3A_122 = arith.constant 0 : i32
        %cond3A_123 = arith.cmpi ne, %convert_element_type3A_121, %cond3A_122 : i32
        scf.if %cond3A_123 {
          %dma_wait3A_132 = arith.constant 0 : i32
          %dma_wait3A_133 = tpu.memref_slice %arg7[%add3A_99, %dma_wait3A_132] : memref<40x128xi32, #tpu.memory_space<vmem>> -> memref<1x128xi32, #tpu.memory_space<vmem>>
          %dma_wait3A_134 = tpu.memref_squeeze %dma_wait3A_133 : memref<1x128xi32, #tpu.memory_space<vmem>> -> memref<128xi32, #tpu.memory_space<vmem>>
          %dma_wait3A_135 = arith.constant 0 : i32
          %dma_wait3A_136 = arith.constant 0 : i32
          %dma_wait3A_137 = tpu.memref_slice %arg10[%dma_wait3A_135, %dma_wait3A_136] : memref<10240x128xf32, #tpu.memory_space<vmem_shared>> -> memref<10240x128xf32, #tpu.memory_space<vmem_shared>>
          tpu.wait_indirect_dma semaphore(%arg11 : memref<!tpu.dma_semaphore, #tpu.memory_space<semaphore_mem>>) src(%arg8 : memref<128x128xf32, #tpu.memory_space<vmem>>) dst(%dma_wait3A_137 : memref<10240x128xf32, #tpu.memory_space<vmem_shared>>)
        } else {
        }
        %add3A_124 = arith.constant 1 : i32
        %add3A_125 = arith.addi %add3A_99, %add3A_124 : i32
        %dma_start3A_126 = arith.constant 0 : i32
        %dma_start3A_127 = tpu.memref_slice %arg6[%add3A_125, %dma_start3A_126] : memref<40x128xi32, #tpu.memory_space<vmem>> -> memref<1x128xi32, #tpu.memory_space<vmem>>
        %dma_start3A_128 = tpu.memref_squeeze %dma_start3A_127 : memref<1x128xi32, #tpu.memory_space<vmem>> -> memref<128xi32, #tpu.memory_space<vmem>>
        %dma_start3A_129 = arith.constant 0 : i32
        %dma_start3A_130 = arith.constant 0 : i32
        %dma_start3A_131 = tpu.memref_slice %arg2[%dma_start3A_129, %dma_start3A_130] : memref<10240x128xf32, #tpu.memory_space<hbm>> -> memref<10240x128xf32, #tpu.memory_space<hbm>>
        tpu.enqueue_indirect_dma source(%dma_start3A_131 : memref<10240x128xf32, #tpu.memory_space<hbm>>) target(%arg8 : memref<128x128xf32, #tpu.memory_space<vmem>>) offsets(%dma_start3A_128 : memref<128xi32, #tpu.memory_space<vmem>>) semaphore(%arg11 : memref<!tpu.dma_semaphore, #tpu.memory_space<semaphore_mem>>)
      } else {
      }
      %scan3A_119 = arith.constant 0 : i32
      scf.yield %scan3A_119 : i32
    }
    %scan3A_58 = arith.constant 20 : i32
    %dma_wait3A_59 = arith.constant 0 : i32
    %dma_wait3A_60 = arith.constant 0 : i32
    %dma_wait3A_61 = tpu.memref_slice %arg7[%dma_wait3A_59, %dma_wait3A_60] : memref<40x128xi32, #tpu.memory_space<vmem>> -> memref<1x128xi32, #tpu.memory_space<vmem>>
    %dma_wait3A_62 = tpu.memref_squeeze %dma_wait3A_61 : memref<1x128xi32, #tpu.memory_space<vmem>> -> memref<128xi32, #tpu.memory_space<vmem>>
    %dma_wait3A_63 = arith.constant 0 : i32
    %dma_wait3A_64 = arith.constant 0 : i32
    %dma_wait3A_65 = tpu.memref_slice %arg10[%dma_wait3A_63, %dma_wait3A_64] : memref<10240x128xf32, #tpu.memory_space<vmem_shared>> -> memref<10240x128xf32, #tpu.memory_space<vmem_shared>>
    tpu.wait_indirect_dma semaphore(%arg11 : memref<!tpu.dma_semaphore, #tpu.memory_space<semaphore_mem>>) src(%arg8 : memref<128x128xf32, #tpu.memory_space<vmem>>) dst(%dma_wait3A_65 : memref<10240x128xf32, #tpu.memory_space<vmem_shared>>)
    %dma_wait3A_66 = arith.constant 0 : i32
    %dma_wait3A_67 = arith.constant 0 : i32
    %dma_wait3A_68 = tpu.memref_slice %arg7[%dma_wait3A_66, %dma_wait3A_67] : memref<40x128xi32, #tpu.memory_space<vmem>> -> memref<1x128xi32, #tpu.memory_space<vmem>>
    %dma_wait3A_69 = tpu.memref_squeeze %dma_wait3A_68 : memref<1x128xi32, #tpu.memory_space<vmem>> -> memref<128xi32, #tpu.memory_space<vmem>>
    %dma_wait3A_70 = arith.constant 0 : i32
    %dma_wait3A_71 = arith.constant 0 : i32
    %dma_wait3A_72 = tpu.memref_slice %arg10[%dma_wait3A_70, %dma_wait3A_71] : memref<10240x128xf32, #tpu.memory_space<vmem_shared>> -> memref<10240x128xf32, #tpu.memory_space<vmem_shared>>
    tpu.wait_indirect_dma semaphore(%arg12 : memref<!tpu.dma_semaphore, #tpu.memory_space<semaphore_mem>>) src(%arg9 : memref<128x128xf32, #tpu.memory_space<vmem>>) dst(%dma_wait3A_72 : memref<10240x128xf32, #tpu.memory_space<vmem_shared>>)
    %barrier3A_73 = arith.constant 0 : index
    tpu.barrier barrier_id(%barrier3A_73)
    "tpu.region"() ({
      %run_scoped3A = tpu.sem_alloc : memref<!tpu.dma_semaphore, #tpu.memory_space<semaphore_mem>>
      %dma_start3A_74 = arith.constant 0 : i32
      %dma_start3A_75 = tpu.memref_slice %arg5[%arg0, %multiple_of3A, %dma_start3A_74] : memref<2x10240x128xf32, #tpu.memory_space<hbm>> -> memref<1x640x128xf32, #tpu.memory_space<hbm>>
      %dma_start3A_76 = tpu.memref_squeeze %dma_start3A_75 : memref<1x640x128xf32, #tpu.memory_space<hbm>> -> memref<640x128xf32, #tpu.memory_space<hbm>>
      %dma_start3A_77 = arith.constant 0 : i32
      %dma_start3A_78 = tpu.memref_slice %arg10[%multiple_of3A, %dma_start3A_77] : memref<10240x128xf32, #tpu.memory_space<vmem_shared>> -> memref<640x128xf32, #tpu.memory_space<vmem_shared>>
      tpu.enqueue_dma source(%dma_start3A_78 : memref<640x128xf32, #tpu.memory_space<vmem_shared>>) target(%dma_start3A_76 : memref<640x128xf32, #tpu.memory_space<hbm>>) target_semaphore(%run_scoped3A : memref<!tpu.dma_semaphore, #tpu.memory_space<semaphore_mem>>)
      %dma_wait3A_79 = arith.constant 0 : i32
      %dma_wait3A_80 = tpu.memref_slice %arg5[%arg0, %multiple_of3A, %dma_wait3A_79] : memref<2x10240x128xf32, #tpu.memory_space<hbm>> -> memref<1x640x128xf32, #tpu.memory_space<hbm>>
      %dma_wait3A_81 = tpu.memref_squeeze %dma_wait3A_80 : memref<1x640x128xf32, #tpu.memory_space<hbm>> -> memref<640x128xf32, #tpu.memory_space<hbm>>
      %dma_wait3A_82 = arith.constant 0 : i32
      %dma_wait3A_83 = tpu.memref_slice %arg10[%multiple_of3A, %dma_wait3A_82] : memref<10240x128xf32, #tpu.memory_space<vmem_shared>> -> memref<640x128xf32, #tpu.memory_space<vmem_shared>>
      tpu.wait_dma2 semaphore(%run_scoped3A : memref<!tpu.dma_semaphore, #tpu.memory_space<semaphore_mem>>) src(%dma_wait3A_83 : memref<640x128xf32, #tpu.memory_space<vmem_shared>>) dst(%dma_wait3A_81 : memref<640x128xf32, #tpu.memory_space<hbm>>)
      tpu.yield
    }) : () -> ()
    return
  }
}

module attributes {stable_mosaic.version = 14 : i64} {
  func.func @_tc_prep_body(%arg0: i32, %arg1: memref<400x128xf32, #tpu.memory_space<vmem>>, %arg2: memref<2x400x128xf32, #tpu.memory_space<vmem>>, %arg3: memref<400x32xf32, #tpu.memory_space<vmem>>, %arg4: memref<400x128xf32, #tpu.memory_space<vmem>>, %arg5: memref<400x1xf32, #tpu.memory_space<vmem>>, %arg6: memref<400x1xf32, #tpu.memory_space<vmem>>, %arg7: memref<32x128xf32, #tpu.memory_space<vmem>>) attributes {dimension_semantics = [#tpu.dimension_semantics<arbitrary>], iteration_bounds = array<i64: 25>, scalar_prefetch = 0 : i64, scratch_operands = 0 : i64, tpu.core_type = #tpu.core_type<tc>, window_params = [{transform_indices = @transform_0, window_bounds = array<i64: 400, 128>}, {transform_indices = @transform_1, window_bounds = array<i64: 2, 400, 128>}, {transform_indices = @transform_2, window_bounds = array<i64: 400, 32>}, {transform_indices = @transform_3, window_bounds = array<i64: 400, 128>}, {transform_indices = @transform_4, window_bounds = array<i64: 400, 1>}, {transform_indices = @transform_5, window_bounds = array<i64: 400, 1>}, {pipeline_mode = #tpu.pipeline_mode<synchronous>, transform_indices = @transform_6, window_bounds = array<i64: 32, 128>}]} {
    %get3A = arith.constant 0 : index
    %get3A_0 = arith.constant 0 : index
    %get3A_1 = arith.constant 0 : index
    %get3A_2 = vector.load %arg2[%get3A, %get3A_0, %get3A_1] : memref<2x400x128xf32, #tpu.memory_space<vmem>>, vector<2x400x128xf32>
    %slice3A = vector.extract_strided_slice %get3A_2 {offsets = [0, 0, 0], sizes = [1, 400, 1], strides = [1, 1, 1]} : vector<2x400x128xf32> to vector<1x400x1xf32>
    %squeeze3A = vector.shape_cast %slice3A : vector<1x400x1xf32> to vector<400xf32>
    %slice3A_3 = vector.extract_strided_slice %get3A_2 {offsets = [1, 0, 0], sizes = [1, 400, 1], strides = [1, 1, 1]} : vector<2x400x128xf32> to vector<1x400x1xf32>
    %squeeze3A_4 = vector.shape_cast %slice3A_3 : vector<1x400x1xf32> to vector<400xf32>
    %add3A = arith.addf %squeeze3A, %squeeze3A_4 : vector<400xf32>
    %max3A = arith.constant 1.000000e+00 : f32
    %max3A_5 = vector.broadcast %max3A : f32 to vector<400xf32>
    %max3A_6 = arith.maximumf %add3A, %max3A_5 : vector<400xf32>
    %rsqrt3A = math.rsqrt %max3A_6 : vector<400xf32>
    %broadcast_in_dim3A = vector.shape_cast %rsqrt3A : vector<400xf32> to vector<400x1xf32>
    %swap3A = arith.constant 0 : index
    %swap3A_7 = arith.constant 0 : index
    %swap3A_8 = vector.load %arg5[%swap3A, %swap3A_7] : memref<400x1xf32, #tpu.memory_space<vmem>>, vector<400x1xf32>
    tpu.vector_store %arg5[%swap3A, %swap3A_7], %broadcast_in_dim3A {strides = array<i32>} : memref<400x1xf32, #tpu.memory_space<vmem>>, vector<400x1xf32>,
    %div3A = arith.constant 1.000000e+00 : f32
    %div3A_9 = vector.broadcast %div3A : f32 to vector<400xf32>
    %div3A_10 = arith.divf %div3A_9, %max3A_6 : vector<400xf32>
    %broadcast_in_dim3A_11 = vector.shape_cast %div3A_10 : vector<400xf32> to vector<400x1xf32>
    %swap3A_12 = arith.constant 0 : index
    %swap3A_13 = arith.constant 0 : index
    %swap3A_14 = vector.load %arg6[%swap3A_12, %swap3A_13] : memref<400x1xf32, #tpu.memory_space<vmem>>, vector<400x1xf32>
    tpu.vector_store %arg6[%swap3A_12, %swap3A_13], %broadcast_in_dim3A_11 {strides = array<i32>} : memref<400x1xf32, #tpu.memory_space<vmem>>, vector<400x1xf32>,
    %get3A_15 = arith.constant 0 : index
    %get3A_16 = arith.constant 0 : index
    %get3A_17 = vector.load %arg1[%get3A_15, %get3A_16] : memref<400x128xf32, #tpu.memory_space<vmem>>, vector<400x128xf32>
    %broadcast_in_dim3A_18 = vector.shape_cast %rsqrt3A : vector<400xf32> to vector<400x1xf32>
    %mul3A = vector.broadcast %broadcast_in_dim3A_18 : vector<400x1xf32> to vector<400x128xf32>
    %mul3A_19 = arith.mulf %get3A_17, %mul3A : vector<400x128xf32>
    %swap3A_20 = arith.constant 0 : index
    %swap3A_21 = arith.constant 0 : index
    %swap3A_22 = vector.load %arg4[%swap3A_20, %swap3A_21] : memref<400x128xf32, #tpu.memory_space<vmem>>, vector<400x128xf32>
    tpu.vector_store %arg4[%swap3A_20, %swap3A_21], %mul3A_19 {strides = array<i32>} : memref<400x128xf32, #tpu.memory_space<vmem>>, vector<400x128xf32>,
    %eq3A = arith.constant 0 : i32
    %eq3A_23 = arith.cmpi eq, %arg0, %eq3A : i32
    %convert_element_type3A = arith.extui %eq3A_23 : i1 to i32
    %cond3A = arith.constant 0 : i32
    %cond3A_24 = arith.cmpi ne, %convert_element_type3A, %cond3A : i32
    scf.if %cond3A_24 {
      %broadcast_in_dim3A_36 = arith.constant 0.000000e+00 : f32
      %broadcast_in_dim3A_37 = vector.broadcast %broadcast_in_dim3A_36 : f32 to vector<32x128xf32>
      %swap3A_38 = arith.constant 0 : index
      %swap3A_39 = arith.constant 0 : index
      %swap3A_40 = vector.load %arg7[%swap3A_38, %swap3A_39] : memref<32x128xf32, #tpu.memory_space<vmem>>, vector<32x128xf32>
      tpu.vector_store %arg7[%swap3A_38, %swap3A_39], %broadcast_in_dim3A_37 {strides = array<i32>} : memref<32x128xf32, #tpu.memory_space<vmem>>, vector<32x128xf32>,
    } else {
    }
    %get3A_25 = arith.constant 0 : index
    %get3A_26 = arith.constant 0 : index
    %get3A_27 = vector.load %arg7[%get3A_25, %get3A_26] : memref<32x128xf32, #tpu.memory_space<vmem>>, vector<32x128xf32>
    %get3A_28 = arith.constant 0 : index
    %get3A_29 = arith.constant 0 : index
    %get3A_30 = vector.load %arg3[%get3A_28, %get3A_29] : memref<400x32xf32, #tpu.memory_space<vmem>>, vector<400x32xf32>
    %dot_general3A = arith.constant dense<0.000000e+00> : vector<32x128xf32>
    %dot_general3A_31 = tpu.matmul %get3A_30, %get3A_17, %dot_general3A {dimension_numbers = #tpu.dot_dimension_numbers<[0], [0], [1], [1], [0, 1, 1, 1], [], []>, transpose_lhs_hint = false} : vector<400x32xf32>, vector<400x128xf32>, vector<32x128xf32> -> vector<32x128xf32>
    %add3A_32 = arith.addf %get3A_27, %dot_general3A_31 : vector<32x128xf32>
    %swap3A_33 = arith.constant 0 : index
    %swap3A_34 = arith.constant 0 : index
    %swap3A_35 = vector.load %arg7[%swap3A_33, %swap3A_34] : memref<32x128xf32, #tpu.memory_space<vmem>>, vector<32x128xf32>
    tpu.vector_store %arg7[%swap3A_33, %swap3A_34], %add3A_32 {strides = array<i32>} : memref<32x128xf32, #tpu.memory_space<vmem>>, vector<32x128xf32>,
    return
  }
  func.func @transform_0(%arg0: i32) -> (i32, i32) {
    %c0_i32 = arith.constant 0 : i32
    %c0_i32_0 = arith.constant 0 : i32
    return %arg0, %c0_i32 : i32, i32
  }
  func.func @transform_1(%arg0: i32) -> (i32, i32, i32) {
    %c0_i32 = arith.constant 0 : i32
    %c0_i32_0 = arith.constant 0 : i32
    %c0_i32_1 = arith.constant 0 : i32
    return %c0_i32, %arg0, %c0_i32_0 : i32, i32, i32
  }
  func.func @transform_2(%arg0: i32) -> (i32, i32) {
    %c0_i32 = arith.constant 0 : i32
    %c0_i32_0 = arith.constant 0 : i32
    return %arg0, %c0_i32 : i32, i32
  }
  func.func @transform_3(%arg0: i32) -> (i32, i32) {
    %c0_i32 = arith.constant 0 : i32
    %c0_i32_0 = arith.constant 0 : i32
    return %arg0, %c0_i32 : i32, i32
  }
  func.func @transform_4(%arg0: i32) -> (i32, i32) {
    %c0_i32 = arith.constant 0 : i32
    %c0_i32_0 = arith.constant 0 : i32
    return %arg0, %c0_i32 : i32, i32
  }
  func.func @transform_5(%arg0: i32) -> (i32, i32) {
    %c0_i32 = arith.constant 0 : i32
    %c0_i32_0 = arith.constant 0 : i32
    return %arg0, %c0_i32 : i32, i32
  }
  func.func @transform_6(%arg0: i32) -> (i32, i32) {
    %c0_i32 = arith.constant 0 : i32
    %c0_i32_0 = arith.constant 0 : i32
    %c0_i32_1 = arith.constant 0 : i32
    return %c0_i32, %c0_i32_0 : i32, i32
  }
}

module attributes {stable_mosaic.version = 14 : i64} {
  func.func @_tc_mid_body(%arg0: i32, %arg1: memref<2x400x128xf32, #tpu.memory_space<vmem>>, %arg2: memref<400x1xf32, #tpu.memory_space<vmem>>, %arg3: memref<32x128xf32, #tpu.memory_space<vmem>>, %arg4: memref<32xf32, #tpu.memory_space<vmem>>, %arg5: memref<1x64xf32, #tpu.memory_space<vmem>>, %arg6: memref<64xf32, #tpu.memory_space<vmem>>, %arg7: memref<64x64xf32, #tpu.memory_space<vmem>>, %arg8: memref<64xf32, #tpu.memory_space<vmem>>, %arg9: memref<64x1xf32, #tpu.memory_space<vmem>>, %arg10: memref<1xf32, #tpu.memory_space<vmem>>, %arg11: memref<512x128xf32, #tpu.memory_space<vmem>>, %arg12: memref<400x128xf32, #tpu.memory_space<vmem>>, %arg13: memref<32x128xf32, #tpu.memory_space<vmem>>) attributes {dimension_semantics = [#tpu.dimension_semantics<arbitrary>], iteration_bounds = array<i64: 25>, scalar_prefetch = 0 : i64, scratch_operands = 0 : i64, tpu.core_type = #tpu.core_type<tc>, window_params = [{transform_indices = @transform_0, window_bounds = array<i64: 2, 400, 128>}, {transform_indices = @transform_1, window_bounds = array<i64: 400, 1>}, {pipeline_mode = #tpu.pipeline_mode<synchronous>, transform_indices = @transform_2, window_bounds = array<i64: 32, 128>}, {pipeline_mode = #tpu.pipeline_mode<synchronous>, transform_indices = @transform_3, window_bounds = array<i64: 32>}, {pipeline_mode = #tpu.pipeline_mode<synchronous>, transform_indices = @transform_4, window_bounds = array<i64: 1, 64>}, {pipeline_mode = #tpu.pipeline_mode<synchronous>, transform_indices = @transform_5, window_bounds = array<i64: 64>}, {pipeline_mode = #tpu.pipeline_mode<synchronous>, transform_indices = @transform_6, window_bounds = array<i64: 64, 64>}, {pipeline_mode = #tpu.pipeline_mode<synchronous>, transform_indices = @transform_7, window_bounds = array<i64: 64>}, {pipeline_mode = #tpu.pipeline_mode<synchronous>, transform_indices = @transform_8, window_bounds = array<i64: 64, 1>}, {pipeline_mode = #tpu.pipeline_mode<synchronous>, transform_indices = @transform_9, window_bounds = array<i64: 1>}, {pipeline_mode = #tpu.pipeline_mode<synchronous>, transform_indices = @transform_10, window_bounds = array<i64: 512, 128>}, {transform_indices = @transform_11, window_bounds = array<i64: 400, 128>}, {pipeline_mode = #tpu.pipeline_mode<synchronous>, transform_indices = @transform_12, window_bounds = array<i64: 32, 128>}]} {
    %get3A = arith.constant 0 : index
    %get3A_0 = arith.constant 0 : index
    %get3A_1 = arith.constant 0 : index
    %get3A_2 = vector.load %arg1[%get3A, %get3A_0, %get3A_1] : memref<2x400x128xf32, #tpu.memory_space<vmem>>, vector<1x400x128xf32>
    %get3A_3 = vector.shape_cast %get3A_2 : vector<1x400x128xf32> to vector<400x128xf32>
    %get3A_4 = arith.constant 1 : index
    %get3A_5 = arith.constant 0 : index
    %get3A_6 = arith.constant 0 : index
    %get3A_7 = vector.load %arg1[%get3A_4, %get3A_5, %get3A_6] : memref<2x400x128xf32, #tpu.memory_space<vmem>>, vector<1x400x128xf32>
    %get3A_8 = vector.shape_cast %get3A_7 : vector<1x400x128xf32> to vector<400x128xf32>
    %add3A = arith.addf %get3A_3, %get3A_8 : vector<400x128xf32>
    %get3A_9 = arith.constant 0 : index
    %get3A_10 = arith.constant 0 : index
    %get3A_11 = vector.load %arg2[%get3A_9, %get3A_10] : memref<400x1xf32, #tpu.memory_space<vmem>>, vector<400x1xf32>
    %mul3A = vector.broadcast %get3A_11 : vector<400x1xf32> to vector<400x128xf32>
    %mul3A_12 = arith.mulf %add3A, %mul3A : vector<400x128xf32>
    %neg3A = arith.constant 0.000000e+00 : f32
    %neg3A_13 = vector.broadcast %neg3A : f32 to vector<400x128xf32>
    %neg3A_14 = arith.subf %neg3A_13, %mul3A_12 : vector<400x128xf32>
    %swap3A = arith.constant 0 : index
    %swap3A_15 = arith.constant 0 : index
    %swap3A_16 = vector.load %arg12[%swap3A, %swap3A_15] : memref<400x128xf32, #tpu.memory_space<vmem>>, vector<400x128xf32>
    tpu.vector_store %arg12[%swap3A, %swap3A_15], %neg3A_14 {strides = array<i32>} : memref<400x128xf32, #tpu.memory_space<vmem>>, vector<400x128xf32>,
    %get3A_17 = arith.constant 0 : index
    %get3A_18 = vector.load %arg4[%get3A_17] : memref<32xf32, #tpu.memory_space<vmem>>, vector<32xf32>
    %reshape3A = vector.shape_cast %get3A_18 : vector<32xf32> to vector<32x1xf32>
    %get3A_19 = arith.constant 0 : index
    %get3A_20 = arith.constant 0 : index
    %get3A_21 = vector.load %arg5[%get3A_19, %get3A_20] : memref<1x64xf32, #tpu.memory_space<vmem>>, vector<1x64xf32>
    %dot_general3A = arith.constant dense<0.000000e+00> : vector<32x64xf32>
    %dot_general3A_22 = tpu.matmul %reshape3A, %get3A_21, %dot_general3A {dimension_numbers = #tpu.dot_dimension_numbers<[1], [0], [0], [1], [0, 0, 1, 1], [], []>, transpose_lhs_hint = false} : vector<32x1xf32>, vector<1x64xf32>, vector<32x64xf32> -> vector<32x64xf32>
    %get3A_23 = arith.constant 0 : index
    %get3A_24 = vector.load %arg6[%get3A_23] : memref<64xf32, #tpu.memory_space<vmem>>, vector<64xf32>
    %broadcast_in_dim3A = vector.shape_cast %get3A_24 : vector<64xf32> to vector<1x64xf32>
    %add3A_25 = vector.broadcast %broadcast_in_dim3A : vector<1x64xf32> to vector<32x64xf32>
    %add3A_26 = arith.addf %dot_general3A_22, %add3A_25 : vector<32x64xf32>
    %max3A = arith.constant 0.000000e+00 : f32
    %max3A_27 = vector.broadcast %max3A : f32 to vector<32x64xf32>
    %max3A_28 = arith.maximumf %add3A_26, %max3A_27 : vector<32x64xf32>
    %get3A_29 = arith.constant 0 : index
    %get3A_30 = arith.constant 0 : index
    %get3A_31 = vector.load %arg7[%get3A_29, %get3A_30] : memref<64x64xf32, #tpu.memory_space<vmem>>, vector<64x64xf32>
    %dot_general3A_32 = arith.constant dense<0.000000e+00> : vector<32x64xf32>
    %dot_general3A_33 = tpu.matmul %max3A_28, %get3A_31, %dot_general3A_32 {dimension_numbers = #tpu.dot_dimension_numbers<[1], [0], [0], [1], [0, 0, 1, 1], [], []>, transpose_lhs_hint = false} : vector<32x64xf32>, vector<64x64xf32>, vector<32x64xf32> -> vector<32x64xf32>
    %get3A_34 = arith.constant 0 : index
    %get3A_35 = vector.load %arg8[%get3A_34] : memref<64xf32, #tpu.memory_space<vmem>>, vector<64xf32>
    %broadcast_in_dim3A_36 = vector.shape_cast %get3A_35 : vector<64xf32> to vector<1x64xf32>
    %add3A_37 = vector.broadcast %broadcast_in_dim3A_36 : vector<1x64xf32> to vector<32x64xf32>
    %add3A_38 = arith.addf %dot_general3A_33, %add3A_37 : vector<32x64xf32>
    %max3A_39 = arith.constant 0.000000e+00 : f32
    %max3A_40 = vector.broadcast %max3A_39 : f32 to vector<32x64xf32>
    %max3A_41 = arith.maximumf %add3A_38, %max3A_40 : vector<32x64xf32>
    %get3A_42 = arith.constant 0 : index
    %get3A_43 = arith.constant 0 : index
    %get3A_44 = vector.load %arg9[%get3A_42, %get3A_43] : memref<64x1xf32, #tpu.memory_space<vmem>>, vector<64x1xf32>
    %dot_general3A_45 = arith.constant dense<0.000000e+00> : vector<32x1xf32>
    %dot_general3A_46 = tpu.matmul %max3A_41, %get3A_44, %dot_general3A_45 {dimension_numbers = #tpu.dot_dimension_numbers<[1], [0], [0], [1], [0, 0, 1, 1], [], []>, transpose_lhs_hint = false} : vector<32x64xf32>, vector<64x1xf32>, vector<32x1xf32> -> vector<32x1xf32>
    %get3A_47 = arith.constant 0 : index
    %get3A_48 = vector.load %arg10[%get3A_47] : memref<1xf32, #tpu.memory_space<vmem>>, vector<1xf32>
    %broadcast_in_dim3A_49 = vector.shape_cast %get3A_48 : vector<1xf32> to vector<1x1xf32>
    %add3A_50 = vector.broadcast %broadcast_in_dim3A_49 : vector<1x1xf32> to vector<32x1xf32>
    %add3A_51 = arith.addf %dot_general3A_46, %add3A_50 : vector<32x1xf32>
    %get3A_52 = arith.constant 0 : index
    %get3A_53 = arith.constant 0 : index
    %get3A_54 = vector.load %arg3[%get3A_52, %get3A_53] : memref<32x128xf32, #tpu.memory_space<vmem>>, vector<32x128xf32>
    %mul3A_55 = vector.broadcast %add3A_51 : vector<32x1xf32> to vector<32x128xf32>
    %mul3A_56 = arith.mulf %mul3A_55, %get3A_54 : vector<32x128xf32>
    %get3A_57 = arith.constant 384 : index
    %get3A_58 = arith.constant 0 : index
    %get3A_59 = vector.load %arg11[%get3A_57, %get3A_58] : memref<512x128xf32, #tpu.memory_space<vmem>>, vector<128x128xf32>
    %dot_general3A_60 = arith.constant dense<0.000000e+00> : vector<32x128xf32>
    %dot_general3A_61 = tpu.matmul %mul3A_56, %get3A_59, %dot_general3A_60 {dimension_numbers = #tpu.dot_dimension_numbers<[1], [0], [0], [1], [0, 0, 1, 1], [], []>, transpose_lhs_hint = false} : vector<32x128xf32>, vector<128x128xf32>, vector<32x128xf32> -> vector<32x128xf32>
    %swap3A_62 = arith.constant 0 : index
    %swap3A_63 = arith.constant 0 : index
    %swap3A_64 = vector.load %arg13[%swap3A_62, %swap3A_63] : memref<32x128xf32, #tpu.memory_space<vmem>>, vector<32x128xf32>
    tpu.vector_store %arg13[%swap3A_62, %swap3A_63], %dot_general3A_61 {strides = array<i32>} : memref<32x128xf32, #tpu.memory_space<vmem>>, vector<32x128xf32>,
    return
  }
  func.func @transform_0(%arg0: i32) -> (i32, i32, i32) {
    %c0_i32 = arith.constant 0 : i32
    %c0_i32_0 = arith.constant 0 : i32
    %c0_i32_1 = arith.constant 0 : i32
    return %c0_i32, %arg0, %c0_i32_0 : i32, i32, i32
  }
  func.func @transform_1(%arg0: i32) -> (i32, i32) {
    %c0_i32 = arith.constant 0 : i32
    %c0_i32_0 = arith.constant 0 : i32
    return %arg0, %c0_i32 : i32, i32
  }
  func.func @transform_2(%arg0: i32) -> (i32, i32) {
    %c0_i32 = arith.constant 0 : i32
    %c0_i32_0 = arith.constant 0 : i32
    %c0_i32_1 = arith.constant 0 : i32
    return %c0_i32, %c0_i32_0 : i32, i32
  }
  func.func @transform_3(%arg0: i32) -> i32 {
    %c0_i32 = arith.constant 0 : i32
    %c0_i32_0 = arith.constant 0 : i32
    return %c0_i32 : i32
  }
  func.func @transform_4(%arg0: i32) -> (i32, i32) {
    %c0_i32 = arith.constant 0 : i32
    %c0_i32_0 = arith.constant 0 : i32
    %c0_i32_1 = arith.constant 0 : i32
    return %c0_i32, %c0_i32_0 : i32, i32
  }
  func.func @transform_5(%arg0: i32) -> i32 {
    %c0_i32 = arith.constant 0 : i32
    %c0_i32_0 = arith.constant 0 : i32
    return %c0_i32 : i32
  }
  func.func @transform_6(%arg0: i32) -> (i32, i32) {
    %c0_i32 = arith.constant 0 : i32
    %c0_i32_0 = arith.constant 0 : i32
    %c0_i32_1 = arith.constant 0 : i32
    return %c0_i32, %c0_i32_0 : i32, i32
  }
  func.func @transform_7(%arg0: i32) -> i32 {
    %c0_i32 = arith.constant 0 : i32
    %c0_i32_0 = arith.constant 0 : i32
    return %c0_i32 : i32
  }
  func.func @transform_8(%arg0: i32) -> (i32, i32) {
    %c0_i32 = arith.constant 0 : i32
    %c0_i32_0 = arith.constant 0 : i32
    %c0_i32_1 = arith.constant 0 : i32
    return %c0_i32, %c0_i32_0 : i32, i32
  }
  func.func @transform_9(%arg0: i32) -> i32 {
    %c0_i32 = arith.constant 0 : i32
    %c0_i32_0 = arith.constant 0 : i32
    return %c0_i32 : i32
  }
  func.func @transform_10(%arg0: i32) -> (i32, i32) {
    %c0_i32 = arith.constant 0 : i32
    %c0_i32_0 = arith.constant 0 : i32
    %c0_i32_1 = arith.constant 0 : i32
    return %c0_i32, %c0_i32_0 : i32, i32
  }
  func.func @transform_11(%arg0: i32) -> (i32, i32) {
    %c0_i32 = arith.constant 0 : i32
    %c0_i32_0 = arith.constant 0 : i32
    return %arg0, %c0_i32 : i32, i32
  }
  func.func @transform_12(%arg0: i32) -> (i32, i32) {
    %c0_i32 = arith.constant 0 : i32
    %c0_i32_0 = arith.constant 0 : i32
    %c0_i32_1 = arith.constant 0 : i32
    return %c0_i32, %c0_i32_0 : i32, i32
  }
}

module attributes {stable_mosaic.version = 14 : i64} {
  func.func @_tc_final_body(%arg0: i32, %arg1: memref<400x128xf32, #tpu.memory_space<vmem>>, %arg2: memref<2x400x128xf32, #tpu.memory_space<vmem>>, %arg3: memref<2x400x128xf32, #tpu.memory_space<vmem>>, %arg4: memref<400x1xf32, #tpu.memory_space<vmem>>, %arg5: memref<400x32xf32, #tpu.memory_space<vmem>>, %arg6: memref<32x128xf32, #tpu.memory_space<vmem>>, %arg7: memref<512x128xf32, #tpu.memory_space<vmem>>, %arg8: memref<128xf32, #tpu.memory_space<vmem>>, %arg9: memref<400x128xf32, #tpu.memory_space<vmem>>) attributes {dimension_semantics = [#tpu.dimension_semantics<arbitrary>], iteration_bounds = array<i64: 25>, scalar_prefetch = 0 : i64, scratch_operands = 0 : i64, tpu.core_type = #tpu.core_type<tc>, window_params = [{transform_indices = @transform_0, window_bounds = array<i64: 400, 128>}, {transform_indices = @transform_1, window_bounds = array<i64: 2, 400, 128>}, {transform_indices = @transform_2, window_bounds = array<i64: 2, 400, 128>}, {transform_indices = @transform_3, window_bounds = array<i64: 400, 1>}, {transform_indices = @transform_4, window_bounds = array<i64: 400, 32>}, {pipeline_mode = #tpu.pipeline_mode<synchronous>, transform_indices = @transform_5, window_bounds = array<i64: 32, 128>}, {pipeline_mode = #tpu.pipeline_mode<synchronous>, transform_indices = @transform_6, window_bounds = array<i64: 512, 128>}, {pipeline_mode = #tpu.pipeline_mode<synchronous>, transform_indices = @transform_7, window_bounds = array<i64: 128>}, {transform_indices = @transform_8, window_bounds = array<i64: 400, 128>}]} {
    %get3A = arith.constant 0 : index
    %get3A_0 = arith.constant 0 : index
    %get3A_1 = vector.load %arg1[%get3A, %get3A_0] : memref<400x128xf32, #tpu.memory_space<vmem>>, vector<400x128xf32>
    %get3A_2 = arith.constant 0 : index
    %get3A_3 = arith.constant 0 : index
    %get3A_4 = vector.load %arg4[%get3A_2, %get3A_3] : memref<400x1xf32, #tpu.memory_space<vmem>>, vector<400x1xf32>
    %neg3A = arith.constant 0.000000e+00 : f32
    %neg3A_5 = vector.broadcast %neg3A : f32 to vector<400x1xf32>
    %neg3A_6 = arith.subf %neg3A_5, %get3A_4 : vector<400x1xf32>
    %get3A_7 = arith.constant 0 : index
    %get3A_8 = arith.constant 0 : index
    %get3A_9 = arith.constant 0 : index
    %get3A_10 = vector.load %arg2[%get3A_7, %get3A_8, %get3A_9] : memref<2x400x128xf32, #tpu.memory_space<vmem>>, vector<1x400x128xf32>
    %get3A_11 = vector.shape_cast %get3A_10 : vector<1x400x128xf32> to vector<400x128xf32>
    %get3A_12 = arith.constant 1 : index
    %get3A_13 = arith.constant 0 : index
    %get3A_14 = arith.constant 0 : index
    %get3A_15 = vector.load %arg2[%get3A_12, %get3A_13, %get3A_14] : memref<2x400x128xf32, #tpu.memory_space<vmem>>, vector<1x400x128xf32>
    %get3A_16 = vector.shape_cast %get3A_15 : vector<1x400x128xf32> to vector<400x128xf32>
    %add3A = arith.addf %get3A_11, %get3A_16 : vector<400x128xf32>
    %mul3A = vector.broadcast %neg3A_6 : vector<400x1xf32> to vector<400x128xf32>
    %mul3A_17 = arith.mulf %mul3A, %add3A : vector<400x128xf32>
    %mul3A_18 = arith.constant -2.000000e+00 : f32
    %mul3A_19 = vector.broadcast %mul3A_18 : f32 to vector<400x1xf32>
    %mul3A_20 = arith.mulf %mul3A_19, %get3A_4 : vector<400x1xf32>
    %get3A_21 = arith.constant 0 : index
    %get3A_22 = arith.constant 0 : index
    %get3A_23 = arith.constant 0 : index
    %get3A_24 = vector.load %arg3[%get3A_21, %get3A_22, %get3A_23] : memref<2x400x128xf32, #tpu.memory_space<vmem>>, vector<1x400x128xf32>
    %get3A_25 = vector.shape_cast %get3A_24 : vector<1x400x128xf32> to vector<400x128xf32>
    %get3A_26 = arith.constant 1 : index
    %get3A_27 = arith.constant 0 : index
    %get3A_28 = arith.constant 0 : index
    %get3A_29 = vector.load %arg3[%get3A_26, %get3A_27, %get3A_28] : memref<2x400x128xf32, #tpu.memory_space<vmem>>, vector<1x400x128xf32>
    %get3A_30 = vector.shape_cast %get3A_29 : vector<1x400x128xf32> to vector<400x128xf32>
    %add3A_31 = arith.addf %get3A_25, %get3A_30 : vector<400x128xf32>
    %mul3A_32 = vector.broadcast %mul3A_20 : vector<400x1xf32> to vector<400x128xf32>
    %mul3A_33 = arith.mulf %mul3A_32, %add3A_31 : vector<400x128xf32>
    %sub3A = arith.subf %mul3A_33, %get3A_1 : vector<400x128xf32>
    %get3A_34 = arith.constant 0 : index
    %get3A_35 = arith.constant 0 : index
    %get3A_36 = vector.load %arg7[%get3A_34, %get3A_35] : memref<512x128xf32, #tpu.memory_space<vmem>>, vector<512x128xf32>
    %slice3A = vector.extract_strided_slice %get3A_36 {offsets = [0, 0], sizes = [128, 128], strides = [1, 1]} : vector<512x128xf32> to vector<128x128xf32>
    %dot_general3A = arith.constant dense<0.000000e+00> : vector<400x128xf32>
    %dot_general3A_37 = tpu.matmul %get3A_1, %slice3A, %dot_general3A {dimension_numbers = #tpu.dot_dimension_numbers<[1], [0], [0], [1], [0, 0, 1, 1], [], []>, transpose_lhs_hint = false} : vector<400x128xf32>, vector<128x128xf32>, vector<400x128xf32> -> vector<400x128xf32>
    %slice3A_38 = vector.extract_strided_slice %get3A_36 {offsets = [128, 0], sizes = [128, 128], strides = [1, 1]} : vector<512x128xf32> to vector<128x128xf32>
    %dot_general3A_39 = arith.constant dense<0.000000e+00> : vector<400x128xf32>
    %dot_general3A_40 = tpu.matmul %mul3A_17, %slice3A_38, %dot_general3A_39 {dimension_numbers = #tpu.dot_dimension_numbers<[1], [0], [0], [1], [0, 0, 1, 1], [], []>, transpose_lhs_hint = false} : vector<400x128xf32>, vector<128x128xf32>, vector<400x128xf32> -> vector<400x128xf32>
    %add3A_41 = arith.addf %dot_general3A_37, %dot_general3A_40 : vector<400x128xf32>
    %slice3A_42 = vector.extract_strided_slice %get3A_36 {offsets = [256, 0], sizes = [128, 128], strides = [1, 1]} : vector<512x128xf32> to vector<128x128xf32>
    %dot_general3A_43 = arith.constant dense<0.000000e+00> : vector<400x128xf32>
    %dot_general3A_44 = tpu.matmul %sub3A, %slice3A_42, %dot_general3A_43 {dimension_numbers = #tpu.dot_dimension_numbers<[1], [0], [0], [1], [0, 0, 1, 1], [], []>, transpose_lhs_hint = false} : vector<400x128xf32>, vector<128x128xf32>, vector<400x128xf32> -> vector<400x128xf32>
    %add3A_45 = arith.addf %add3A_41, %dot_general3A_44 : vector<400x128xf32>
    %get3A_46 = arith.constant 0 : index
    %get3A_47 = arith.constant 0 : index
    %get3A_48 = vector.load %arg5[%get3A_46, %get3A_47] : memref<400x32xf32, #tpu.memory_space<vmem>>, vector<400x32xf32>
    %get3A_49 = arith.constant 0 : index
    %get3A_50 = arith.constant 0 : index
    %get3A_51 = vector.load %arg6[%get3A_49, %get3A_50] : memref<32x128xf32, #tpu.memory_space<vmem>>, vector<32x128xf32>
    %dot_general3A_52 = arith.constant dense<0.000000e+00> : vector<400x128xf32>
    %dot_general3A_53 = tpu.matmul %get3A_48, %get3A_51, %dot_general3A_52 {dimension_numbers = #tpu.dot_dimension_numbers<[1], [0], [0], [1], [0, 0, 1, 1], [], []>, transpose_lhs_hint = false} : vector<400x32xf32>, vector<32x128xf32>, vector<400x128xf32> -> vector<400x128xf32>
    %add3A_54 = arith.addf %add3A_45, %dot_general3A_53 : vector<400x128xf32>
    %get3A_55 = arith.constant 0 : index
    %get3A_56 = vector.load %arg8[%get3A_55] : memref<128xf32, #tpu.memory_space<vmem>>, vector<128xf32>
    %broadcast_in_dim3A = vector.shape_cast %get3A_56 : vector<128xf32> to vector<1x128xf32>
    %add3A_57 = vector.broadcast %broadcast_in_dim3A : vector<1x128xf32> to vector<400x128xf32>
    %add3A_58 = arith.addf %add3A_54, %add3A_57 : vector<400x128xf32>
    %max3A = arith.constant 0.000000e+00 : f32
    %max3A_59 = vector.broadcast %max3A : f32 to vector<400x128xf32>
    %max3A_60 = arith.maximumf %add3A_58, %max3A_59 : vector<400x128xf32>
    %swap3A = arith.constant 0 : index
    %swap3A_61 = arith.constant 0 : index
    %swap3A_62 = vector.load %arg9[%swap3A, %swap3A_61] : memref<400x128xf32, #tpu.memory_space<vmem>>, vector<400x128xf32>
    tpu.vector_store %arg9[%swap3A, %swap3A_61], %max3A_60 {strides = array<i32>} : memref<400x128xf32, #tpu.memory_space<vmem>>, vector<400x128xf32>,
    return
  }
  func.func @transform_0(%arg0: i32) -> (i32, i32) {
    %c0_i32 = arith.constant 0 : i32
    %c0_i32_0 = arith.constant 0 : i32
    return %arg0, %c0_i32 : i32, i32
  }
  func.func @transform_1(%arg0: i32) -> (i32, i32, i32) {
    %c0_i32 = arith.constant 0 : i32
    %c0_i32_0 = arith.constant 0 : i32
    %c0_i32_1 = arith.constant 0 : i32
    return %c0_i32, %arg0, %c0_i32_0 : i32, i32, i32
  }
  func.func @transform_2(%arg0: i32) -> (i32, i32, i32) {
    %c0_i32 = arith.constant 0 : i32
    %c0_i32_0 = arith.constant 0 : i32
    %c0_i32_1 = arith.constant 0 : i32
    return %c0_i32, %arg0, %c0_i32_0 : i32, i32, i32
  }
  func.func @transform_3(%arg0: i32) -> (i32, i32) {
    %c0_i32 = arith.constant 0 : i32
    %c0_i32_0 = arith.constant 0 : i32
    return %arg0, %c0_i32 : i32, i32
  }
  func.func @transform_4(%arg0: i32) -> (i32, i32) {
    %c0_i32 = arith.constant 0 : i32
    %c0_i32_0 = arith.constant 0 : i32
    return %arg0, %c0_i32 : i32, i32
  }
  func.func @transform_5(%arg0: i32) -> (i32, i32) {
    %c0_i32 = arith.constant 0 : i32
    %c0_i32_0 = arith.constant 0 : i32
    %c0_i32_1 = arith.constant 0 : i32
    return %c0_i32, %c0_i32_0 : i32, i32
  }
  func.func @transform_6(%arg0: i32) -> (i32, i32) {
    %c0_i32 = arith.constant 0 : i32
    %c0_i32_0 = arith.constant 0 : i32
    %c0_i32_1 = arith.constant 0 : i32
    return %c0_i32, %c0_i32_0 : i32, i32
  }
  func.func @transform_7(%arg0: i32) -> i32 {
    %c0_i32 = arith.constant 0 : i32
    %c0_i32_0 = arith.constant 0 : i32
    return %c0_i32 : i32
  }
  func.func @transform_8(%arg0: i32) -> (i32, i32) {
    %c0_i32 = arith.constant 0 : i32
    %c0_i32_0 = arith.constant 0 : i32
    return %arg0, %c0_i32 : i32, i32
  }
}

</mosaic_0001>

<sc_bundles>
// kernel: kernel.11.cloned.1.call-start
scs
__scs_entry_jumppad:
0x0: {  	(pc) =	sbr.rel $0x88, $3  }
0x1: {  	(tag) =	ssettag $0x0;
	lr =	simm.s32 $0x1  }
0x2: {  	[smem:$0x3F95] =	sst lr;
	_ =	strace $0xD0000000  }
0x3: {  	_ = 	snop  }
0x4: {  	_ = 	snop  }
0x5: {  	_ = 	snop  }
0x6: {  	_ = 	snop  }
0x7: {  	_ = 	snop  }
__scs_overlays_trampoline_lowered:
0x8: {  	[smem:$0x3FA4] =	sst s0  }
0x9: {  	[smem:$0x3FA5] =	sst s1  }
0xa: {  	[smem:$0x3FA6] =	sst s2  }
0xb: {  	[smem:$0x3FA7] =	sst s3  }
0xc: {  	[smem:$0x3FA8] =	sst s4  }
0xd: {  	[smem:$0x3FA9] =	sst s5  }
0xe: {  	[smem:$0x3FAA] =	sst s6  }
0xf: {  	[smem:$0x3FAB] =	sst s7  }
0x10: {  	[smem:$0x3FAC] =	sst s8  }
0x11: {  	[smem:$0x3FAD] =	sst s9;
	s0 =	simm.s32 @!p0 $0x0  }
0x12: {  	s1 =	sld [smem:$0x3F93];
	s0 =	simm.s32 @p0 $0x1  }
0x13: {  	[smem:$0x3FAE] =	sst s0;
	s0 =	simm.s32 @!p1 $0x0  }
0x14: {  	s2 =	sld [smem:$0x3F92];
	s0 =	simm.s32 @p1 $0x1  }
0x15: {  	[smem:$0x3FAF] =	sst s0;
	s0 =	simm.s32 @!p2 $0x0  }
0x16: {  	s3 =	sld [smem:$0x3FDB];
	s0 =	simm.s32 @p2 $0x1  }
0x17: {  	s4 =	simm.s32 $0x1BF5;
	[smem:$0x3FB1] =	sst s0  }
0x18: {  	s0 =	sld [smem:$0x3F94];
	_ =	swait.ge [sflag:s4], $0x0  }
0x19: {  	s7 =	sld [smem:$0x3F95]  }
0x1a: {  	s8 =	sadd.s32 $0xFFFFE003, lr  }
0x1b: {  	s9 =	sadd.s32 $0xFFFFFEF7, lr;
	s5 =	simm.s32 $0xFFFFFFFF;
	p2 =	slt.u32 s8, $0xFFFFF086  }
0x1c: {  	p1 =	slt.u32 s9, $0xF7A;
	s5 =	simm.s32 @!p2 $0x0  }
0x1d: {  	s5 =	simm.s32 @p1 $0x1;
	p0 =	seq.s32 s7, s2  }
0x1e: {  	s7 =	smul.u32 @!p0 $0xF7A, s2;
	p2 =	seq.s32 @!p0 s5, $0x0  }
0x1f: {  	s9 =	smul.u32 $0xF7A, s1;
	s8 =	simm.s32 @!p0 $0x1BF5;
	p2 =	por !p2, p0  }
0x20: {  	[sflag:s8] =	ssyncset.s32 @!p0 $0xFFFFF086;
	s6 =	sadd.s32 @!p0 s3, s7;
	s7 =	simm.s32 @!p0 $0x108  }
0x21: {  	s3 =	sadd.s32 s3, s9;
	s6 =	sadd.s32 @!p0 $0x88, s6;
	s7 =	simm.s32 @p2 $0x1082  }
0x22: {  	[simem:s7], [sflag:s8] =	dma.local @!p0 [hbm:s6], $0xF7A  }
0x23: {  	s9 =	sor.u32 $0xD0000000, s2;
	s6 =	simm.s32 $0x108;
	_ =	swait.ge @!p0 [sflag:s8], $0x0  }
0x24: {  	s3 =	sadd.s32 $0x88, s3;
	s6 =	simm.s32 @!p1 $0x1082;
	[sflag:s4] =	ssyncset.s32 $0xFFFFF086  }
0x25: {  	[simem:s6], [sflag:s4] =	dma.local [hbm:s3], $0xF7A  }
0x26: {  	[smem:$0x3F95] =	sst s1;
	(tag) =	ssettag s2;
	_ =	strace s9  }
0x27: {  	s1 =	sld [smem:$0x3FA5]  }
0x28: {  	s2 =	sld [smem:$0x3FA6]  }
0x29: {  	s4 =	sld [smem:$0x3FA8]  }
0x2a: {  	p0 =	seq.s32 s5, $0x0;
	s5 =	sld [smem:$0x3FA9]  }
0x2b: {  	s6 =	sld [smem:$0x3FAA]  }
0x2c: {  	s7 =	sld [smem:$0x3FAB]  }
0x2d: {  	s3 =	simm.s32 $0x108;
	s8 =	sld [smem:$0x3FAC]  }
0x2e: {  	s3 =	simm.s32 @!p0 $0x1082;
	s9 =	sld [smem:$0x3FAD]  }
0x2f: {  	lr =	sadd.s32 s0, s3;
	s0 =	sld [smem:$0x3FA4]  }
0x30: {  	s3 =	sld [smem:$0x3FA7]  }
0x31: {  	[smem:$0x3FB0] =	sst s10  }
0x32: {  	s10 =	sld [smem:$0x3FAE];
	_ =	sdelay $0x3  }
0x33: {  	p0 =	seq.s32 s10, $0x1;
	s10 =	sld [smem:$0x3FB0];
	_ =	sdelay $0x3  }
0x34: {  	[smem:$0x3FB0] =	sst s10  }
0x35: {  	s10 =	sld [smem:$0x3FAF];
	_ =	sdelay $0x3  }
0x36: {  	p1 =	seq.s32 s10, $0x1;
	s10 =	sld [smem:$0x3FB0];
	_ =	sdelay $0x3  }
0x37: {  	[smem:$0x3FB0] =	sst s10  }
0x38: {  	s10 =	sld [smem:$0x3FB1]  }
0x39: {  	_ = 	snop;
	(pc) =	sbr.ind lr, $3  }
0x3a: {  	_ = 	snop  }
0x3b: {  	_ = 	snop  }
0x3c: {  	p2 =	seq.s32 s10, $0x1;
	s10 =	sld [smem:$0x3FB0]  }
0x3d: {  	_ =	shalt  }
0x3e: {  	_ =	shalt  }
0x3f: {  	_ =	shalt  }
0x40: {  	_ =	shalt  }
0x41: {  	_ =	shalt  }
0x42: {  	_ =	shalt  }
0x43: {  	_ =	shalt  }
0x44: {  	_ =	shalt  }
0x45: {  	_ =	shalt  }
0x46: {  	_ =	shalt  }
0x47: {  	_ =	shalt  }
0x48: {  	_ =	shalt  }
0x49: {  	_ =	shalt  }
0x4a: {  	_ =	shalt  }
0x4b: {  	_ =	shalt  }
0x4c: {  	_ =	shalt  }
0x4d: {  	_ =	shalt  }
0x4e: {  	_ =	shalt  }
0x4f: {  	_ =	shalt  }
0x50: {  	_ =	shalt  }
0x51: {  	_ =	shalt  }
0x52: {  	_ =	shalt  }
0x53: {  	_ =	shalt  }
0x54: {  	_ =	shalt  }
0x55: {  	_ =	shalt  }
0x56: {  	_ =	shalt  }
0x57: {  	_ =	shalt  }
0x58: {  	_ =	shalt  }
0x59: {  	_ =	shalt  }
0x5a: {  	_ =	shalt  }
0x5b: {  	_ =	shalt  }
0x5c: {  	_ =	shalt  }
0x5d: {  	_ =	shalt  }
0x5e: {  	_ =	shalt  }
0x5f: {  	_ =	shalt  }
0x60: {  	_ =	shalt  }
0x61: {  	_ =	shalt  }
0x62: {  	_ =	shalt  }
0x63: {  	_ =	shalt  }
0x64: {  	_ =	shalt  }
0x65: {  	_ =	shalt  }
0x66: {  	_ =	shalt  }
0x67: {  	_ =	shalt  }
0x68: {  	_ =	shalt  }
0x69: {  	_ =	shalt  }
0x6a: {  	_ =	shalt  }
0x6b: {  	_ =	shalt  }
0x6c: {  	_ =	shalt  }
0x6d: {  	_ =	shalt  }
0x6e: {  	_ =	shalt  }
0x6f: {  	_ =	shalt  }
0x70: {  	_ =	shalt  }
0x71: {  	_ =	shalt  }
0x72: {  	_ =	shalt  }
0x73: {  	_ =	shalt  }
0x74: {  	_ =	shalt  }
0x75: {  	_ =	shalt  }
0x76: {  	_ =	shalt  }
0x77: {  	_ =	shalt  }
0x78: {  	_ =	shalt  }
0x79: {  	_ =	shalt  }
0x7a: {  	_ =	shalt  }
0x7b: {  	_ =	shalt  }
0x7c: {  	_ =	shalt  }
0x7d: {  	_ =	shalt  }
0x7e: {  	_ =	shalt  }
0x7f: {  	_ =	shalt  }
0x80: {  	_ =	shalt  }
0x81: {  	_ =	shalt  }
0x82: {  	_ =	shalt  }
0x83: {  	_ =	shalt  }
0x84: {  	_ =	shalt  }
0x85: {  	_ =	shalt  }
0x86: {  	_ =	shalt  }
0x87: {  	_ =	shalt  }
.Lfunc_end0:
.L_simem_size_0:
called_computation.1_lowered:
.L_overlay_start_0:
0x88: {  	s2 =	sld [smem:$0x3FD9]  }
0x89: {  	s3 =	sld [smem:$0x3FFE];
	_ =	sdelay $0x1  }
0x8a: {  	s1 =	srdreg.scid  }
0x8b: {  	s0 =	sand.u32 $0x1, s1  }
0x8c: {  	s16 =	sshll.u32 s0, $0xA;
	s2 =	sadd.s32 s3, s2  }
0x8d: {  	s2 =	sadd.s32 s2, s16  }
0x8e: {  	[smem:$0x3FBC] =	sst s2  }
0x8f: {  	_ = 	snop  }
0x90: {  	(tm) =	ssettm $0x1  }
0x91: {  	s17 =	sld [smem:$0x3FFB];
	_ =	sdelay $0x3  }
0x92: {  	_ =	strace s17  }
0x93: {  	s2 =	sld [smem:$0x3FFC];
	_ =	sdelay $0x3  }
0x94: {  	_ =	strace s2  }
0x95: {  	s2 =	sld [smem:$0x3FFD];
	_ =	sdelay $0x3  }
0x96: {  	_ =	strace s2  }
0x97: {  	_ =	strace $0x8FFFFFFF  }
0x98: {  	s18 =	sld [smem:$0x3FDB];
	_ =	sdelay $0x1  }
0x99: {  	s19 =	simm.s32 $_scs_section_size  }
0x9a: {  	s4 =	simm.s32 $_size__tile_overlayer_lowered;
	s5 =	simm.s32 $_tile_overlayer_lowered  }
0x9b: {  	s22 =	simm.s32 $0x1BFF;
	s21 =	sshll.u32 s5, $0x1;
	s2 =	sadd.s32 s19, s18  }
0x9c: {  	s6 =	simm.s32 $0x0;
	s20 =	sshll.u32 s4, $0x1;
	s4 =	sadd.s32 s21, s2  }
0x9d: {  	[timem:s6], [sflag:s22] =	dma.local [hbm:s4], s20  }
0x9e: {  	_ =	swait.ge [sflag:s22], s20  }
0x9f: {  	s3 =	ssub.s32 $0x0, s20;
	[sflag:s22] =	ssyncset.done $0x0  }
0xa0: {  	[sflag:s22] =	ssyncadd.s32 s3;
	_ =	sdelay $0x1  }
0xa1: {  	s23 =	simm.s32 $0x1B8B  }
0xa2: {  	_ =	swait.ge [sflag:s23], $0x1  }
0xa3: {  	[sflag:s23] =	ssyncset.done $0x0  }
0xa4: {  	s25 =	simm.s32 $0x1B8E;
	s24 =	sld [smem:$0x3FFE];
	[sflag:s23] =	ssyncadd.s32 $0xFFFFFFFF  }
0xa5: {  	s26 =	simm.s32 $execute0_lowered;
	[smem:$0x3FD2] =	sst s25  }
0xa6: {  	s4 =	sshll.u32 s26, $0x1;
	_ =	strace $0x80000049;
	[dreg:$0x1] =	wrdreg $0xFFFFFFFF  }
0xa7: {  	s28 =	simm.s32 $_size_execute0_lowered;
	s2 =	sadd.s32 s2, s4;
	[dreg:$0x0] =	wrdreg $0x0  }
0xa8: {  	s4 =	sshll.u32 s28, $0x1;
	[dreg:$0x2] =	wrdreg s2  }
0xa9: {  	[dreg:$0x3] =	wrdreg s4  }
0xaa: {  	[dreg:$0x4] =	wrdreg $0xC0  }
0xab: {  	_ =	task [dreg:s6], $0x5FFFF  }
0xac: {  	[dreg:$0x1] =	wrdreg $0xFFFFFFFF  }
0xad: {  	[dreg:$0x0] =	wrdreg $0x60  }
0xae: {  	[dreg:$0x2] =	wrdreg s24  }
0xaf: {  	[dreg:$0x3] =	wrdreg $0xA8000  }
0xb0: {  	[dreg:$0x4] =	wrdreg $0x9  }
0xb1: {  	_ =	task.clear_ibuf [dreg:s6], $0x5FFFF;
	_ =	strace $0x90000049  }
0xb2: {  	s29 =	simm.s32 $0x9;
	_ =	strace $0x8000004B  }
0xb3: {  	_ =	swait.ge [sflag:s29], $0x1  }
0xb4: {  	[sflag:s29] =	ssyncadd.s32 $0xFFFFFFFF  }
0xb5: {  	_ =	strace $0x9000004B  }
0xb6: {  	_ =	sfence  }
0xb7: {  	s30 =	sld [smem:$0x0];
	_ =	sdelay $0x2  }
0xb8: {  	s31 =	sshll.u32 s1, $0xD;
	s1 =	sshrl.u32 s1, $0x2  }
0xb9: {  	s3 =	sand.u32 $0x4000, s31;
	s1 =	sadd.s32 s1, s30  }
0xba: {  	s0 =	sor.u32 s3, s0;
	s1 =	sshll.u32 s1, $0x11  }
0xbb: {  	s0 =	sor.u32 s1, s0  }
0xbc: {  	s0 =	sadd.s32 $0x8F2B, s0  }
0xbd: {  	[sflag:s0] =	ssyncadd.remote.s32 $0x1  }
0xbe: {  	_ =	sfence.sel $0xFFFF  }
0xbf: {  	[dreg:$0x0] =	wrdreg $0xFFFFFFFF;
	(pc) =	sbr.abs _section_cstart, $3  }
0xc0: {  	[dreg:$0x1] =	wrdreg $0xFFFFFFFF  }
0xc1: {  	_ =	task.clear_ibuf [dreg:s6], $0x2FFFF;
	_ =	strace $0x9FFFFFFF  }
0xc2: {  	(tm) =	ssettm $0x7FFFFFFF  }
0xc3: {  	_ =	shalt  }
tec
execute0_lowered:
.L_overlay_start_1:
0x0: {  	(tag) =	ssettag $0x1  }
0x1: {  	s6 =	rddreg [dreg:$0x0]  }
0x2: {  	s1 =	rddreg [dreg:$0x1]  }
0x3: {  	s2 =	srdreg.scid;
	s0 =	rddreg [dreg:$0x2]  }
0x4: {  	s3 =	simm.s32 $0x0;
	s17 =	simm.s32 $0x3;
	s18 =	simm.s32 $0x1400  }
0x5: {  	s19 =	simm.s32 $0x80;
	s20 =	simm.s32 $0x1;
	s21 =	simm.s32 $0x6800  }
0x6: {  	s22 =	simm.s32 $0x2;
	s23 =	simm.s32 $0x1480;
	s24 =	simm.s32 $0x100  }
0x7: {  	s25 =	simm.s32 $0x0;
	s5 =	sand.u32 $0x1, s2;
	s2 =	stileid.u32  }
0x8: {  	[smem:$0x7FF] =	sst s3;
	s4 =	sadd.s32 $0x67600, s6;
	s7 =	smul.u32 $0x140000, s5  }
0x9: {  	s12 =	sadd.s32 $0x3600, s6;
	s13 =	sadd.s32 $0xD600, s6;
	s8 =	smul.u32 $0x14000, s2  }
0xa: {  	s29 =	smul.u32 $0x50000, s2;
	s9 =	sshll.u32 s5, $0x4;
	s10 =	ssub.s32 $0x2, s5  }
0xb: {  	_ =	strace $0x8000004A;
	s9 =	sor.u32 s2, s9;
	s31 =	sshrl.u32 s10, $0x1  }
0xc: {  	s7 =	sadd.s32 s8, s7;
	s30 =	sshrl.u32 s29, $0x2;
	s9 =	smul.u32 $0x2800, s9  }
0xd: {  	s15 =	ssub.s32 s10, s31;
	s7 =	sshrl.u32 s7, $0x3;
	s5 =	sadd.s32 s30, s1  }
.Ltmp0:
0xe: {  	s15 =	smax.u32 s15, $0x1;
	s14 =	sadd.s32 s7, s6;
	(pc) =	sbr.rel .LBB2_1-.Ltmp0, $4  }
0xf: {  	s6 =	sadd.s32 $0x4000, s5;
	s7 =	sadd.s32 $0x8000, s5;
	s11 =	sshrl.u32 s9, $0x3  }
0x10: {  	s8 =	sadd.s32 $0xC000, s5;
	s9 =	sadd.s32 $0x10000, s5;
	s10 =	sadd.s32 s12, s11  }
0x11: {  	s16 =	sadd.s32 $0x280, s11;
	s11 =	sadd.s32 s13, s11;
	s14 =	sadd.s32 $0x8F600, s14  }
0x12: {  	v0 =	vimm.f32 $0.0e+00;
	s12 =	sadd.s32 s12, s16;
	s13 =	sadd.s32 s13, s16;
	s16 =	simm.s32 $0x2800  }
.LBB2_9:
0x13: {  	_ =	swait.ge [sflag:s22], $0x4000  }
0x14: {  	s26 =	sshll.u32 s2, $0x6;
	s25 =	sadd.s32 $0x1, s25;
	[sflag:s22] =	ssyncset.done $0x0  }
0x15: {  	s28 =	sshrl.u32 s5, $0x3;
	p0 =	sne.s32 s25, s15;
	[sflag:s22] =	ssyncadd.s32 $0xFFFFC000  }
.Ltmp1:
0x16: {  	s26 =	sor.u32 $0x1C03, s26;
	[bflag:$0x0] =	sbarrier.arrive $0xFFFF;
	(pc) =	sbr.rel @!p0 .LBB2_10-.Ltmp1, $4  }
0x17: {  	[hbm:s14], [sflag:s26] =	dma.local [spmem:s28], $0x2800  }
0x18: {  	_ =	swait.ge [sflag:s17], $0x2800  }
0x19: {  	[sflag:s17] =	ssyncset.done $0x0  }
0x1a: {  	[sflag:s17] =	ssyncadd.s32 $0xFFFFD800  }
.LBB2_1:
0x1b: {  	s26 =	simm.s32 $0x0;
	s28 =	simm.s32 $0x200  }
.LBB2_2:
0x1c: {  	p0 =	sne.s32 s28, $0xFE00;
	[tilespmem:s26+$0x2870] =	vst v0  }
0x1d: {  	[tilespmem:s26+$0x2800] =	vst v0  }
0x1e: {  	[tilespmem:s26+$0x2810] =	vst v0  }
.Ltmp2:
0x1f: {  	[tilespmem:s26+$0x2820] =	vst v0;
	(pc) =	sbr.rel @p0 .LBB2_2-.Ltmp2, $4  }
0x20: {  	[tilespmem:s26+$0x2830] =	vst v0  }
0x21: {  	[tilespmem:s26+$0x2840] =	vst v0  }
0x22: {  	[tilespmem:s26+$0x2850] =	vst v0  }
0x23: {  	[tilespmem:s26+$0x2860] =	vst v0;
	s26 =	sshra.s32 s28, $0x2;
	s28 =	sadd.s32 $0x200, s28  }
0x24: {  	[tilespmem:s26+$0x2870] =	vst v0  }
0x25: {  	[tilespmem:s26+$0x2800] =	vst v0  }
0x26: {  	[tilespmem:s26+$0x2810] =	vst v0  }
0x27: {  	[tilespmem:s26+$0x2820] =	vst v0  }
0x28: {  	[tilespmem:s26+$0x2830] =	vst v0  }
0x29: {  	[tilespmem:s26+$0x2840] =	vst v0  }
0x2a: {  	[tilespmem:s26+$0x2850] =	vst v0  }
0x2b: {  	[tilespmem:s26+$0x2860] =	vst v0  }
0x2c: {  	[spmem:s5] =	stream.linear.scatter [tilespmem:s16], [sflag:$0x3], $0x4000, $0x38;
	[tilespmem:$0x1E800] =	vst v63  }
0x2d: {  	_ =	swait.ge [sflag:s17], $0x4000  }
0x2e: {  	[sflag:s17] =	ssyncset.done $0x0  }
0x2f: {  	[sflag:s17] =	ssyncadd.s32 $0xFFFFC000  }
0x30: {  	[spmem:s6] =	stream.linear.scatter [tilespmem:s16], [sflag:$0x3], $0x4000, $0x38;
	[tilespmem:$0x1E800] =	vst v63  }
0x31: {  	_ =	swait.ge [sflag:s17], $0x4000  }
0x32: {  	[sflag:s17] =	ssyncset.done $0x0  }
0x33: {  	[sflag:s17] =	ssyncadd.s32 $0xFFFFC000  }
0x34: {  	[spmem:s7] =	stream.linear.scatter [tilespmem:s16], [sflag:$0x3], $0x4000, $0x38;
	[tilespmem:$0x1E800] =	vst v63  }
0x35: {  	_ =	swait.ge [sflag:s17], $0x4000  }
0x36: {  	[sflag:s17] =	ssyncset.done $0x0  }
0x37: {  	[sflag:s17] =	ssyncadd.s32 $0xFFFFC000  }
0x38: {  	[spmem:s8] =	stream.linear.scatter [tilespmem:s16], [sflag:$0x3], $0x4000, $0x38;
	[tilespmem:$0x1E800] =	vst v63  }
0x39: {  	_ =	swait.ge [sflag:s17], $0x4000  }
0x3a: {  	[sflag:s17] =	ssyncset.done $0x0  }
0x3b: {  	[sflag:s17] =	ssyncadd.s32 $0xFFFFC000  }
0x3c: {  	[spmem:s9] =	stream.linear.scatter [tilespmem:s16], [sflag:$0x3], $0x4000, $0x38;
	[tilespmem:$0x1E800] =	vst v63  }
0x3d: {  	_ =	swait.ge [sflag:s17], $0x4000  }
0x3e: {  	[sflag:s17] =	ssyncset.done $0x0  }
0x3f: {  	[sflag:s17] =	ssyncadd.s32 $0xFFFFC000  }
0x40: {  	[bflag:$0x0] =	sbarrier.arrive $0xFFFF  }
0x41: {  	[tilespmem:s3], [sflag:$0x3] =	stream.linear.gather [hbm4b:s10+s3], $0x1400, $0x38;
	[tilespmem:$0x1E800] =	vst v63  }
0x42: {  	_ =	swait.ge [sflag:s17], $0x1400  }
0x43: {  	[sflag:s17] =	ssyncset.done $0x0  }
0x44: {  	[sflag:s17] =	ssyncadd.s32 $0xFFFFEC00  }
0x45: {  	[tilespmem:s18], [sflag:$0x3] =	stream.linear.gather [hbm4b:s11+s3], $0x1400, $0x38;
	[tilespmem:$0x1E800] =	vst v63  }
0x46: {  	_ =	swait.ge [sflag:s17], $0x1400  }
0x47: {  	[sflag:s17] =	ssyncset.done $0x0  }
0x48: {  	[sflag:s17] =	ssyncadd.s32 $0xFFFFEC00  }
0x49: {  	[tilespmem:s16], [sflag:$0x1] =	stream.indirect.gather [hbm4b:s4+s19], $0x80, s3, s19, $0xb8;
	[tilespmem:$0x1E800] =	vst v63  }
0x4a: {  	_ =	swait.ge [sflag:s20], $0x4000  }
0x4b: {  	[sflag:s20] =	ssyncset.done $0x0  }
0x4c: {  	[sflag:s20] =	ssyncadd.s32 $0xFFFFC000  }
0x4d: {  	[spmem:s1] =	stream.indirect.scatter.add.f32 [tilespmem:s16], [sflag:$0x1], $0x80, s18, s19, $0xb8;
	[tilespmem:$0x1E800] =	vst v63  }
0x4e: {  	_ = 	snop  }
0x4f: {  	[tilespmem:s21], [sflag:$0x2] =	stream.indirect.gather [hbm4b:s4+s19], $0x80, s19, s19, $0xb8;
	[tilespmem:$0x1E800] =	vst v63  }
0x50: {  	_ =	swait.ge [sflag:s22], $0x4000  }
0x51: {  	[sflag:s22] =	ssyncset.done $0x0  }
0x52: {  	[sflag:s22] =	ssyncadd.s32 $0xFFFFC000  }
0x53: {  	[spmem:s1] =	stream.indirect.scatter.add.f32 [tilespmem:s21], [sflag:$0x2], $0x80, s23, s19, $0xb8;
	[tilespmem:$0x1E800] =	vst v63  }
0x54: {  	_ =	swait.ge [sflag:s20], $0x4000  }
0x55: {  	[sflag:s20] =	ssyncset.done $0x0  }
0x56: {  	s26 =	simm.s32 $0xFFFFB800;
	[sflag:s20] =	ssyncadd.s32 $0xFFFFC000  }
0x57: {  	[tilespmem:s16], [sflag:$0x1] =	stream.indirect.gather [hbm4b:s4+s19], $0x80, s24, s19, $0xb8;
	[tilespmem:$0x1E800] =	vst v63  }
.LBB2_4:
0x58: {  	_ =	swait.ge [sflag:s20], $0x4000  }
0x59: {  	s28 =	sshra.s32 s26, $0x2;
	[sflag:s20] =	ssyncset.done $0x0  }
0x5a: {  	s29 =	sadd.s32 $0x2700, s28;
	[sflag:s20] =	ssyncadd.s32 $0xFFFFC000  }
0x5b: {  	[spmem:s1] =	stream.indirect.scatter.add.f32 [tilespmem:s16], [sflag:$0x1], $0x80, s29, s19, $0xb8;
	[tilespmem:$0x1E800] =	vst v63  }
0x5c: {  	_ =	swait.ge [sflag:s22], $0x4000  }
0x5d: {  	[sflag:s22] =	ssyncset.done $0x0  }
0x5e: {  	s30 =	sadd.s32 $0x1380, s28;
	[sflag:s22] =	ssyncadd.s32 $0xFFFFC000  }
0x5f: {  	[tilespmem:s21], [sflag:$0x2] =	stream.indirect.gather [hbm4b:s4+s19], $0x80, s30, s19, $0xb8;
	[tilespmem:$0x1E800] =	vst v63  }
0x60: {  	_ =	swait.ge [sflag:s22], $0x4000  }
0x61: {  	p0 =	seq.s32 s26, $0x0;
	[sflag:s22] =	ssyncset.done $0x0  }
.Ltmp3:
0x62: {  	s31 =	sadd.s32 $0x2780, s28;
	[sflag:s22] =	ssyncadd.s32 $0xFFFFC000;
	(pc) =	sbr.rel @p0 .LBB2_6-.Ltmp3, $4  }
0x63: {  	[spmem:s1] =	stream.indirect.scatter.add.f32 [tilespmem:s21], [sflag:$0x2], $0x80, s31, s19, $0xb8;
	[tilespmem:$0x1E800] =	vst v63  }
0x64: {  	_ =	swait.ge [sflag:s20], $0x4000  }
0x65: {  	[sflag:s20] =	ssyncset.done $0x0  }
0x66: {  	[sflag:s20] =	ssyncadd.s32 $0xFFFFC000  }
.Ltmp4:
0x67: {  	(pc) =	sbr.rel .LBB2_4-.Ltmp4, $3  }
0x68: {  	_ =	sdelay $0x1  }
0x69: {  	s28 =	sadd.s32 $0x1400, s28;
	s26 =	sadd.s32 $0x400, s26  }
0x6a: {  	[tilespmem:s16], [sflag:$0x1] =	stream.indirect.gather [hbm4b:s4+s19], $0x80, s28, s19, $0xb8;
	[tilespmem:$0x1E800] =	vst v63  }
.LBB2_6:
0x6b: {  	_ =	swait.ge [sflag:s22], $0x4000  }
0x6c: {  	[sflag:s22] =	ssyncset.done $0x0  }
0x6d: {  	[sflag:s22] =	ssyncadd.s32 $0xFFFFC000  }
0x6e: {  	[tilespmem:s3], [sflag:$0x3] =	stream.linear.gather [hbm4b:s12+s3], $0x1400, $0x38;
	[tilespmem:$0x1E800] =	vst v63  }
0x6f: {  	_ =	swait.ge [sflag:s17], $0x1400  }
0x70: {  	[sflag:s17] =	ssyncset.done $0x0  }
0x71: {  	[sflag:s17] =	ssyncadd.s32 $0xFFFFEC00  }
0x72: {  	[tilespmem:s18], [sflag:$0x3] =	stream.linear.gather [hbm4b:s13+s3], $0x1400, $0x38;
	[tilespmem:$0x1E800] =	vst v63  }
0x73: {  	_ =	swait.ge [sflag:s17], $0x1400  }
0x74: {  	[sflag:s17] =	ssyncset.done $0x0  }
0x75: {  	[sflag:s17] =	ssyncadd.s32 $0xFFFFEC00  }
0x76: {  	[tilespmem:s16], [sflag:$0x1] =	stream.indirect.gather [hbm4b:s4+s19], $0x80, s3, s19, $0xb8;
	[tilespmem:$0x1E800] =	vst v63  }
0x77: {  	_ =	swait.ge [sflag:s20], $0x4000  }
0x78: {  	[sflag:s20] =	ssyncset.done $0x0  }
0x79: {  	[sflag:s20] =	ssyncadd.s32 $0xFFFFC000  }
0x7a: {  	[spmem:s1] =	stream.indirect.scatter.add.f32 [tilespmem:s16], [sflag:$0x1], $0x80, s18, s19, $0xb8;
	[tilespmem:$0x1E800] =	vst v63  }
0x7b: {  	_ = 	snop  }
0x7c: {  	[tilespmem:s21], [sflag:$0x2] =	stream.indirect.gather [hbm4b:s4+s19], $0x80, s19, s19, $0xb8;
	[tilespmem:$0x1E800] =	vst v63  }
0x7d: {  	_ =	swait.ge [sflag:s22], $0x4000  }
0x7e: {  	[sflag:s22] =	ssyncset.done $0x0  }
0x7f: {  	[sflag:s22] =	ssyncadd.s32 $0xFFFFC000  }
0x80: {  	[spmem:s1] =	stream.indirect.scatter.add.f32 [tilespmem:s21], [sflag:$0x2], $0x80, s23, s19, $0xb8;
	[tilespmem:$0x1E800] =	vst v63  }
0x81: {  	_ =	swait.ge [sflag:s20], $0x4000  }
0x82: {  	[sflag:s20] =	ssyncset.done $0x0  }
0x83: {  	s26 =	simm.s32 $0xFFFFB800;
	[sflag:s20] =	ssyncadd.s32 $0xFFFFC000  }
0x84: {  	[tilespmem:s16], [sflag:$0x1] =	stream.indirect.gather [hbm4b:s4+s19], $0x80, s24, s19, $0xb8;
	[tilespmem:$0x1E800] =	vst v63  }
.LBB2_7:
0x85: {  	_ =	swait.ge [sflag:s20], $0x4000  }
0x86: {  	s28 =	sshra.s32 s26, $0x2;
	[sflag:s20] =	ssyncset.done $0x0  }
0x87: {  	s29 =	sadd.s32 $0x2700, s28;
	[sflag:s20] =	ssyncadd.s32 $0xFFFFC000  }
0x88: {  	[spmem:s1] =	stream.indirect.scatter.add.f32 [tilespmem:s16], [sflag:$0x1], $0x80, s29, s19, $0xb8;
	[tilespmem:$0x1E800] =	vst v63  }
0x89: {  	_ =	swait.ge [sflag:s22], $0x4000  }
0x8a: {  	[sflag:s22] =	ssyncset.done $0x0  }
0x8b: {  	s30 =	sadd.s32 $0x1380, s28;
	[sflag:s22] =	ssyncadd.s32 $0xFFFFC000  }
0x8c: {  	[tilespmem:s21], [sflag:$0x2] =	stream.indirect.gather [hbm4b:s4+s19], $0x80, s30, s19, $0xb8;
	[tilespmem:$0x1E800] =	vst v63  }
0x8d: {  	_ =	swait.ge [sflag:s22], $0x4000  }
0x8e: {  	p0 =	seq.s32 s26, $0x0;
	[sflag:s22] =	ssyncset.done $0x0  }
.Ltmp5:
0x8f: {  	s31 =	sadd.s32 $0x2780, s28;
	[sflag:s22] =	ssyncadd.s32 $0xFFFFC000;
	(pc) =	sbr.rel @p0 .LBB2_9-.Ltmp5, $4  }
0x90: {  	[spmem:s1] =	stream.indirect.scatter.add.f32 [tilespmem:s21], [sflag:$0x2], $0x80, s31, s19, $0xb8;
	[tilespmem:$0x1E800] =	vst v63  }
0x91: {  	_ =	swait.ge [sflag:s20], $0x4000  }
0x92: {  	[sflag:s20] =	ssyncset.done $0x0  }
0x93: {  	[sflag:s20] =	ssyncadd.s32 $0xFFFFC000  }
.Ltmp6:
0x94: {  	(pc) =	sbr.rel .LBB2_7-.Ltmp6, $3  }
0x95: {  	_ =	sdelay $0x1  }
0x96: {  	s28 =	sadd.s32 $0x1400, s28;
	s26 =	sadd.s32 $0x400, s26  }
0x97: {  	[tilespmem:s16], [sflag:$0x1] =	stream.indirect.gather [hbm4b:s4+s19], $0x80, s28, s19, $0xb8;
	[tilespmem:$0x1E800] =	vst v63  }
.LBB2_10:
0x98: {  	_ =	sfence.sel $0x180000  }
0x99: {  	[bflag:$0x0] =	sbarrier.arrive $0xFFFF  }
0x9a: {  	p0 =	sne.s32 s2, $0x0;
	_ =	strace $0x9000004A  }
0x9b: {  	s0 =	sadd.s32 @!p0 $0x100000, s0;
	[bflag:$0x2] =	sbarrier.arrive $0xFFFF  }
0x9c: {  	[sflag:s0] =	ssyncadd.tile.s32 @!p0 $0x1;
	_ =	shalt  }
.Lfunc_end2:
_tile_overlayer_lowered:
.L_overlay_start_2:
0x9d: {  	(tag) =	ssettag $0x2  }
0x9e: {  	s0 =	rddreg [dreg:$0x0];
	s2 =	stileid.u32  }
0x9f: {  	s1 =	rddreg [dreg:$0x1];
	p0 =	sne.s32 s2, $0x0  }
0xa0: {  	s3 =	rddreg [dreg:$0x2];
	[bflag:$0x3] =	sbarrier.arrive $0xFFFF;
	s2 =	simm.s32 @!p0 $0x1C03  }
0xa1: {  	[timem:s3], [sflag:s2] =	dma.local @!p0 [hbm:s0], s1  }
0xa2: {  	s0 =	simm.s32 @!p0 $0x3  }
0xa3: {  	_ =	swait.ge @!p0 [sflag:s0], s1  }
0xa4: {  	s1 =	ssub.s32 @!p0 $0x0, s1;
	[sflag:s0] =	ssyncset.done @!p0 $0x0  }
0xa5: {  	[sflag:s0] =	ssyncadd.s32 @!p0 s1  }
0xa6: {  	[bflag:$0x3] =	sbarrier.arrive $0xFFFF  }
0xa7: {  	_ =	shalt  }

// kernel: kernel.14.cloned.1.call-start
scs
__scs_entry_jumppad:
0x0: {  	(pc) =	sbr.rel $0x88, $3  }
0x1: {  	(tag) =	ssettag $0x0;
	lr =	simm.s32 $0x1  }
0x2: {  	[smem:$0x3F95] =	sst lr;
	_ =	strace $0xD0000000  }
0x3: {  	_ = 	snop  }
0x4: {  	_ = 	snop  }
0x5: {  	_ = 	snop  }
0x6: {  	_ = 	snop  }
0x7: {  	_ = 	snop  }
__scs_overlays_trampoline_lowered:
0x8: {  	[smem:$0x3FA4] =	sst s0  }
0x9: {  	[smem:$0x3FA5] =	sst s1  }
0xa: {  	[smem:$0x3FA6] =	sst s2  }
0xb: {  	[smem:$0x3FA7] =	sst s3  }
0xc: {  	[smem:$0x3FA8] =	sst s4  }
0xd: {  	[smem:$0x3FA9] =	sst s5  }
0xe: {  	[smem:$0x3FAA] =	sst s6  }
0xf: {  	[smem:$0x3FAB] =	sst s7  }
0x10: {  	[smem:$0x3FAC] =	sst s8  }
0x11: {  	[smem:$0x3FAD] =	sst s9;
	s0 =	simm.s32 @!p0 $0x0  }
0x12: {  	s1 =	sld [smem:$0x3F93];
	s0 =	simm.s32 @p0 $0x1  }
0x13: {  	[smem:$0x3FAE] =	sst s0;
	s0 =	simm.s32 @!p1 $0x0  }
0x14: {  	s2 =	sld [smem:$0x3F92];
	s0 =	simm.s32 @p1 $0x1  }
0x15: {  	[smem:$0x3FAF] =	sst s0;
	s0 =	simm.s32 @!p2 $0x0  }
0x16: {  	s3 =	sld [smem:$0x3FDB];
	s0 =	simm.s32 @p2 $0x1  }
0x17: {  	s4 =	simm.s32 $0x1BF5;
	[smem:$0x3FB1] =	sst s0  }
0x18: {  	s0 =	sld [smem:$0x3F94];
	_ =	swait.ge [sflag:s4], $0x0  }
0x19: {  	s7 =	sld [smem:$0x3F95]  }
0x1a: {  	s8 =	sadd.s32 $0xFFFFE003, lr  }
0x1b: {  	s9 =	sadd.s32 $0xFFFFFEF7, lr;
	s5 =	simm.s32 $0xFFFFFFFF;
	p2 =	slt.u32 s8, $0xFFFFF086  }
0x1c: {  	p1 =	slt.u32 s9, $0xF7A;
	s5 =	simm.s32 @!p2 $0x0  }
0x1d: {  	s5 =	simm.s32 @p1 $0x1;
	p0 =	seq.s32 s7, s2  }
0x1e: {  	s7 =	smul.u32 @!p0 $0xF7A, s2;
	p2 =	seq.s32 @!p0 s5, $0x0  }
0x1f: {  	s9 =	smul.u32 $0xF7A, s1;
	s8 =	simm.s32 @!p0 $0x1BF5;
	p2 =	por !p2, p0  }
0x20: {  	[sflag:s8] =	ssyncset.s32 @!p0 $0xFFFFF086;
	s6 =	sadd.s32 @!p0 s3, s7;
	s7 =	simm.s32 @!p0 $0x108  }
0x21: {  	s3 =	sadd.s32 s3, s9;
	s6 =	sadd.s32 @!p0 $0x88, s6;
	s7 =	simm.s32 @p2 $0x1082  }
0x22: {  	[simem:s7], [sflag:s8] =	dma.local @!p0 [hbm:s6], $0xF7A  }
0x23: {  	s9 =	sor.u32 $0xD0000000, s2;
	s6 =	simm.s32 $0x108;
	_ =	swait.ge @!p0 [sflag:s8], $0x0  }
0x24: {  	s3 =	sadd.s32 $0x88, s3;
	s6 =	simm.s32 @!p1 $0x1082;
	[sflag:s4] =	ssyncset.s32 $0xFFFFF086  }
0x25: {  	[simem:s6], [sflag:s4] =	dma.local [hbm:s3], $0xF7A  }
0x26: {  	[smem:$0x3F95] =	sst s1;
	(tag) =	ssettag s2;
	_ =	strace s9  }
0x27: {  	s1 =	sld [smem:$0x3FA5]  }
0x28: {  	s2 =	sld [smem:$0x3FA6]  }
0x29: {  	s4 =	sld [smem:$0x3FA8]  }
0x2a: {  	p0 =	seq.s32 s5, $0x0;
	s5 =	sld [smem:$0x3FA9]  }
0x2b: {  	s6 =	sld [smem:$0x3FAA]  }
0x2c: {  	s7 =	sld [smem:$0x3FAB]  }
0x2d: {  	s3 =	simm.s32 $0x108;
	s8 =	sld [smem:$0x3FAC]  }
0x2e: {  	s3 =	simm.s32 @!p0 $0x1082;
	s9 =	sld [smem:$0x3FAD]  }
0x2f: {  	lr =	sadd.s32 s0, s3;
	s0 =	sld [smem:$0x3FA4]  }
0x30: {  	s3 =	sld [smem:$0x3FA7]  }
0x31: {  	[smem:$0x3FB0] =	sst s10  }
0x32: {  	s10 =	sld [smem:$0x3FAE];
	_ =	sdelay $0x3  }
0x33: {  	p0 =	seq.s32 s10, $0x1;
	s10 =	sld [smem:$0x3FB0];
	_ =	sdelay $0x3  }
0x34: {  	[smem:$0x3FB0] =	sst s10  }
0x35: {  	s10 =	sld [smem:$0x3FAF];
	_ =	sdelay $0x3  }
0x36: {  	p1 =	seq.s32 s10, $0x1;
	s10 =	sld [smem:$0x3FB0];
	_ =	sdelay $0x3  }
0x37: {  	[smem:$0x3FB0] =	sst s10  }
0x38: {  	s10 =	sld [smem:$0x3FB1]  }
0x39: {  	_ = 	snop;
	(pc) =	sbr.ind lr, $3  }
0x3a: {  	_ = 	snop  }
0x3b: {  	_ = 	snop  }
0x3c: {  	p2 =	seq.s32 s10, $0x1;
	s10 =	sld [smem:$0x3FB0]  }
0x3d: {  	_ =	shalt  }
0x3e: {  	_ =	shalt  }
0x3f: {  	_ =	shalt  }
0x40: {  	_ =	shalt  }
0x41: {  	_ =	shalt  }
0x42: {  	_ =	shalt  }
0x43: {  	_ =	shalt  }
0x44: {  	_ =	shalt  }
0x45: {  	_ =	shalt  }
0x46: {  	_ =	shalt  }
0x47: {  	_ =	shalt  }
0x48: {  	_ =	shalt  }
0x49: {  	_ =	shalt  }
0x4a: {  	_ =	shalt  }
0x4b: {  	_ =	shalt  }
0x4c: {  	_ =	shalt  }
0x4d: {  	_ =	shalt  }
0x4e: {  	_ =	shalt  }
0x4f: {  	_ =	shalt  }
0x50: {  	_ =	shalt  }
0x51: {  	_ =	shalt  }
0x52: {  	_ =	shalt  }
0x53: {  	_ =	shalt  }
0x54: {  	_ =	shalt  }
0x55: {  	_ =	shalt  }
0x56: {  	_ =	shalt  }
0x57: {  	_ =	shalt  }
0x58: {  	_ =	shalt  }
0x59: {  	_ =	shalt  }
0x5a: {  	_ =	shalt  }
0x5b: {  	_ =	shalt  }
0x5c: {  	_ =	shalt  }
0x5d: {  	_ =	shalt  }
0x5e: {  	_ =	shalt  }
0x5f: {  	_ =	shalt  }
0x60: {  	_ =	shalt  }
0x61: {  	_ =	shalt  }
0x62: {  	_ =	shalt  }
0x63: {  	_ =	shalt  }
0x64: {  	_ =	shalt  }
0x65: {  	_ =	shalt  }
0x66: {  	_ =	shalt  }
0x67: {  	_ =	shalt  }
0x68: {  	_ =	shalt  }
0x69: {  	_ =	shalt  }
0x6a: {  	_ =	shalt  }
0x6b: {  	_ =	shalt  }
0x6c: {  	_ =	shalt  }
0x6d: {  	_ =	shalt  }
0x6e: {  	_ =	shalt  }
0x6f: {  	_ =	shalt  }
0x70: {  	_ =	shalt  }
0x71: {  	_ =	shalt  }
0x72: {  	_ =	shalt  }
0x73: {  	_ =	shalt  }
0x74: {  	_ =	shalt  }
0x75: {  	_ =	shalt  }
0x76: {  	_ =	shalt  }
0x77: {  	_ =	shalt  }
0x78: {  	_ =	shalt  }
0x79: {  	_ =	shalt  }
0x7a: {  	_ =	shalt  }
0x7b: {  	_ =	shalt  }
0x7c: {  	_ =	shalt  }
0x7d: {  	_ =	shalt  }
0x7e: {  	_ =	shalt  }
0x7f: {  	_ =	shalt  }
0x80: {  	_ =	shalt  }
0x81: {  	_ =	shalt  }
0x82: {  	_ =	shalt  }
0x83: {  	_ =	shalt  }
0x84: {  	_ =	shalt  }
0x85: {  	_ =	shalt  }
0x86: {  	_ =	shalt  }
0x87: {  	_ =	shalt  }
.Lfunc_end0:
.L_simem_size_0:
called_computation.2_lowered:
.L_overlay_start_0:
0x88: {  	s2 =	sld [smem:$0x3FD9]  }
0x89: {  	s3 =	sld [smem:$0x3FFE];
	_ =	sdelay $0x1  }
0x8a: {  	s1 =	srdreg.scid  }
0x8b: {  	s0 =	sand.u32 $0x1, s1  }
0x8c: {  	s16 =	sshll.u32 s0, $0xA;
	s2 =	sadd.s32 s3, s2  }
0x8d: {  	s2 =	sadd.s32 s2, s16  }
0x8e: {  	[smem:$0x3FBC] =	sst s2  }
0x8f: {  	_ = 	snop  }
0x90: {  	(tm) =	ssettm $0x1  }
0x91: {  	s17 =	sld [smem:$0x3FFB];
	_ =	sdelay $0x3  }
0x92: {  	_ =	strace s17  }
0x93: {  	s2 =	sld [smem:$0x3FFC];
	_ =	sdelay $0x3  }
0x94: {  	_ =	strace s2  }
0x95: {  	s2 =	sld [smem:$0x3FFD];
	_ =	sdelay $0x3  }
0x96: {  	_ =	strace s2  }
0x97: {  	_ =	strace $0x8FFFFFFF  }
0x98: {  	s18 =	sld [smem:$0x3FDB];
	_ =	sdelay $0x1  }
0x99: {  	s19 =	simm.s32 $_scs_section_size  }
0x9a: {  	s4 =	simm.s32 $_size__tile_overlayer_lowered;
	s5 =	simm.s32 $_tile_overlayer_lowered  }
0x9b: {  	s22 =	simm.s32 $0x1BFF;
	s21 =	sshll.u32 s5, $0x1;
	s2 =	sadd.s32 s19, s18  }
0x9c: {  	s6 =	simm.s32 $0x0;
	s20 =	sshll.u32 s4, $0x1;
	s4 =	sadd.s32 s21, s2  }
0x9d: {  	[timem:s6], [sflag:s22] =	dma.local [hbm:s4], s20  }
0x9e: {  	_ =	swait.ge [sflag:s22], s20  }
0x9f: {  	s3 =	ssub.s32 $0x0, s20;
	[sflag:s22] =	ssyncset.done $0x0  }
0xa0: {  	[sflag:s22] =	ssyncadd.s32 s3;
	_ =	sdelay $0x1  }
0xa1: {  	s23 =	simm.s32 $0x1B8B  }
0xa2: {  	_ =	swait.ge [sflag:s23], $0x1  }
0xa3: {  	[sflag:s23] =	ssyncset.done $0x0  }
0xa4: {  	s25 =	simm.s32 $0x1B8E;
	s24 =	sld [smem:$0x3FFE];
	[sflag:s23] =	ssyncadd.s32 $0xFFFFFFFF  }
0xa5: {  	s26 =	simm.s32 $execute0_lowered;
	[smem:$0x3FD2] =	sst s25  }
0xa6: {  	s4 =	sshll.u32 s26, $0x1;
	_ =	strace $0x8000004C;
	[dreg:$0x1] =	wrdreg $0xFFFFFFFF  }
0xa7: {  	s28 =	simm.s32 $_size_execute0_lowered;
	s2 =	sadd.s32 s2, s4;
	[dreg:$0x0] =	wrdreg $0x0  }
0xa8: {  	s4 =	sshll.u32 s28, $0x1;
	[dreg:$0x2] =	wrdreg s2  }
0xa9: {  	[dreg:$0x3] =	wrdreg s4  }
0xaa: {  	[dreg:$0x4] =	wrdreg $0xC0  }
0xab: {  	_ =	task [dreg:s6], $0x5FFFF  }
0xac: {  	[dreg:$0x1] =	wrdreg $0xFFFFFFFF  }
0xad: {  	[dreg:$0x0] =	wrdreg $0x60  }
0xae: {  	[dreg:$0x2] =	wrdreg s24  }
0xaf: {  	[dreg:$0x3] =	wrdreg $0xA8000  }
0xb0: {  	[dreg:$0x4] =	wrdreg $0x9  }
0xb1: {  	_ =	task.clear_ibuf [dreg:s6], $0x5FFFF;
	_ =	strace $0x9000004C  }
0xb2: {  	s29 =	simm.s32 $0x9;
	_ =	strace $0x8000004E  }
0xb3: {  	_ =	swait.ge [sflag:s29], $0x1  }
0xb4: {  	[sflag:s29] =	ssyncadd.s32 $0xFFFFFFFF  }
0xb5: {  	_ =	strace $0x9000004E  }
0xb6: {  	_ =	sfence  }
0xb7: {  	s30 =	sld [smem:$0x0];
	_ =	sdelay $0x2  }
0xb8: {  	s31 =	sshll.u32 s1, $0xD;
	s1 =	sshrl.u32 s1, $0x2  }
0xb9: {  	s3 =	sand.u32 $0x4000, s31;
	s1 =	sadd.s32 s1, s30  }
0xba: {  	s0 =	sor.u32 s3, s0;
	s1 =	sshll.u32 s1, $0x11  }
0xbb: {  	s0 =	sor.u32 s1, s0  }
0xbc: {  	s0 =	sadd.s32 $0x8F2B, s0  }
0xbd: {  	[sflag:s0] =	ssyncadd.remote.s32 $0x1  }
0xbe: {  	_ =	sfence.sel $0xFFFF  }
0xbf: {  	[dreg:$0x0] =	wrdreg $0xFFFFFFFF;
	(pc) =	sbr.abs _section_cstart, $3  }
0xc0: {  	[dreg:$0x1] =	wrdreg $0xFFFFFFFF  }
0xc1: {  	_ =	task.clear_ibuf [dreg:s6], $0x2FFFF;
	_ =	strace $0x9FFFFFFF  }
0xc2: {  	(tm) =	ssettm $0x7FFFFFFF  }
0xc3: {  	_ =	shalt  }
tec
execute0_lowered:
.L_overlay_start_1:
0x0: {  	(tag) =	ssettag $0x1  }
0x1: {  	s6 =	rddreg [dreg:$0x0]  }
0x2: {  	s1 =	rddreg [dreg:$0x1]  }
0x3: {  	s2 =	srdreg.scid;
	s0 =	rddreg [dreg:$0x2]  }
0x4: {  	s3 =	simm.s32 $0x0;
	s17 =	simm.s32 $0x3;
	s18 =	simm.s32 $0x1400  }
0x5: {  	s19 =	simm.s32 $0x80;
	s20 =	simm.s32 $0x1;
	s21 =	simm.s32 $0x6800  }
0x6: {  	s22 =	simm.s32 $0x2;
	s23 =	simm.s32 $0x1480;
	s24 =	simm.s32 $0x100  }
0x7: {  	s25 =	simm.s32 $0x0;
	s5 =	sand.u32 $0x1, s2;
	s2 =	stileid.u32  }
0x8: {  	[smem:$0x7FF] =	sst s3;
	s4 =	sadd.s32 $0x3E800, s6;
	s7 =	smul.u32 $0x140000, s5  }
0x9: {  	s12 =	sadd.s32 $0x3600, s6;
	s13 =	sadd.s32 $0xD600, s6;
	s8 =	smul.u32 $0x14000, s2  }
0xa: {  	s29 =	smul.u32 $0x50000, s2;
	s9 =	sshll.u32 s5, $0x4;
	s10 =	ssub.s32 $0x2, s5  }
0xb: {  	_ =	strace $0x8000004D;
	s9 =	sor.u32 s2, s9;
	s31 =	sshrl.u32 s10, $0x1  }
0xc: {  	s7 =	sadd.s32 s8, s7;
	s30 =	sshrl.u32 s29, $0x2;
	s9 =	smul.u32 $0x2800, s9  }
0xd: {  	s15 =	ssub.s32 s10, s31;
	s7 =	sshrl.u32 s7, $0x3;
	s5 =	sadd.s32 s30, s1  }
.Ltmp0:
0xe: {  	s15 =	smax.u32 s15, $0x1;
	s14 =	sadd.s32 s7, s6;
	(pc) =	sbr.rel .LBB2_1-.Ltmp0, $4  }
0xf: {  	s6 =	sadd.s32 $0x4000, s5;
	s7 =	sadd.s32 $0x8000, s5;
	s11 =	sshrl.u32 s9, $0x3  }
0x10: {  	s8 =	sadd.s32 $0xC000, s5;
	s9 =	sadd.s32 $0x10000, s5;
	s10 =	sadd.s32 s12, s11  }
0x11: {  	s16 =	sadd.s32 $0x280, s11;
	s11 =	sadd.s32 s13, s11;
	s14 =	sadd.s32 $0xDF600, s14  }
0x12: {  	v0 =	vimm.f32 $0.0e+00;
	s12 =	sadd.s32 s12, s16;
	s13 =	sadd.s32 s13, s16;
	s16 =	simm.s32 $0x2800  }
.LBB2_9:
0x13: {  	_ =	swait.ge [sflag:s22], $0x4000  }
0x14: {  	s26 =	sshll.u32 s2, $0x6;
	s25 =	sadd.s32 $0x1, s25;
	[sflag:s22] =	ssyncset.done $0x0  }
0x15: {  	s28 =	sshrl.u32 s5, $0x3;
	p0 =	sne.s32 s25, s15;
	[sflag:s22] =	ssyncadd.s32 $0xFFFFC000  }
.Ltmp1:
0x16: {  	s26 =	sor.u32 $0x1C03, s26;
	[bflag:$0x0] =	sbarrier.arrive $0xFFFF;
	(pc) =	sbr.rel @!p0 .LBB2_10-.Ltmp1, $4  }
0x17: {  	[hbm:s14], [sflag:s26] =	dma.local [spmem:s28], $0x2800  }
0x18: {  	_ =	swait.ge [sflag:s17], $0x2800  }
0x19: {  	[sflag:s17] =	ssyncset.done $0x0  }
0x1a: {  	[sflag:s17] =	ssyncadd.s32 $0xFFFFD800  }
.LBB2_1:
0x1b: {  	s26 =	simm.s32 $0x0;
	s28 =	simm.s32 $0x200  }
.LBB2_2:
0x1c: {  	p0 =	sne.s32 s28, $0xFE00;
	[tilespmem:s26+$0x2870] =	vst v0  }
0x1d: {  	[tilespmem:s26+$0x2800] =	vst v0  }
0x1e: {  	[tilespmem:s26+$0x2810] =	vst v0  }
.Ltmp2:
0x1f: {  	[tilespmem:s26+$0x2820] =	vst v0;
	(pc) =	sbr.rel @p0 .LBB2_2-.Ltmp2, $4  }
0x20: {  	[tilespmem:s26+$0x2830] =	vst v0  }
0x21: {  	[tilespmem:s26+$0x2840] =	vst v0  }
0x22: {  	[tilespmem:s26+$0x2850] =	vst v0  }
0x23: {  	[tilespmem:s26+$0x2860] =	vst v0;
	s26 =	sshra.s32 s28, $0x2;
	s28 =	sadd.s32 $0x200, s28  }
0x24: {  	[tilespmem:s26+$0x2870] =	vst v0  }
0x25: {  	[tilespmem:s26+$0x2800] =	vst v0  }
0x26: {  	[tilespmem:s26+$0x2810] =	vst v0  }
0x27: {  	[tilespmem:s26+$0x2820] =	vst v0  }
0x28: {  	[tilespmem:s26+$0x2830] =	vst v0  }
0x29: {  	[tilespmem:s26+$0x2840] =	vst v0  }
0x2a: {  	[tilespmem:s26+$0x2850] =	vst v0  }
0x2b: {  	[tilespmem:s26+$0x2860] =	vst v0  }
0x2c: {  	[spmem:s5] =	stream.linear.scatter [tilespmem:s16], [sflag:$0x3], $0x4000, $0x38;
	[tilespmem:$0x1E800] =	vst v63  }
0x2d: {  	_ =	swait.ge [sflag:s17], $0x4000  }
0x2e: {  	[sflag:s17] =	ssyncset.done $0x0  }
0x2f: {  	[sflag:s17] =	ssyncadd.s32 $0xFFFFC000  }
0x30: {  	[spmem:s6] =	stream.linear.scatter [tilespmem:s16], [sflag:$0x3], $0x4000, $0x38;
	[tilespmem:$0x1E800] =	vst v63  }
0x31: {  	_ =	swait.ge [sflag:s17], $0x4000  }
0x32: {  	[sflag:s17] =	ssyncset.done $0x0  }
0x33: {  	[sflag:s17] =	ssyncadd.s32 $0xFFFFC000  }
0x34: {  	[spmem:s7] =	stream.linear.scatter [tilespmem:s16], [sflag:$0x3], $0x4000, $0x38;
	[tilespmem:$0x1E800] =	vst v63  }
0x35: {  	_ =	swait.ge [sflag:s17], $0x4000  }
0x36: {  	[sflag:s17] =	ssyncset.done $0x0  }
0x37: {  	[sflag:s17] =	ssyncadd.s32 $0xFFFFC000  }
0x38: {  	[spmem:s8] =	stream.linear.scatter [tilespmem:s16], [sflag:$0x3], $0x4000, $0x38;
	[tilespmem:$0x1E800] =	vst v63  }
0x39: {  	_ =	swait.ge [sflag:s17], $0x4000  }
0x3a: {  	[sflag:s17] =	ssyncset.done $0x0  }
0x3b: {  	[sflag:s17] =	ssyncadd.s32 $0xFFFFC000  }
0x3c: {  	[spmem:s9] =	stream.linear.scatter [tilespmem:s16], [sflag:$0x3], $0x4000, $0x38;
	[tilespmem:$0x1E800] =	vst v63  }
0x3d: {  	_ =	swait.ge [sflag:s17], $0x4000  }
0x3e: {  	[sflag:s17] =	ssyncset.done $0x0  }
0x3f: {  	[sflag:s17] =	ssyncadd.s32 $0xFFFFC000  }
0x40: {  	[bflag:$0x0] =	sbarrier.arrive $0xFFFF  }
0x41: {  	[tilespmem:s3], [sflag:$0x3] =	stream.linear.gather [hbm4b:s10+s3], $0x1400, $0x38;
	[tilespmem:$0x1E800] =	vst v63  }
0x42: {  	_ =	swait.ge [sflag:s17], $0x1400  }
0x43: {  	[sflag:s17] =	ssyncset.done $0x0  }
0x44: {  	[sflag:s17] =	ssyncadd.s32 $0xFFFFEC00  }
0x45: {  	[tilespmem:s18], [sflag:$0x3] =	stream.linear.gather [hbm4b:s11+s3], $0x1400, $0x38;
	[tilespmem:$0x1E800] =	vst v63  }
0x46: {  	_ =	swait.ge [sflag:s17], $0x1400  }
0x47: {  	[sflag:s17] =	ssyncset.done $0x0  }
0x48: {  	[sflag:s17] =	ssyncadd.s32 $0xFFFFEC00  }
0x49: {  	[tilespmem:s16], [sflag:$0x1] =	stream.indirect.gather [hbm4b:s4+s19], $0x80, s3, s19, $0xb8;
	[tilespmem:$0x1E800] =	vst v63  }
0x4a: {  	_ =	swait.ge [sflag:s20], $0x4000  }
0x4b: {  	[sflag:s20] =	ssyncset.done $0x0  }
0x4c: {  	[sflag:s20] =	ssyncadd.s32 $0xFFFFC000  }
0x4d: {  	[spmem:s1] =	stream.indirect.scatter.add.f32 [tilespmem:s16], [sflag:$0x1], $0x80, s18, s19, $0xb8;
	[tilespmem:$0x1E800] =	vst v63  }
0x4e: {  	_ = 	snop  }
0x4f: {  	[tilespmem:s21], [sflag:$0x2] =	stream.indirect.gather [hbm4b:s4+s19], $0x80, s19, s19, $0xb8;
	[tilespmem:$0x1E800] =	vst v63  }
0x50: {  	_ =	swait.ge [sflag:s22], $0x4000  }
0x51: {  	[sflag:s22] =	ssyncset.done $0x0  }
0x52: {  	[sflag:s22] =	ssyncadd.s32 $0xFFFFC000  }
0x53: {  	[spmem:s1] =	stream.indirect.scatter.add.f32 [tilespmem:s21], [sflag:$0x2], $0x80, s23, s19, $0xb8;
	[tilespmem:$0x1E800] =	vst v63  }
0x54: {  	_ =	swait.ge [sflag:s20], $0x4000  }
0x55: {  	[sflag:s20] =	ssyncset.done $0x0  }
0x56: {  	s26 =	simm.s32 $0xFFFFB800;
	[sflag:s20] =	ssyncadd.s32 $0xFFFFC000  }
0x57: {  	[tilespmem:s16], [sflag:$0x1] =	stream.indirect.gather [hbm4b:s4+s19], $0x80, s24, s19, $0xb8;
	[tilespmem:$0x1E800] =	vst v63  }
.LBB2_4:
0x58: {  	_ =	swait.ge [sflag:s20], $0x4000  }
0x59: {  	s28 =	sshra.s32 s26, $0x2;
	[sflag:s20] =	ssyncset.done $0x0  }
0x5a: {  	s29 =	sadd.s32 $0x2700, s28;
	[sflag:s20] =	ssyncadd.s32 $0xFFFFC000  }
0x5b: {  	[spmem:s1] =	stream.indirect.scatter.add.f32 [tilespmem:s16], [sflag:$0x1], $0x80, s29, s19, $0xb8;
	[tilespmem:$0x1E800] =	vst v63  }
0x5c: {  	_ =	swait.ge [sflag:s22], $0x4000  }
0x5d: {  	[sflag:s22] =	ssyncset.done $0x0  }
0x5e: {  	s30 =	sadd.s32 $0x1380, s28;
	[sflag:s22] =	ssyncadd.s32 $0xFFFFC000  }
0x5f: {  	[tilespmem:s21], [sflag:$0x2] =	stream.indirect.gather [hbm4b:s4+s19], $0x80, s30, s19, $0xb8;
	[tilespmem:$0x1E800] =	vst v63  }
0x60: {  	_ =	swait.ge [sflag:s22], $0x4000  }
0x61: {  	p0 =	seq.s32 s26, $0x0;
	[sflag:s22] =	ssyncset.done $0x0  }
.Ltmp3:
0x62: {  	s31 =	sadd.s32 $0x2780, s28;
	[sflag:s22] =	ssyncadd.s32 $0xFFFFC000;
	(pc) =	sbr.rel @p0 .LBB2_6-.Ltmp3, $4  }
0x63: {  	[spmem:s1] =	stream.indirect.scatter.add.f32 [tilespmem:s21], [sflag:$0x2], $0x80, s31, s19, $0xb8;
	[tilespmem:$0x1E800] =	vst v63  }
0x64: {  	_ =	swait.ge [sflag:s20], $0x4000  }
0x65: {  	[sflag:s20] =	ssyncset.done $0x0  }
0x66: {  	[sflag:s20] =	ssyncadd.s32 $0xFFFFC000  }
.Ltmp4:
0x67: {  	(pc) =	sbr.rel .LBB2_4-.Ltmp4, $3  }
0x68: {  	_ =	sdelay $0x1  }
0x69: {  	s28 =	sadd.s32 $0x1400, s28;
	s26 =	sadd.s32 $0x400, s26  }
0x6a: {  	[tilespmem:s16], [sflag:$0x1] =	stream.indirect.gather [hbm4b:s4+s19], $0x80, s28, s19, $0xb8;
	[tilespmem:$0x1E800] =	vst v63  }
.LBB2_6:
0x6b: {  	_ =	swait.ge [sflag:s22], $0x4000  }
0x6c: {  	[sflag:s22] =	ssyncset.done $0x0  }
0x6d: {  	[sflag:s22] =	ssyncadd.s32 $0xFFFFC000  }
0x6e: {  	[tilespmem:s3], [sflag:$0x3] =	stream.linear.gather [hbm4b:s12+s3], $0x1400, $0x38;
	[tilespmem:$0x1E800] =	vst v63  }
0x6f: {  	_ =	swait.ge [sflag:s17], $0x1400  }
0x70: {  	[sflag:s17] =	ssyncset.done $0x0  }
0x71: {  	[sflag:s17] =	ssyncadd.s32 $0xFFFFEC00  }
0x72: {  	[tilespmem:s18], [sflag:$0x3] =	stream.linear.gather [hbm4b:s13+s3], $0x1400, $0x38;
	[tilespmem:$0x1E800] =	vst v63  }
0x73: {  	_ =	swait.ge [sflag:s17], $0x1400  }
0x74: {  	[sflag:s17] =	ssyncset.done $0x0  }
0x75: {  	[sflag:s17] =	ssyncadd.s32 $0xFFFFEC00  }
0x76: {  	[tilespmem:s16], [sflag:$0x1] =	stream.indirect.gather [hbm4b:s4+s19], $0x80, s3, s19, $0xb8;
	[tilespmem:$0x1E800] =	vst v63  }
0x77: {  	_ =	swait.ge [sflag:s20], $0x4000  }
0x78: {  	[sflag:s20] =	ssyncset.done $0x0  }
0x79: {  	[sflag:s20] =	ssyncadd.s32 $0xFFFFC000  }
0x7a: {  	[spmem:s1] =	stream.indirect.scatter.add.f32 [tilespmem:s16], [sflag:$0x1], $0x80, s18, s19, $0xb8;
	[tilespmem:$0x1E800] =	vst v63  }
0x7b: {  	_ = 	snop  }
0x7c: {  	[tilespmem:s21], [sflag:$0x2] =	stream.indirect.gather [hbm4b:s4+s19], $0x80, s19, s19, $0xb8;
	[tilespmem:$0x1E800] =	vst v63  }
0x7d: {  	_ =	swait.ge [sflag:s22], $0x4000  }
0x7e: {  	[sflag:s22] =	ssyncset.done $0x0  }
0x7f: {  	[sflag:s22] =	ssyncadd.s32 $0xFFFFC000  }
0x80: {  	[spmem:s1] =	stream.indirect.scatter.add.f32 [tilespmem:s21], [sflag:$0x2], $0x80, s23, s19, $0xb8;
	[tilespmem:$0x1E800] =	vst v63  }
0x81: {  	_ =	swait.ge [sflag:s20], $0x4000  }
0x82: {  	[sflag:s20] =	ssyncset.done $0x0  }
0x83: {  	s26 =	simm.s32 $0xFFFFB800;
	[sflag:s20] =	ssyncadd.s32 $0xFFFFC000  }
0x84: {  	[tilespmem:s16], [sflag:$0x1] =	stream.indirect.gather [hbm4b:s4+s19], $0x80, s24, s19, $0xb8;
	[tilespmem:$0x1E800] =	vst v63  }
.LBB2_7:
0x85: {  	_ =	swait.ge [sflag:s20], $0x4000  }
0x86: {  	s28 =	sshra.s32 s26, $0x2;
	[sflag:s20] =	ssyncset.done $0x0  }
0x87: {  	s29 =	sadd.s32 $0x2700, s28;
	[sflag:s20] =	ssyncadd.s32 $0xFFFFC000  }
0x88: {  	[spmem:s1] =	stream.indirect.scatter.add.f32 [tilespmem:s16], [sflag:$0x1], $0x80, s29, s19, $0xb8;
	[tilespmem:$0x1E800] =	vst v63  }
0x89: {  	_ =	swait.ge [sflag:s22], $0x4000  }
0x8a: {  	[sflag:s22] =	ssyncset.done $0x0  }
0x8b: {  	s30 =	sadd.s32 $0x1380, s28;
	[sflag:s22] =	ssyncadd.s32 $0xFFFFC000  }
0x8c: {  	[tilespmem:s21], [sflag:$0x2] =	stream.indirect.gather [hbm4b:s4+s19], $0x80, s30, s19, $0xb8;
	[tilespmem:$0x1E800] =	vst v63  }
0x8d: {  	_ =	swait.ge [sflag:s22], $0x4000  }
0x8e: {  	p0 =	seq.s32 s26, $0x0;
	[sflag:s22] =	ssyncset.done $0x0  }
.Ltmp5:
0x8f: {  	s31 =	sadd.s32 $0x2780, s28;
	[sflag:s22] =	ssyncadd.s32 $0xFFFFC000;
	(pc) =	sbr.rel @p0 .LBB2_9-.Ltmp5, $4  }
0x90: {  	[spmem:s1] =	stream.indirect.scatter.add.f32 [tilespmem:s21], [sflag:$0x2], $0x80, s31, s19, $0xb8;
	[tilespmem:$0x1E800] =	vst v63  }
0x91: {  	_ =	swait.ge [sflag:s20], $0x4000  }
0x92: {  	[sflag:s20] =	ssyncset.done $0x0  }
0x93: {  	[sflag:s20] =	ssyncadd.s32 $0xFFFFC000  }
.Ltmp6:
0x94: {  	(pc) =	sbr.rel .LBB2_7-.Ltmp6, $3  }
0x95: {  	_ =	sdelay $0x1  }
0x96: {  	s28 =	sadd.s32 $0x1400, s28;
	s26 =	sadd.s32 $0x400, s26  }
0x97: {  	[tilespmem:s16], [sflag:$0x1] =	stream.indirect.gather [hbm4b:s4+s19], $0x80, s28, s19, $0xb8;
	[tilespmem:$0x1E800] =	vst v63  }
.LBB2_10:
0x98: {  	_ =	sfence.sel $0x180000  }
0x99: {  	[bflag:$0x0] =	sbarrier.arrive $0xFFFF  }
0x9a: {  	p0 =	sne.s32 s2, $0x0;
	_ =	strace $0x9000004D  }
0x9b: {  	s0 =	sadd.s32 @!p0 $0x100000, s0;
	[bflag:$0x2] =	sbarrier.arrive $0xFFFF  }
0x9c: {  	[sflag:s0] =	ssyncadd.tile.s32 @!p0 $0x1;
	_ =	shalt  }
.Lfunc_end2:
_tile_overlayer_lowered:
.L_overlay_start_2:
0x9d: {  	(tag) =	ssettag $0x2  }
0x9e: {  	s0 =	rddreg [dreg:$0x0];
	s2 =	stileid.u32  }
0x9f: {  	s1 =	rddreg [dreg:$0x1];
	p0 =	sne.s32 s2, $0x0  }
0xa0: {  	s3 =	rddreg [dreg:$0x2];
	[bflag:$0x3] =	sbarrier.arrive $0xFFFF;
	s2 =	simm.s32 @!p0 $0x1C03  }
0xa1: {  	[timem:s3], [sflag:s2] =	dma.local @!p0 [hbm:s0], s1  }
0xa2: {  	s0 =	simm.s32 @!p0 $0x3  }
0xa3: {  	_ =	swait.ge @!p0 [sflag:s0], s1  }
0xa4: {  	s1 =	ssub.s32 @!p0 $0x0, s1;
	[sflag:s0] =	ssyncset.done @!p0 $0x0  }
0xa5: {  	[sflag:s0] =	ssyncadd.s32 @!p0 s1  }
0xa6: {  	[bflag:$0x3] =	sbarrier.arrive $0xFFFF  }
0xa7: {  	_ =	shalt  }

// kernel: kernel.8.cloned.1.call-start
scs
__scs_entry_jumppad:
0x0: {  	(pc) =	sbr.rel $0x88, $3  }
0x1: {  	(tag) =	ssettag $0x0;
	lr =	simm.s32 $0x1  }
0x2: {  	[smem:$0x3F95] =	sst lr;
	_ =	strace $0xD0000000  }
0x3: {  	_ = 	snop  }
0x4: {  	_ = 	snop  }
0x5: {  	_ = 	snop  }
0x6: {  	_ = 	snop  }
0x7: {  	_ = 	snop  }
__scs_overlays_trampoline_lowered:
0x8: {  	[smem:$0x3FA4] =	sst s0  }
0x9: {  	[smem:$0x3FA5] =	sst s1  }
0xa: {  	[smem:$0x3FA6] =	sst s2  }
0xb: {  	[smem:$0x3FA7] =	sst s3  }
0xc: {  	[smem:$0x3FA8] =	sst s4  }
0xd: {  	[smem:$0x3FA9] =	sst s5  }
0xe: {  	[smem:$0x3FAA] =	sst s6  }
0xf: {  	[smem:$0x3FAB] =	sst s7  }
0x10: {  	[smem:$0x3FAC] =	sst s8  }
0x11: {  	[smem:$0x3FAD] =	sst s9;
	s0 =	simm.s32 @!p0 $0x0  }
0x12: {  	s1 =	sld [smem:$0x3F93];
	s0 =	simm.s32 @p0 $0x1  }
0x13: {  	[smem:$0x3FAE] =	sst s0;
	s0 =	simm.s32 @!p1 $0x0  }
0x14: {  	s2 =	sld [smem:$0x3F92];
	s0 =	simm.s32 @p1 $0x1  }
0x15: {  	[smem:$0x3FAF] =	sst s0;
	s0 =	simm.s32 @!p2 $0x0  }
0x16: {  	s3 =	sld [smem:$0x3FDB];
	s0 =	simm.s32 @p2 $0x1  }
0x17: {  	s4 =	simm.s32 $0x1BF5;
	[smem:$0x3FB1] =	sst s0  }
0x18: {  	s0 =	sld [smem:$0x3F94];
	_ =	swait.ge [sflag:s4], $0x0  }
0x19: {  	s7 =	sld [smem:$0x3F95]  }
0x1a: {  	s8 =	sadd.s32 $0xFFFFE003, lr  }
0x1b: {  	s9 =	sadd.s32 $0xFFFFFEF7, lr;
	s5 =	simm.s32 $0xFFFFFFFF;
	p2 =	slt.u32 s8, $0xFFFFF086  }
0x1c: {  	p1 =	slt.u32 s9, $0xF7A;
	s5 =	simm.s32 @!p2 $0x0  }
0x1d: {  	s5 =	simm.s32 @p1 $0x1;
	p0 =	seq.s32 s7, s2  }
0x1e: {  	s7 =	smul.u32 @!p0 $0xF7A, s2;
	p2 =	seq.s32 @!p0 s5, $0x0  }
0x1f: {  	s9 =	smul.u32 $0xF7A, s1;
	s8 =	simm.s32 @!p0 $0x1BF5;
	p2 =	por !p2, p0  }
0x20: {  	[sflag:s8] =	ssyncset.s32 @!p0 $0xFFFFF086;
	s6 =	sadd.s32 @!p0 s3, s7;
	s7 =	simm.s32 @!p0 $0x108  }
0x21: {  	s3 =	sadd.s32 s3, s9;
	s6 =	sadd.s32 @!p0 $0x88, s6;
	s7 =	simm.s32 @p2 $0x1082  }
0x22: {  	[simem:s7], [sflag:s8] =	dma.local @!p0 [hbm:s6], $0xF7A  }
0x23: {  	s9 =	sor.u32 $0xD0000000, s2;
	s6 =	simm.s32 $0x108;
	_ =	swait.ge @!p0 [sflag:s8], $0x0  }
0x24: {  	s3 =	sadd.s32 $0x88, s3;
	s6 =	simm.s32 @!p1 $0x1082;
	[sflag:s4] =	ssyncset.s32 $0xFFFFF086  }
0x25: {  	[simem:s6], [sflag:s4] =	dma.local [hbm:s3], $0xF7A  }
0x26: {  	[smem:$0x3F95] =	sst s1;
	(tag) =	ssettag s2;
	_ =	strace s9  }
0x27: {  	s1 =	sld [smem:$0x3FA5]  }
0x28: {  	s2 =	sld [smem:$0x3FA6]  }
0x29: {  	s4 =	sld [smem:$0x3FA8]  }
0x2a: {  	p0 =	seq.s32 s5, $0x0;
	s5 =	sld [smem:$0x3FA9]  }
0x2b: {  	s6 =	sld [smem:$0x3FAA]  }
0x2c: {  	s7 =	sld [smem:$0x3FAB]  }
0x2d: {  	s3 =	simm.s32 $0x108;
	s8 =	sld [smem:$0x3FAC]  }
0x2e: {  	s3 =	simm.s32 @!p0 $0x1082;
	s9 =	sld [smem:$0x3FAD]  }
0x2f: {  	lr =	sadd.s32 s0, s3;
	s0 =	sld [smem:$0x3FA4]  }
0x30: {  	s3 =	sld [smem:$0x3FA7]  }
0x31: {  	[smem:$0x3FB0] =	sst s10  }
0x32: {  	s10 =	sld [smem:$0x3FAE];
	_ =	sdelay $0x3  }
0x33: {  	p0 =	seq.s32 s10, $0x1;
	s10 =	sld [smem:$0x3FB0];
	_ =	sdelay $0x3  }
0x34: {  	[smem:$0x3FB0] =	sst s10  }
0x35: {  	s10 =	sld [smem:$0x3FAF];
	_ =	sdelay $0x3  }
0x36: {  	p1 =	seq.s32 s10, $0x1;
	s10 =	sld [smem:$0x3FB0];
	_ =	sdelay $0x3  }
0x37: {  	[smem:$0x3FB0] =	sst s10  }
0x38: {  	s10 =	sld [smem:$0x3FB1]  }
0x39: {  	_ = 	snop;
	(pc) =	sbr.ind lr, $3  }
0x3a: {  	_ = 	snop  }
0x3b: {  	_ = 	snop  }
0x3c: {  	p2 =	seq.s32 s10, $0x1;
	s10 =	sld [smem:$0x3FB0]  }
0x3d: {  	_ =	shalt  }
0x3e: {  	_ =	shalt  }
0x3f: {  	_ =	shalt  }
0x40: {  	_ =	shalt  }
0x41: {  	_ =	shalt  }
0x42: {  	_ =	shalt  }
0x43: {  	_ =	shalt  }
0x44: {  	_ =	shalt  }
0x45: {  	_ =	shalt  }
0x46: {  	_ =	shalt  }
0x47: {  	_ =	shalt  }
0x48: {  	_ =	shalt  }
0x49: {  	_ =	shalt  }
0x4a: {  	_ =	shalt  }
0x4b: {  	_ =	shalt  }
0x4c: {  	_ =	shalt  }
0x4d: {  	_ =	shalt  }
0x4e: {  	_ =	shalt  }
0x4f: {  	_ =	shalt  }
0x50: {  	_ =	shalt  }
0x51: {  	_ =	shalt  }
0x52: {  	_ =	shalt  }
0x53: {  	_ =	shalt  }
0x54: {  	_ =	shalt  }
0x55: {  	_ =	shalt  }
0x56: {  	_ =	shalt  }
0x57: {  	_ =	shalt  }
0x58: {  	_ =	shalt  }
0x59: {  	_ =	shalt  }
0x5a: {  	_ =	shalt  }
0x5b: {  	_ =	shalt  }
0x5c: {  	_ =	shalt  }
0x5d: {  	_ =	shalt  }
0x5e: {  	_ =	shalt  }
0x5f: {  	_ =	shalt  }
0x60: {  	_ =	shalt  }
0x61: {  	_ =	shalt  }
0x62: {  	_ =	shalt  }
0x63: {  	_ =	shalt  }
0x64: {  	_ =	shalt  }
0x65: {  	_ =	shalt  }
0x66: {  	_ =	shalt  }
0x67: {  	_ =	shalt  }
0x68: {  	_ =	shalt  }
0x69: {  	_ =	shalt  }
0x6a: {  	_ =	shalt  }
0x6b: {  	_ =	shalt  }
0x6c: {  	_ =	shalt  }
0x6d: {  	_ =	shalt  }
0x6e: {  	_ =	shalt  }
0x6f: {  	_ =	shalt  }
0x70: {  	_ =	shalt  }
0x71: {  	_ =	shalt  }
0x72: {  	_ =	shalt  }
0x73: {  	_ =	shalt  }
0x74: {  	_ =	shalt  }
0x75: {  	_ =	shalt  }
0x76: {  	_ =	shalt  }
0x77: {  	_ =	shalt  }
0x78: {  	_ =	shalt  }
0x79: {  	_ =	shalt  }
0x7a: {  	_ =	shalt  }
0x7b: {  	_ =	shalt  }
0x7c: {  	_ =	shalt  }
0x7d: {  	_ =	shalt  }
0x7e: {  	_ =	shalt  }
0x7f: {  	_ =	shalt  }
0x80: {  	_ =	shalt  }
0x81: {  	_ =	shalt  }
0x82: {  	_ =	shalt  }
0x83: {  	_ =	shalt  }
0x84: {  	_ =	shalt  }
0x85: {  	_ =	shalt  }
0x86: {  	_ =	shalt  }
0x87: {  	_ =	shalt  }
.Lfunc_end0:
.L_simem_size_0:
called_computation_lowered:
.L_overlay_start_0:
0x88: {  	s2 =	sld [smem:$0x3FD9]  }
0x89: {  	s3 =	sld [smem:$0x3FFE];
	_ =	sdelay $0x1  }
0x8a: {  	s1 =	srdreg.scid  }
0x8b: {  	s0 =	sand.u32 $0x1, s1  }
0x8c: {  	s16 =	sshll.u32 s0, $0xA;
	s2 =	sadd.s32 s3, s2  }
0x8d: {  	s2 =	sadd.s32 s2, s16  }
0x8e: {  	[smem:$0x3FBC] =	sst s2  }
0x8f: {  	_ = 	snop  }
0x90: {  	(tm) =	ssettm $0x1  }
0x91: {  	s17 =	sld [smem:$0x3FFB];
	_ =	sdelay $0x3  }
0x92: {  	_ =	strace s17  }
0x93: {  	s2 =	sld [smem:$0x3FFC];
	_ =	sdelay $0x3  }
0x94: {  	_ =	strace s2  }
0x95: {  	s2 =	sld [smem:$0x3FFD];
	_ =	sdelay $0x3  }
0x96: {  	_ =	strace s2  }
0x97: {  	_ =	strace $0x8FFFFFFF  }
0x98: {  	s18 =	sld [smem:$0x3FDB];
	_ =	sdelay $0x1  }
0x99: {  	s19 =	simm.s32 $_scs_section_size  }
0x9a: {  	s4 =	simm.s32 $_size__tile_overlayer_lowered;
	s5 =	simm.s32 $_tile_overlayer_lowered  }
0x9b: {  	s22 =	simm.s32 $0x1BFF;
	s21 =	sshll.u32 s5, $0x1;
	s2 =	sadd.s32 s19, s18  }
0x9c: {  	s6 =	simm.s32 $0x0;
	s20 =	sshll.u32 s4, $0x1;
	s4 =	sadd.s32 s21, s2  }
0x9d: {  	[timem:s6], [sflag:s22] =	dma.local [hbm:s4], s20  }
0x9e: {  	_ =	swait.ge [sflag:s22], s20  }
0x9f: {  	s3 =	ssub.s32 $0x0, s20;
	[sflag:s22] =	ssyncset.done $0x0  }
0xa0: {  	[sflag:s22] =	ssyncadd.s32 s3;
	_ =	sdelay $0x1  }
0xa1: {  	s23 =	simm.s32 $0x1B8B  }
0xa2: {  	_ =	swait.ge [sflag:s23], $0x1  }
0xa3: {  	[sflag:s23] =	ssyncset.done $0x0  }
0xa4: {  	s25 =	simm.s32 $0x1B8E;
	s24 =	sld [smem:$0x3FFE];
	[sflag:s23] =	ssyncadd.s32 $0xFFFFFFFF  }
0xa5: {  	s26 =	simm.s32 $execute0_lowered;
	[smem:$0x3FD2] =	sst s25  }
0xa6: {  	s4 =	sshll.u32 s26, $0x1;
	_ =	strace $0x80000046;
	[dreg:$0x1] =	wrdreg $0xFFFFFFFF  }
0xa7: {  	s28 =	simm.s32 $_size_execute0_lowered;
	s2 =	sadd.s32 s2, s4;
	[dreg:$0x0] =	wrdreg $0x0  }
0xa8: {  	s4 =	sshll.u32 s28, $0x1;
	[dreg:$0x2] =	wrdreg s2  }
0xa9: {  	[dreg:$0x3] =	wrdreg s4  }
0xaa: {  	[dreg:$0x4] =	wrdreg $0xC0  }
0xab: {  	_ =	task [dreg:s6], $0x5FFFF  }
0xac: {  	[dreg:$0x1] =	wrdreg $0xFFFFFFFF  }
0xad: {  	[dreg:$0x0] =	wrdreg $0x60  }
0xae: {  	[dreg:$0x2] =	wrdreg s24  }
0xaf: {  	[dreg:$0x3] =	wrdreg $0x54000  }
0xb0: {  	[dreg:$0x4] =	wrdreg $0x9  }
0xb1: {  	_ =	task.clear_ibuf [dreg:s6], $0x5FFFF;
	_ =	strace $0x90000046  }
0xb2: {  	s29 =	simm.s32 $0x9;
	_ =	strace $0x80000048  }
0xb3: {  	_ =	swait.ge [sflag:s29], $0x1  }
0xb4: {  	[sflag:s29] =	ssyncadd.s32 $0xFFFFFFFF  }
0xb5: {  	_ =	strace $0x90000048  }
0xb6: {  	_ =	sfence  }
0xb7: {  	s30 =	sld [smem:$0x0];
	_ =	sdelay $0x2  }
0xb8: {  	s31 =	sshll.u32 s1, $0xD;
	s1 =	sshrl.u32 s1, $0x2  }
0xb9: {  	s3 =	sand.u32 $0x4000, s31;
	s1 =	sadd.s32 s1, s30  }
0xba: {  	s0 =	sor.u32 s3, s0;
	s1 =	sshll.u32 s1, $0x11  }
0xbb: {  	s0 =	sor.u32 s1, s0  }
0xbc: {  	s0 =	sadd.s32 $0x8F2B, s0  }
0xbd: {  	[sflag:s0] =	ssyncadd.remote.s32 $0x1  }
0xbe: {  	_ =	sfence.sel $0xFFFF  }
0xbf: {  	[dreg:$0x0] =	wrdreg $0xFFFFFFFF;
	(pc) =	sbr.abs _section_cstart, $3  }
0xc0: {  	[dreg:$0x1] =	wrdreg $0xFFFFFFFF  }
0xc1: {  	_ =	task.clear_ibuf [dreg:s6], $0x2FFFF;
	_ =	strace $0x9FFFFFFF  }
0xc2: {  	(tm) =	ssettm $0x7FFFFFFF  }
0xc3: {  	_ =	shalt  }
tec
execute0_lowered:
.L_overlay_start_1:
0x0: {  	(tag) =	ssettag $0x1  }
0x1: {  	s5 =	rddreg [dreg:$0x0]  }
0x2: {  	s0 =	srdreg.scid;
	s2 =	rddreg [dreg:$0x1];
	s3 =	simm.s32 $0x0  }
0x3: {  	s13 =	simm.s32 $0x1400;
	s14 =	simm.s32 $0x2;
	s4 =	sand.u32 $0x1, s0  }
0x4: {  	s15 =	simm.s32 $0x80;
	s0 =	stileid.u32;
	s7 =	smul.u32 $0x140000, s4  }
0x5: {  	s16 =	simm.s32 $0x1;
	s18 =	simm.s32 $0x0;
	s8 =	smul.u32 $0x14000, s0  }
0x6: {  	[smem:$0x7FF] =	sst s3;
	s1 =	sshll.u32 s4, $0x4;
	s9 =	smul.u32 $0x50000, s0  }
0x7: {  	s4 =	ssub.s32 $0x2, s4;
	s17 =	sshll.u32 s0, $0x6;
	s1 =	sor.u32 s0, s1  }
0x8: {  	s30 =	sshrl.u32 s4, $0x1;
	s17 =	sor.u32 $0x1C02, s17;
	s6 =	smul.u32 $0x2800, s1  }
0x9: {  	s1 =	rddreg [dreg:$0x2];
	_ =	strace $0x80000047;
	s31 =	sshrl.u32 s9, $0x2  }
0xa: {  	s29 =	sadd.s32 s8, s7;
	s12 =	ssub.s32 s4, s30;
	s4 =	sadd.s32 s31, s2  }
0xb: {  	s12 =	smax.u32 s12, $0x1;
	s6 =	sshrl.u32 s6, $0x3;
	s7 =	sadd.s32 $0xC000, s4  }
0xc: {  	s8 =	sadd.s32 $0x10000, s4;
	s10 =	sadd.s32 s6, s5;
	s6 =	sshrl.u32 s29, $0x3  }
0xd: {  	s11 =	sadd.s32 s6, s5;
	s5 =	sadd.s32 $0x4000, s4;
	s6 =	sadd.s32 $0x8000, s4  }
0xe: {  	v0 =	vimm.f32 $0.0e+00;
	v1 =	vimm.f32 $1.000000000e+00;
	s9 =	sadd.s32 $0xD600, s10;
	s10 =	sadd.s32 $0xD880, s10;
	s11 =	sadd.s32 $0x17600, s11  }
.LBB2_1:
0xf: {  	s19 =	simm.s32 $0x0;
	s20 =	simm.s32 $0x200  }
.LBB2_2:
0x10: {  	p0 =	sne.s32 s20, $0xFE00;
	[tilespmem:s19+$0x1470] =	vst v0  }
0x11: {  	[tilespmem:s19+$0x1400] =	vst v0  }
0x12: {  	[tilespmem:s19+$0x1410] =	vst v0  }
.Ltmp0:
0x13: {  	[tilespmem:s19+$0x1420] =	vst v0;
	(pc) =	sbr.rel @p0 .LBB2_2-.Ltmp0, $4  }
0x14: {  	[tilespmem:s19+$0x1430] =	vst v0  }
0x15: {  	[tilespmem:s19+$0x1440] =	vst v0  }
0x16: {  	[tilespmem:s19+$0x1450] =	vst v0  }
0x17: {  	[tilespmem:s19+$0x1460] =	vst v0;
	s19 =	sshra.s32 s20, $0x2;
	s20 =	sadd.s32 $0x200, s20  }
0x18: {  	[tilespmem:s19+$0x1470] =	vst v0  }
0x19: {  	[tilespmem:s19+$0x1400] =	vst v0  }
0x1a: {  	[tilespmem:s19+$0x1410] =	vst v0  }
0x1b: {  	[tilespmem:s19+$0x1420] =	vst v0  }
0x1c: {  	[tilespmem:s19+$0x1430] =	vst v0  }
0x1d: {  	[tilespmem:s19+$0x1440] =	vst v0  }
0x1e: {  	[tilespmem:s19+$0x1450] =	vst v0  }
0x1f: {  	[tilespmem:s19+$0x1460] =	vst v0  }
0x20: {  	[spmem:s4] =	stream.linear.scatter [tilespmem:s13], [sflag:$0x2], $0x4000, $0x38;
	[tilespmem:$0x19400] =	vst v63  }
0x21: {  	_ =	swait.ge [sflag:s14], $0x4000  }
0x22: {  	[sflag:s14] =	ssyncset.done $0x0  }
0x23: {  	[sflag:s14] =	ssyncadd.s32 $0xFFFFC000  }
0x24: {  	[spmem:s5] =	stream.linear.scatter [tilespmem:s13], [sflag:$0x2], $0x4000, $0x38;
	[tilespmem:$0x19400] =	vst v63  }
0x25: {  	_ =	swait.ge [sflag:s14], $0x4000  }
0x26: {  	[sflag:s14] =	ssyncset.done $0x0  }
0x27: {  	[sflag:s14] =	ssyncadd.s32 $0xFFFFC000  }
0x28: {  	[spmem:s6] =	stream.linear.scatter [tilespmem:s13], [sflag:$0x2], $0x4000, $0x38;
	[tilespmem:$0x19400] =	vst v63  }
0x29: {  	_ =	swait.ge [sflag:s14], $0x4000  }
0x2a: {  	[sflag:s14] =	ssyncset.done $0x0  }
0x2b: {  	[sflag:s14] =	ssyncadd.s32 $0xFFFFC000  }
0x2c: {  	[spmem:s7] =	stream.linear.scatter [tilespmem:s13], [sflag:$0x2], $0x4000, $0x38;
	[tilespmem:$0x19400] =	vst v63  }
0x2d: {  	_ =	swait.ge [sflag:s14], $0x4000  }
0x2e: {  	[sflag:s14] =	ssyncset.done $0x0  }
0x2f: {  	[sflag:s14] =	ssyncadd.s32 $0xFFFFC000  }
0x30: {  	[spmem:s8] =	stream.linear.scatter [tilespmem:s13], [sflag:$0x2], $0x4000, $0x38;
	[tilespmem:$0x19400] =	vst v63  }
0x31: {  	_ =	swait.ge [sflag:s14], $0x4000  }
0x32: {  	[sflag:s14] =	ssyncset.done $0x0  }
0x33: {  	s19 =	simm.s32 $0x0;
	s20 =	simm.s32 $0x200;
	[sflag:s14] =	ssyncadd.s32 $0xFFFFC000  }
.LBB2_4:
0x34: {  	p0 =	sne.s32 s20, $0xFE00;
	[tilespmem:s19+$0x1470] =	vst v1  }
0x35: {  	[tilespmem:s19+$0x1400] =	vst v1  }
0x36: {  	[tilespmem:s19+$0x1410] =	vst v1  }
.Ltmp1:
0x37: {  	[tilespmem:s19+$0x1420] =	vst v1;
	(pc) =	sbr.rel @p0 .LBB2_4-.Ltmp1, $4  }
0x38: {  	[tilespmem:s19+$0x1430] =	vst v1  }
0x39: {  	[tilespmem:s19+$0x1440] =	vst v1  }
0x3a: {  	[tilespmem:s19+$0x1450] =	vst v1  }
0x3b: {  	[tilespmem:s19+$0x1460] =	vst v1;
	s19 =	sshra.s32 s20, $0x2;
	s20 =	sadd.s32 $0x200, s20  }
0x3c: {  	[tilespmem:s19+$0x1470] =	vst v1  }
0x3d: {  	[tilespmem:s19+$0x1400] =	vst v1  }
0x3e: {  	[tilespmem:s19+$0x1410] =	vst v1  }
0x3f: {  	[tilespmem:s19+$0x1420] =	vst v1  }
0x40: {  	[tilespmem:s19+$0x1430] =	vst v1  }
0x41: {  	[tilespmem:s19+$0x1440] =	vst v1  }
0x42: {  	[tilespmem:s19+$0x1450] =	vst v1  }
0x43: {  	[tilespmem:s19+$0x1460] =	vst v1  }
0x44: {  	[bflag:$0x0] =	sbarrier.arrive $0xFFFF  }
0x45: {  	[tilespmem:s3], [sflag:$0x2] =	stream.linear.gather [hbm4b:s9+s3], $0x1400, $0x38;
	[tilespmem:$0x19400] =	vst v63  }
0x46: {  	_ =	swait.ge [sflag:s14], $0x1400  }
0x47: {  	[sflag:s14] =	ssyncset.done $0x0  }
0x48: {  	[sflag:s14] =	ssyncadd.s32 $0xFFFFEC00  }
0x49: {  	[spmem:s2] =	stream.indirect.scatter.add.f32 [tilespmem:s13], [sflag:$0x1], $0x80, s3, s15, $0xb8;
	[tilespmem:$0x19400] =	vst v63  }
0x4a: {  	_ = 	snop  }
0x4b: {  	[spmem:s2] =	stream.indirect.scatter.add.f32 [tilespmem:s13], [sflag:$0x1], $0x80, s15, s15, $0xb8;
	[tilespmem:$0x19400] =	vst v63  }
0x4c: {  	_ =	swait.ge [sflag:s16], $0x4000  }
0x4d: {  	[sflag:s16] =	ssyncset.done $0x0  }
0x4e: {  	s19 =	simm.s32 $0x600;
	s20 =	simm.s32 $0x100;
	[sflag:s16] =	ssyncadd.s32 $0xFFFFC000  }
.LBB2_6:
0x4f: {  	[spmem:s2] =	stream.indirect.scatter.add.f32 [tilespmem:s13], [sflag:$0x1], $0x80, s20, s15, $0xb8;
	[tilespmem:$0x19400] =	vst v63  }
0x50: {  	s20 =	smov.u32 s19;
	p0 =	sne.s32 s19, $0x4E00  }
.Ltmp2:
0x51: {  	s19 =	sadd.s32 $0x200, s19;
	(pc) =	sbr.rel @p0 .LBB2_6-.Ltmp2, $4  }
0x52: {  	_ = 	snop  }
0x53: {  	_ =	swait.ge [sflag:s16], $0x4000  }
0x54: {  	[sflag:s16] =	ssyncset.done $0x0  }
0x55: {  	s20 =	sshra.s32 s20, $0x2;
	[sflag:s16] =	ssyncadd.s32 $0xFFFFC000  }
0x56: {  	[spmem:s2] =	stream.indirect.scatter.add.f32 [tilespmem:s13], [sflag:$0x1], $0x80, s20, s15, $0xb8;
	[tilespmem:$0x19400] =	vst v63  }
0x57: {  	_ =	swait.ge [sflag:s16], $0x4000  }
0x58: {  	[sflag:s16] =	ssyncset.done $0x0  }
0x59: {  	[sflag:s16] =	ssyncadd.s32 $0xFFFFC000  }
0x5a: {  	_ =	swait.ge [sflag:s16], $0x4000  }
0x5b: {  	[sflag:s16] =	ssyncset.done $0x0  }
0x5c: {  	[sflag:s16] =	ssyncadd.s32 $0xFFFFC000  }
0x5d: {  	[tilespmem:s3], [sflag:$0x2] =	stream.linear.gather [hbm4b:s10+s3], $0x1400, $0x38;
	[tilespmem:$0x19400] =	vst v63  }
0x5e: {  	_ =	swait.ge [sflag:s14], $0x1400  }
0x5f: {  	[sflag:s14] =	ssyncset.done $0x0  }
0x60: {  	[sflag:s14] =	ssyncadd.s32 $0xFFFFEC00  }
0x61: {  	[spmem:s2] =	stream.indirect.scatter.add.f32 [tilespmem:s13], [sflag:$0x1], $0x80, s3, s15, $0xb8;
	[tilespmem:$0x19400] =	vst v63  }
0x62: {  	_ = 	snop  }
0x63: {  	[spmem:s2] =	stream.indirect.scatter.add.f32 [tilespmem:s13], [sflag:$0x1], $0x80, s15, s15, $0xb8;
	[tilespmem:$0x19400] =	vst v63  }
0x64: {  	_ =	swait.ge [sflag:s16], $0x4000  }
0x65: {  	[sflag:s16] =	ssyncset.done $0x0  }
0x66: {  	s19 =	simm.s32 $0x600;
	s20 =	simm.s32 $0x100;
	[sflag:s16] =	ssyncadd.s32 $0xFFFFC000  }
.LBB2_8:
0x67: {  	[spmem:s2] =	stream.indirect.scatter.add.f32 [tilespmem:s13], [sflag:$0x1], $0x80, s20, s15, $0xb8;
	[tilespmem:$0x19400] =	vst v63  }
0x68: {  	s20 =	smov.u32 s19;
	p0 =	sne.s32 s19, $0x4E00  }
.Ltmp3:
0x69: {  	s19 =	sadd.s32 $0x200, s19;
	(pc) =	sbr.rel @p0 .LBB2_8-.Ltmp3, $4  }
0x6a: {  	_ = 	snop  }
0x6b: {  	_ =	swait.ge [sflag:s16], $0x4000  }
0x6c: {  	[sflag:s16] =	ssyncset.done $0x0  }
0x6d: {  	s20 =	sshra.s32 s20, $0x2;
	[sflag:s16] =	ssyncadd.s32 $0xFFFFC000  }
0x6e: {  	[spmem:s2] =	stream.indirect.scatter.add.f32 [tilespmem:s13], [sflag:$0x1], $0x80, s20, s15, $0xb8;
	[tilespmem:$0x19400] =	vst v63  }
0x6f: {  	_ =	swait.ge [sflag:s16], $0x4000  }
0x70: {  	[sflag:s16] =	ssyncset.done $0x0  }
0x71: {  	[sflag:s16] =	ssyncadd.s32 $0xFFFFC000  }
0x72: {  	_ =	swait.ge [sflag:s16], $0x4000  }
0x73: {  	s18 =	sadd.s32 $0x1, s18;
	[sflag:s16] =	ssyncset.done $0x0  }
0x74: {  	p0 =	sne.s32 s18, s12;
	[sflag:s16] =	ssyncadd.s32 $0xFFFFC000  }
.Ltmp4:
0x75: {  	s19 =	sshrl.u32 s4, $0x3;
	[bflag:$0x0] =	sbarrier.arrive $0xFFFF;
	(pc) =	sbr.rel @p0 .LBB2_1-.Ltmp4, $4  }
0x76: {  	[hbm:s11], [sflag:s17] =	dma.local [spmem:s19], $0x2800  }
0x77: {  	_ =	swait.ge [sflag:s14], $0x2800  }
0x78: {  	[sflag:s14] =	ssyncset.done $0x0  }
0x79: {  	[sflag:s14] =	ssyncadd.s32 $0xFFFFD800  }
0x7a: {  	_ =	sfence.sel $0x180000  }
0x7b: {  	[bflag:$0x0] =	sbarrier.arrive $0xFFFF  }
0x7c: {  	p0 =	sne.s32 s0, $0x0;
	_ =	strace $0x90000047  }
0x7d: {  	s0 =	sadd.s32 @!p0 $0x100000, s1;
	[bflag:$0x2] =	sbarrier.arrive $0xFFFF  }
0x7e: {  	[sflag:s0] =	ssyncadd.tile.s32 @!p0 $0x1;
	_ =	shalt  }
.Lfunc_end2:
_tile_overlayer_lowered:
.L_overlay_start_2:
0x7f: {  	(tag) =	ssettag $0x2  }
0x80: {  	s0 =	rddreg [dreg:$0x0];
	s2 =	stileid.u32  }
0x81: {  	s1 =	rddreg [dreg:$0x1];
	p0 =	sne.s32 s2, $0x0  }
0x82: {  	s3 =	rddreg [dreg:$0x2];
	[bflag:$0x3] =	sbarrier.arrive $0xFFFF;
	s2 =	simm.s32 @!p0 $0x1C02  }
0x83: {  	[timem:s3], [sflag:s2] =	dma.local @!p0 [hbm:s0], s1  }
0x84: {  	s0 =	simm.s32 @!p0 $0x2  }
0x85: {  	_ =	swait.ge @!p0 [sflag:s0], s1  }
0x86: {  	s1 =	ssub.s32 @!p0 $0x0, s1;
	[sflag:s0] =	ssyncset.done @!p0 $0x0  }
0x87: {  	[sflag:s0] =	ssyncadd.s32 @!p0 s1  }
0x88: {  	[bflag:$0x3] =	sbarrier.arrive $0xFFFF  }
0x89: {  	_ =	shalt  }

</sc_bundles>
